<compile_context>
chip_gen: v7x
topology: tpu7x:2x2x1
jax: 0.10.2.dev20260603
libtpu: 0.0.44.dev20260713+nightly
codegen_flags: <defaults>
</compile_context>

<pallas_src>
import jax
import jax.numpy as jnp
from jax import lax
from jax.experimental import pallas as pl
from jax.experimental.pallas import tpu as pltpu
from jax.experimental.pallas import tpu_sc as plsc

N = 10000
E = 320000
D = 128
NC = 2
NS = 16
NW = NC * NS
N_P = NS * 640
RPS = N_P // NS
K = 128
NCH = 80
EPW = NCH * K
E_P = NW * EPW
LANES = 16
BLK = 1024
GRID = N_P // BLK


def _sc_mesh():
    return plsc.VectorSubcoreMesh(
        core_axis_name="c", subcore_axis_name="s", num_cores=NC, num_subcores=NS
    )


def _deg_body(src_hbm, dst_hbm, out_hbm, sidx, didx, ones, zb, ho, hi, sem0, sem1):
    c = lax.axis_index("c")
    s = lax.axis_index("s")
    w = c * NS + s
    pltpu.sync_copy(src_hbm.at[w], sidx)
    pltpu.sync_copy(dst_hbm.at[w], didx)
    zero = jnp.zeros((LANES,), jnp.float32)
    one = jnp.ones((LANES,), jnp.float32)
    for j in range(K // LANES):
        ones[pl.ds(j * LANES, LANES)] = one

    def zfill(i, _):
        zb[pl.ds(i * LANES, LANES)] = zero
        return ()

    lax.fori_loop(0, RPS // LANES, zfill, ())
    pltpu.sync_copy(zb, ho.at[pl.ds(s * RPS, RPS)])
    pltpu.sync_copy(zb, hi.at[pl.ds(s * RPS, RPS)])
    plsc.subcore_barrier()

    def fire(i, _):
        pltpu.async_copy(ones, ho.at[sidx.at[i]], sem0, add=True)
        pltpu.async_copy(ones, hi.at[didx.at[i]], sem1, add=True)
        return ()

    lax.fori_loop(0, NCH, fire, ())

    def drain(i, _):
        pltpu.make_async_copy(ones, ho.at[sidx.at[i]], sem0).wait()
        pltpu.make_async_copy(ones, hi.at[didx.at[i]], sem1).wait()
        return ()

    lax.fori_loop(0, NCH, drain, ())
    plsc.subcore_barrier()
    pltpu.sync_copy(ho.at[pl.ds(s * RPS, RPS)], out_hbm.at[c, 0, pl.ds(s * RPS, RPS)])
    pltpu.sync_copy(hi.at[pl.ds(s * RPS, RPS)], out_hbm.at[c, 1, pl.ds(s * RPS, RPS)])


def _deg(src3, dst3):
    fn = pl.kernel(
        _deg_body,
        out_type=jax.ShapeDtypeStruct((NC, 2, N_P), jnp.float32),
        mesh=_sc_mesh(),
        scratch_types=[
            pltpu.VMEM((NCH, K), jnp.int32),
            pltpu.VMEM((NCH, K), jnp.int32),
            pltpu.VMEM((K,), jnp.float32),
            pltpu.VMEM((RPS,), jnp.float32),
            pltpu.VMEM_SHARED((N_P,), jnp.float32),
            pltpu.VMEM_SHARED((N_P,), jnp.float32),
            pltpu.SemaphoreType.DMA,
            pltpu.SemaphoreType.DMA,
        ],
    )
    return fn(src3, dst3)


def _spmm(src3, dst3, h):
    def body(
        src_hbm, dst_hbm, h_hbm, out_hbm,
        sidx0, sidx1, didx0, didx1, rows0, rows1, acc,
        semg0, semg1, semi0, semi1,
    ):
        c = lax.axis_index("c")
        s = lax.axis_index("s")
        w = c * NS + s
        pltpu.sync_copy(src_hbm.at[w, 0], sidx0)
        pltpu.sync_copy(dst_hbm.at[w, 0], didx0)
        pltpu.async_copy(h_hbm.at[sidx0], rows1, semg0)
        pltpu.async_copy(src_hbm.at[w, 1], sidx1, semi1)
        pltpu.async_copy(dst_hbm.at[w, 1], didx1, semi1)

        zero = jnp.zeros((LANES,), jnp.float32)

        def zfill(i, _):
            for j in range(D // LANES):
                rows0[i, pl.ds(j * LANES, LANES)] = zero
            return ()

        lax.fori_loop(0, K, zfill, ())
        for t in range(RPS // K):
            pltpu.sync_copy(rows0, acc.at[pl.ds(s * RPS + t * K, K)])
        plsc.subcore_barrier()

        def window(i, sb, db, rb, semg_b, semi_b, snb, dnb, rnb, semg_nb, semi_nb,
                   has_next, has_next2):
            if has_next is True:
                pltpu.make_async_copy(src_hbm.at[w, i + 1], snb, semi_nb).wait()
                pltpu.make_async_copy(dst_hbm.at[w, i + 1], dnb, semi_nb).wait()
                pltpu.make_async_copy(h_hbm.at[sb], rb, semg_b).wait()
                pltpu.async_copy(h_hbm.at[snb], rnb, semg_nb)
            else:
                @pl.when(has_next)
                def _():
                    pltpu.make_async_copy(src_hbm.at[w, i + 1], snb, semi_nb).wait()
                    pltpu.make_async_copy(dst_hbm.at[w, i + 1], dnb, semi_nb).wait()

                pltpu.make_async_copy(h_hbm.at[sb], rb, semg_b).wait()

                @pl.when(has_next)
                def _():
                    pltpu.async_copy(h_hbm.at[snb], rnb, semg_nb)

            @pl.when(has_next2)
            def _():
                pltpu.async_copy(src_hbm.at[w, i + 2], sb, semi_b)

            pltpu.sync_copy(rb, acc.at[db], add=True)

            @pl.when(has_next2)
            def _():
                pltpu.async_copy(dst_hbm.at[w, i + 2], db, semi_b)

        def dbl(it, _):
            i0 = 2 * it
            i1 = i0 + 1
            not_last = it < NCH // 2 - 1
            window(i0, sidx0, didx0, rows1, semg0, semi0,
                   sidx1, didx1, rows0, semg1, semi1, True, not_last)
            window(i1, sidx1, didx1, rows0, semg1, semi1,
                   sidx0, didx0, rows1, semg0, semi0, not_last, not_last)
            return ()

        lax.fori_loop(0, NCH // 2, dbl, ())
        plsc.subcore_barrier()
        pltpu.sync_copy(
            acc.at[pl.ds(s * RPS, RPS)], out_hbm.at[c, pl.ds(s * RPS, RPS)]
        )

    fn = pl.kernel(
        body,
        out_type=jax.ShapeDtypeStruct((NC, N_P, D), jnp.float32),
        mesh=_sc_mesh(),
        scratch_types=[
            pltpu.VMEM((K,), jnp.int32),
            pltpu.VMEM((K,), jnp.int32),
            pltpu.VMEM((K,), jnp.int32),
            pltpu.VMEM((K,), jnp.int32),
            pltpu.VMEM((K, D), jnp.float32),
            pltpu.VMEM((K, D), jnp.float32),
            pltpu.VMEM_SHARED((N_P, D), jnp.float32),
            pltpu.SemaphoreType.DMA,
            pltpu.SemaphoreType.DMA,
            pltpu.SemaphoreType.DMA,
            pltpu.SemaphoreType.DMA,
        ],
    )
    return fn(src3, dst3, h)


def _prep_body(degp_ref, x_ref, hs_ref, ns_ref, nd_ref):
    dp = degp_ref[...]
    deg_out = dp[0, 0] + dp[1, 0]
    deg_in = dp[0, 1] + dp[1, 1]
    ns = jnp.where(deg_out > 0, lax.rsqrt(jnp.maximum(deg_out, 1e-12)), 0.0)
    nd = jnp.where(deg_in > 0, lax.rsqrt(jnp.maximum(deg_in, 1e-12)), 0.0)
    ns_ref[...] = ns[:, None]
    nd_ref[...] = nd[:, None]
    hs_ref[...] = x_ref[...] * ns[:, None]


def _prep(degp, xp):
    return pl.pallas_call(
        _prep_body,
        grid=(GRID,),
        in_specs=[
            pl.BlockSpec((NC, 2, BLK), lambda i: (0, 0, i)),
            pl.BlockSpec((BLK, D), lambda i: (i, 0)),
        ],
        out_specs=[
            pl.BlockSpec((BLK, D), lambda i: (i, 0)),
            pl.BlockSpec((BLK, 1), lambda i: (i, 0)),
            pl.BlockSpec((BLK, 1), lambda i: (i, 0)),
        ],
        out_shape=[
            jax.ShapeDtypeStruct((N_P, D), jnp.float32),
            jax.ShapeDtypeStruct((N_P, 1), jnp.float32),
            jax.ShapeDtypeStruct((N_P, 1), jnp.float32),
        ],
    )(degp, xp)


def _layer_body(ap_ref, nd_ref, ns_ref, w_ref, b_ref, h_ref, hs_ref):
    p = (ap_ref[0] + ap_ref[1]) * nd_ref[...]
    z = jnp.dot(p, w_ref[...], preferred_element_type=jnp.float32) + b_ref[...]
    h = jnp.maximum(z, 0.0)
    h_ref[...] = h
    hs_ref[...] = h * ns_ref[...]


def _layer_s_body(ap_ref, nd_ref, ns_ref, w_ref, b_ref, hs_ref):
    p = (ap_ref[0] + ap_ref[1]) * nd_ref[...]
    z = jnp.dot(p, w_ref[...], preferred_element_type=jnp.float32) + b_ref[...]
    hs_ref[...] = jnp.maximum(z, 0.0) * ns_ref[...]


def _layer(ap, nd, ns, w, b, scaled_only=False):
    in_specs = [
        pl.BlockSpec((NC, BLK, D), lambda i: (0, i, 0)),
        pl.BlockSpec((BLK, 1), lambda i: (i, 0)),
        pl.BlockSpec((BLK, 1), lambda i: (i, 0)),
        pl.BlockSpec((D, D), lambda i: (0, 0)),
        pl.BlockSpec((1, D), lambda i: (0, 0)),
    ]
    out_spec = pl.BlockSpec((BLK, D), lambda i: (i, 0))
    out_shape = jax.ShapeDtypeStruct((N_P, D), jnp.float32)
    if scaled_only:
        return pl.pallas_call(
            _layer_s_body,
            grid=(GRID,),
            in_specs=in_specs,
            out_specs=[out_spec],
            out_shape=[out_shape],
        )(ap, nd, ns, w, b)[0]
    return pl.pallas_call(
        _layer_body,
        grid=(GRID,),
        in_specs=in_specs,
        out_specs=[out_spec, out_spec],
        out_shape=[out_shape, out_shape],
    )(ap, nd, ns, w, b)


def _final_body(ap_ref, nd_ref, w2_ref, b2_ref, w3_ref, b3_ref, h3_ref, h4_ref):
    p = (ap_ref[0] + ap_ref[1]) * nd_ref[...]
    z3 = jnp.dot(p, w2_ref[...], preferred_element_type=jnp.float32) + b2_ref[...]
    h3_ref[...] = jnp.maximum(z3, 0.0)
    h4_ref[...] = (
        jnp.dot(p, w3_ref[...], preferred_element_type=jnp.float32) + b3_ref[...]
    )


def _final(ap, nd, w2, b2, w3, b3):
    blk = 400
    return pl.pallas_call(
        _final_body,
        grid=(N // blk,),
        in_specs=[
            pl.BlockSpec((NC, blk, D), lambda i: (0, i, 0)),
            pl.BlockSpec((blk, 1), lambda i: (i, 0)),
            pl.BlockSpec((D, D), lambda i: (0, 0)),
            pl.BlockSpec((1, D), lambda i: (0, 0)),
            pl.BlockSpec((D, D), lambda i: (0, 0)),
            pl.BlockSpec((1, D), lambda i: (0, 0)),
        ],
        out_specs=[
            pl.BlockSpec((blk, D), lambda i: (i, 0)),
            pl.BlockSpec((blk, D), lambda i: (i, 0)),
        ],
        out_shape=[
            jax.ShapeDtypeStruct((N, D), jnp.float32),
            jax.ShapeDtypeStruct((N, D), jnp.float32),
        ],
    )(ap, nd, w2, b2, w3, b3)


def kernel(edge_index, x, W1, b1, W2, b2, W3, b3):
    src = edge_index[0]
    dst = edge_index[1]
    pad_idx = (N + (jnp.arange(E_P - E, dtype=jnp.int32) % (N_P - N))).astype(
        jnp.int32
    )
    src3 = jnp.concatenate([src, pad_idx]).reshape(NW, NCH, K)
    dst3 = jnp.concatenate([dst, pad_idx]).reshape(NW, NCH, K)
    xp = jnp.pad(x, ((0, N_P - N), (0, 0)))
    b1r = b1.reshape(1, D)
    b2r = b2.reshape(1, D)
    b3r = b3.reshape(1, D)

    degp = _deg(src3, dst3)
    hs0, ns, nd = _prep(degp, xp)
    a1 = _spmm(src3, dst3, hs0)
    h1s = _layer(a1, nd, ns, W1, b1r, scaled_only=True)
    a2 = _spmm(src3, dst3, h1s)
    h2, h2s = _layer(a2, nd, ns, W2, b2r)
    a3 = _spmm(src3, dst3, h2s)
    h3, h4 = _final(a3, nd, W2, b2r, W3, b3r)
    return (h4, h3, h2[:N])

# --- scband reference (transcript-rebuilt; emitter-appended) ---
"""Pipeline reference for scband-slp-gcn-4node-64862596104506 (READ-ONLY COPY).

The authoritative reference and input builder live on the scoring server;
editing this copy changes nothing except your own understanding.
"""

import jax, jax.numpy as jnp
import numpy as np

N = 10000
E = 320000
D = 128

def setup_inputs(seed: int = 0) -> dict:
    key = jax.random.key(seed)
    ks = jax.random.split(key, 8)
    edge_index = jax.random.randint(ks[0], (2, E), 0, N, dtype=jnp.int32)
    x = jax.random.normal(ks[1], (N, D), dtype=jnp.float32)
    s = 1.0 / np.sqrt(D)
    W1 = jax.random.normal(ks[2], (D, D), dtype=jnp.float32) * s
    b1 = jnp.zeros((D,), dtype=jnp.float32)
    W2 = jax.random.normal(ks[3], (D, D), dtype=jnp.float32) * s
    b2 = jnp.zeros((D,), dtype=jnp.float32)
    W3 = jax.random.normal(ks[4], (D, D), dtype=jnp.float32) * s
    b3 = jnp.zeros((D,), dtype=jnp.float32)
    return {"edge_index": edge_index, "x": x, "W1": W1, "b1": b1, "W2": W2, "b2": b2, "W3": W3, "b3": b3}


def _graph_conv(x, src, dst, W, b):
    # DGL GraphConv with norm='both': D_out^{-1/2} A D_in^{-1/2} X W + b
    ones = jnp.ones((src.shape[0],), dtype=x.dtype)
    deg_out = jax.ops.segment_sum(ones, src, num_segments=N)
    deg_in = jax.ops.segment_sum(ones, dst, num_segments=N)
    norm_src = jnp.where(deg_out > 0, jax.lax.rsqrt(jnp.maximum(deg_out, 1e-12)), 0.0)
    norm_dst = jnp.where(deg_in > 0, jax.lax.rsqrt(jnp.maximum(deg_in, 1e-12)), 0.0)
    h = x * norm_src[:, None]
    msgs = jnp.take(h, src, axis=0)            # gather over edges
    agg = jax.ops.segment_sum(msgs, dst, num_segments=N)  # scatter-add
    h = agg * norm_dst[:, None]
    return h @ W + b


def reference(edge_index, x, W1, b1, W2, b2, W3, b3):
    src = edge_index[0]
    dst = edge_index[1]
    h1 = jax.nn.relu(_graph_conv(x, src, dst, W1, b1))   # encoder
    h2 = jax.nn.relu(_graph_conv(h1, src, dst, W2, b2))  # gcn_layer (shared)
    h3 = jax.nn.relu(_graph_conv(h2, src, dst, W2, b2))  # gcn_layer (shared weights)
    h4 = _graph_conv(h2, src, dst, W3, b3)               # decoder
    return (h4, h3, h2)

if __name__ == "__main__":
    import jax
    _d = setup_inputs()
    print(jax.jit(kernel)(*tuple(_d.values())))

</pallas_src>

<mosaic_0001>
#map = affine_map<(d0, d1) -> (0, 0, 0)>
#map1 = affine_map<(d0, d1) -> (0, 0)>
module attributes {stable_mosaic.version = 14 : i64} {
  func.func @body(%arg0: i32, %arg1: i32, %arg2: memref<32x80x128xi32, #tpu.memory_space<hbm>>, %arg3: memref<32x80x128xi32, #tpu.memory_space<hbm>>, %arg4: memref<10240x128xf32, #tpu.memory_space<hbm>>, %arg5: memref<2x10240x128xf32, #tpu.memory_space<hbm>>, %arg6: memref<128xi32, #tpu.memory_space<vmem>>, %arg7: memref<128xi32, #tpu.memory_space<vmem>>, %arg8: memref<128xi32, #tpu.memory_space<vmem>>, %arg9: memref<128xi32, #tpu.memory_space<vmem>>, %arg10: memref<128x128xf32, #tpu.memory_space<vmem>>, %arg11: memref<128x128xf32, #tpu.memory_space<vmem>>, %arg12: memref<10240x128xf32, #tpu.memory_space<vmem_shared>>, %arg13: memref<!tpu.dma_semaphore, #tpu.memory_space<semaphore_mem>>, %arg14: memref<!tpu.dma_semaphore, #tpu.memory_space<semaphore_mem>>, %arg15: memref<!tpu.dma_semaphore, #tpu.memory_space<semaphore_mem>>, %arg16: memref<!tpu.dma_semaphore, #tpu.memory_space<semaphore_mem>>) attributes {dimension_semantics = [#tpu.dimension_semantics<core_parallel>, #tpu.dimension_semantics<subcore_parallel>], iteration_bounds = array<i64: 2, 16>, scalar_prefetch = 0 : i64, scratch_operands = 11 : i64, tpu.core_type = #tpu.core_type<sc_vector_subcore>, window_params = [{transform_indices = #map}, {transform_indices = #map}, {transform_indices = #map1}, {transform_indices = #map}]} {
    %mul3A = arith.constant 16 : i32
    %mul3A_0 = arith.muli %arg0, %mul3A : i32
    %add3A = arith.addi %mul3A_0, %arg1 : i32
    %run_scoped3A = arith.constant 0 : i32
    "tpu.region"() ({
      %run_scoped3A_53 = tpu.sem_alloc : memref<!tpu.dma_semaphore, #tpu.memory_space<semaphore_mem>>
      %dma_start3A_54 = arith.constant 0 : i32
      %dma_start3A_55 = tpu.memref_slice %arg2[%add3A, %run_scoped3A, %dma_start3A_54] : memref<32x80x128xi32, #tpu.memory_space<hbm>> -> memref<1x1x128xi32, #tpu.memory_space<hbm>>
      %dma_start3A_56 = tpu.memref_squeeze %dma_start3A_55 : memref<1x1x128xi32, #tpu.memory_space<hbm>> -> memref<128xi32, #tpu.memory_space<hbm>>
      %dma_start3A_57 = arith.constant 0 : i32
      %dma_start3A_58 = tpu.memref_slice %arg2[%add3A, %run_scoped3A, %dma_start3A_57] : memref<32x80x128xi32, #tpu.memory_space<hbm>> -> memref<1x1x128xi32, #tpu.memory_space<hbm>>
      %dma_start3A_59 = tpu.memref_squeeze %dma_start3A_58 : memref<1x1x128xi32, #tpu.memory_space<hbm>> -> memref<128xi32, #tpu.memory_space<hbm>>
      tpu.enqueue_dma source(%dma_start3A_59 : memref<128xi32, #tpu.memory_space<hbm>>) target(%arg6 : memref<128xi32, #tpu.memory_space<vmem>>) target_semaphore(%run_scoped3A_53 : memref<!tpu.dma_semaphore, #tpu.memory_space<semaphore_mem>>)
      %dma_wait3A = arith.constant 0 : i32
      %dma_wait3A_60 = tpu.memref_slice %arg2[%add3A, %run_scoped3A, %dma_wait3A] : memref<32x80x128xi32, #tpu.memory_space<hbm>> -> memref<1x1x128xi32, #tpu.memory_space<hbm>>
      %dma_wait3A_61 = tpu.memref_squeeze %dma_wait3A_60 : memref<1x1x128xi32, #tpu.memory_space<hbm>> -> memref<128xi32, #tpu.memory_space<hbm>>
      %dma_wait3A_62 = arith.constant 0 : i32
      %dma_wait3A_63 = tpu.memref_slice %arg2[%add3A, %run_scoped3A, %dma_wait3A_62] : memref<32x80x128xi32, #tpu.memory_space<hbm>> -> memref<1x1x128xi32, #tpu.memory_space<hbm>>
      %dma_wait3A_64 = tpu.memref_squeeze %dma_wait3A_63 : memref<1x1x128xi32, #tpu.memory_space<hbm>> -> memref<128xi32, #tpu.memory_space<hbm>>
      tpu.wait_dma2 semaphore(%run_scoped3A_53 : memref<!tpu.dma_semaphore, #tpu.memory_space<semaphore_mem>>) src(%dma_wait3A_64 : memref<128xi32, #tpu.memory_space<hbm>>) dst(%arg6 : memref<128xi32, #tpu.memory_space<vmem>>)
      tpu.yield
    }) : () -> ()
    %run_scoped3A_1 = arith.constant 0 : i32
    "tpu.region"() ({
      %run_scoped3A_53 = tpu.sem_alloc : memref<!tpu.dma_semaphore, #tpu.memory_space<semaphore_mem>>
      %dma_start3A_54 = arith.constant 0 : i32
      %dma_start3A_55 = tpu.memref_slice %arg3[%add3A, %run_scoped3A_1, %dma_start3A_54] : memref<32x80x128xi32, #tpu.memory_space<hbm>> -> memref<1x1x128xi32, #tpu.memory_space<hbm>>
      %dma_start3A_56 = tpu.memref_squeeze %dma_start3A_55 : memref<1x1x128xi32, #tpu.memory_space<hbm>> -> memref<128xi32, #tpu.memory_space<hbm>>
      %dma_start3A_57 = arith.constant 0 : i32
      %dma_start3A_58 = tpu.memref_slice %arg3[%add3A, %run_scoped3A_1, %dma_start3A_57] : memref<32x80x128xi32, #tpu.memory_space<hbm>> -> memref<1x1x128xi32, #tpu.memory_space<hbm>>
      %dma_start3A_59 = tpu.memref_squeeze %dma_start3A_58 : memref<1x1x128xi32, #tpu.memory_space<hbm>> -> memref<128xi32, #tpu.memory_space<hbm>>
      tpu.enqueue_dma source(%dma_start3A_59 : memref<128xi32, #tpu.memory_space<hbm>>) target(%arg8 : memref<128xi32, #tpu.memory_space<vmem>>) target_semaphore(%run_scoped3A_53 : memref<!tpu.dma_semaphore, #tpu.memory_space<semaphore_mem>>)
      %dma_wait3A = arith.constant 0 : i32
      %dma_wait3A_60 = tpu.memref_slice %arg3[%add3A, %run_scoped3A_1, %dma_wait3A] : memref<32x80x128xi32, #tpu.memory_space<hbm>> -> memref<1x1x128xi32, #tpu.memory_space<hbm>>
      %dma_wait3A_61 = tpu.memref_squeeze %dma_wait3A_60 : memref<1x1x128xi32, #tpu.memory_space<hbm>> -> memref<128xi32, #tpu.memory_space<hbm>>
      %dma_wait3A_62 = arith.constant 0 : i32
      %dma_wait3A_63 = tpu.memref_slice %arg3[%add3A, %run_scoped3A_1, %dma_wait3A_62] : memref<32x80x128xi32, #tpu.memory_space<hbm>> -> memref<1x1x128xi32, #tpu.memory_space<hbm>>
      %dma_wait3A_64 = tpu.memref_squeeze %dma_wait3A_63 : memref<1x1x128xi32, #tpu.memory_space<hbm>> -> memref<128xi32, #tpu.memory_space<hbm>>
      tpu.wait_dma2 semaphore(%run_scoped3A_53 : memref<!tpu.dma_semaphore, #tpu.memory_space<semaphore_mem>>) src(%dma_wait3A_64 : memref<128xi32, #tpu.memory_space<hbm>>) dst(%arg8 : memref<128xi32, #tpu.memory_space<vmem>>)
      tpu.yield
    }) : () -> ()
    %dma_start3A = arith.constant 0 : i32
    %dma_start3A_2 = arith.constant 0 : i32
    %dma_start3A_3 = tpu.memref_slice %arg4[%dma_start3A, %dma_start3A_2] : memref<10240x128xf32, #tpu.memory_space<hbm>> -> memref<10240x128xf32, #tpu.memory_space<hbm>>
    tpu.enqueue_indirect_dma source(%dma_start3A_3 : memref<10240x128xf32, #tpu.memory_space<hbm>>) target(%arg11 : memref<128x128xf32, #tpu.memory_space<vmem>>) offsets(%arg6 : memref<128xi32, #tpu.memory_space<vmem>>) semaphore(%arg13 : memref<!tpu.dma_semaphore, #tpu.memory_space<semaphore_mem>>)
    %dma_start3A_4 = arith.constant 1 : i32
    %dma_start3A_5 = arith.constant 0 : i32
    %dma_start3A_6 = tpu.memref_slice %arg2[%add3A, %dma_start3A_4, %dma_start3A_5] : memref<32x80x128xi32, #tpu.memory_space<hbm>> -> memref<1x1x128xi32, #tpu.memory_space<hbm>>
    %dma_start3A_7 = tpu.memref_squeeze %dma_start3A_6 : memref<1x1x128xi32, #tpu.memory_space<hbm>> -> memref<128xi32, #tpu.memory_space<hbm>>
    %dma_start3A_8 = arith.constant 0 : i32
    %dma_start3A_9 = tpu.memref_slice %arg2[%add3A, %dma_start3A_4, %dma_start3A_8] : memref<32x80x128xi32, #tpu.memory_space<hbm>> -> memref<1x1x128xi32, #tpu.memory_space<hbm>>
    %dma_start3A_10 = tpu.memref_squeeze %dma_start3A_9 : memref<1x1x128xi32, #tpu.memory_space<hbm>> -> memref<128xi32, #tpu.memory_space<hbm>>
    tpu.enqueue_dma source(%dma_start3A_10 : memref<128xi32, #tpu.memory_space<hbm>>) target(%arg7 : memref<128xi32, #tpu.memory_space<vmem>>) target_semaphore(%arg16 : memref<!tpu.dma_semaphore, #tpu.memory_space<semaphore_mem>>)
    %dma_start3A_11 = arith.constant 1 : i32
    %dma_start3A_12 = arith.constant 0 : i32
    %dma_start3A_13 = tpu.memref_slice %arg3[%add3A, %dma_start3A_11, %dma_start3A_12] : memref<32x80x128xi32, #tpu.memory_space<hbm>> -> memref<1x1x128xi32, #tpu.memory_space<hbm>>
    %dma_start3A_14 = tpu.memref_squeeze %dma_start3A_13 : memref<1x1x128xi32, #tpu.memory_space<hbm>> -> memref<128xi32, #tpu.memory_space<hbm>>
    %dma_start3A_15 = arith.constant 0 : i32
    %dma_start3A_16 = tpu.memref_slice %arg3[%add3A, %dma_start3A_11, %dma_start3A_15] : memref<32x80x128xi32, #tpu.memory_space<hbm>> -> memref<1x1x128xi32, #tpu.memory_space<hbm>>
    %dma_start3A_17 = tpu.memref_squeeze %dma_start3A_16 : memref<1x1x128xi32, #tpu.memory_space<hbm>> -> memref<128xi32, #tpu.memory_space<hbm>>
    tpu.enqueue_dma source(%dma_start3A_17 : memref<128xi32, #tpu.memory_space<hbm>>) target(%arg9 : memref<128xi32, #tpu.memory_space<vmem>>) target_semaphore(%arg16 : memref<!tpu.dma_semaphore, #tpu.memory_space<semaphore_mem>>)
    %broadcast_in_dim3A = arith.constant 0.000000e+00 : f32
    %broadcast_in_dim3A_18 = vector.broadcast %broadcast_in_dim3A : f32 to vector<16xf32>
    %scan3A = arith.constant 0 : i32
    %scan3A_19 = arith.constant 128 : i32
    %scan3A_20 = arith.addi %scan3A, %scan3A_19 : i32
    %scan3A_21 = arith.constant 1 : i32
    scf.for %scan3A_53 = %scan3A to %scan3A_20 step %scan3A_21  : i32 {
      %swap3A = arith.index_cast %scan3A_53 : i32 to index
      %swap3A_54 = arith.constant 0 : index
      %swap3A_55 = tpu.vector_load %arg10[%swap3A, %swap3A_54] {strides = array<i32>} : memref<128x128xf32, #tpu.memory_space<vmem>>, vector<1x16xf32>,
      %swap3A_56 = vector.shape_cast %swap3A_55 : vector<1x16xf32> to vector<16xf32>
      %swap3A_57 = vector.shape_cast %broadcast_in_dim3A_18 : vector<16xf32> to vector<1x16xf32>
      tpu.vector_store %arg10[%swap3A, %swap3A_54], %swap3A_57 {strides = array<i32>} : memref<128x128xf32, #tpu.memory_space<vmem>>, vector<1x16xf32>,
      %swap3A_58 = arith.index_cast %scan3A_53 : i32 to index
      %swap3A_59 = arith.constant 16 : index
      %swap3A_60 = tpu.vector_load %arg10[%swap3A_58, %swap3A_59] {strides = array<i32>} : memref<128x128xf32, #tpu.memory_space<vmem>>, vector<1x16xf32>,
      %swap3A_61 = vector.shape_cast %swap3A_60 : vector<1x16xf32> to vector<16xf32>
      %swap3A_62 = vector.shape_cast %broadcast_in_dim3A_18 : vector<16xf32> to vector<1x16xf32>
      tpu.vector_store %arg10[%swap3A_58, %swap3A_59], %swap3A_62 {strides = array<i32>} : memref<128x128xf32, #tpu.memory_space<vmem>>, vector<1x16xf32>,
      %swap3A_63 = arith.index_cast %scan3A_53 : i32 to index
      %swap3A_64 = arith.constant 32 : index
      %swap3A_65 = tpu.vector_load %arg10[%swap3A_63, %swap3A_64] {strides = array<i32>} : memref<128x128xf32, #tpu.memory_space<vmem>>, vector<1x16xf32>,
      %swap3A_66 = vector.shape_cast %swap3A_65 : vector<1x16xf32> to vector<16xf32>
      %swap3A_67 = vector.shape_cast %broadcast_in_dim3A_18 : vector<16xf32> to vector<1x16xf32>
      tpu.vector_store %arg10[%swap3A_63, %swap3A_64], %swap3A_67 {strides = array<i32>} : memref<128x128xf32, #tpu.memory_space<vmem>>, vector<1x16xf32>,
      %swap3A_68 = arith.index_cast %scan3A_53 : i32 to index
      %swap3A_69 = arith.constant 48 : index
      %swap3A_70 = tpu.vector_load %arg10[%swap3A_68, %swap3A_69] {strides = array<i32>} : memref<128x128xf32, #tpu.memory_space<vmem>>, vector<1x16xf32>,
      %swap3A_71 = vector.shape_cast %swap3A_70 : vector<1x16xf32> to vector<16xf32>
      %swap3A_72 = vector.shape_cast %broadcast_in_dim3A_18 : vector<16xf32> to vector<1x16xf32>
      tpu.vector_store %arg10[%swap3A_68, %swap3A_69], %swap3A_72 {strides = array<i32>} : memref<128x128xf32, #tpu.memory_space<vmem>>, vector<1x16xf32>,
      %swap3A_73 = arith.index_cast %scan3A_53 : i32 to index
      %swap3A_74 = arith.constant 64 : index
      %swap3A_75 = tpu.vector_load %arg10[%swap3A_73, %swap3A_74] {strides = array<i32>} : memref<128x128xf32, #tpu.memory_space<vmem>>, vector<1x16xf32>,
      %swap3A_76 = vector.shape_cast %swap3A_75 : vector<1x16xf32> to vector<16xf32>
      %swap3A_77 = vector.shape_cast %broadcast_in_dim3A_18 : vector<16xf32> to vector<1x16xf32>
      tpu.vector_store %arg10[%swap3A_73, %swap3A_74], %swap3A_77 {strides = array<i32>} : memref<128x128xf32, #tpu.memory_space<vmem>>, vector<1x16xf32>,
      %swap3A_78 = arith.index_cast %scan3A_53 : i32 to index
      %swap3A_79 = arith.constant 80 : index
      %swap3A_80 = tpu.vector_load %arg10[%swap3A_78, %swap3A_79] {strides = array<i32>} : memref<128x128xf32, #tpu.memory_space<vmem>>, vector<1x16xf32>,
      %swap3A_81 = vector.shape_cast %swap3A_80 : vector<1x16xf32> to vector<16xf32>
      %swap3A_82 = vector.shape_cast %broadcast_in_dim3A_18 : vector<16xf32> to vector<1x16xf32>
      tpu.vector_store %arg10[%swap3A_78, %swap3A_79], %swap3A_82 {strides = array<i32>} : memref<128x128xf32, #tpu.memory_space<vmem>>, vector<1x16xf32>,
      %swap3A_83 = arith.index_cast %scan3A_53 : i32 to index
      %swap3A_84 = arith.constant 96 : index
      %swap3A_85 = tpu.vector_load %arg10[%swap3A_83, %swap3A_84] {strides = array<i32>} : memref<128x128xf32, #tpu.memory_space<vmem>>, vector<1x16xf32>,
      %swap3A_86 = vector.shape_cast %swap3A_85 : vector<1x16xf32> to vector<16xf32>
      %swap3A_87 = vector.shape_cast %broadcast_in_dim3A_18 : vector<16xf32> to vector<1x16xf32>
      tpu.vector_store %arg10[%swap3A_83, %swap3A_84], %swap3A_87 {strides = array<i32>} : memref<128x128xf32, #tpu.memory_space<vmem>>, vector<1x16xf32>,
      %swap3A_88 = arith.index_cast %scan3A_53 : i32 to index
      %swap3A_89 = arith.constant 112 : index
      %swap3A_90 = tpu.vector_load %arg10[%swap3A_88, %swap3A_89] {strides = array<i32>} : memref<128x128xf32, #tpu.memory_space<vmem>>, vector<1x16xf32>,
      %swap3A_91 = vector.shape_cast %swap3A_90 : vector<1x16xf32> to vector<16xf32>
      %swap3A_92 = vector.shape_cast %broadcast_in_dim3A_18 : vector<16xf32> to vector<1x16xf32>
      tpu.vector_store %arg10[%swap3A_88, %swap3A_89], %swap3A_92 {strides = array<i32>} : memref<128x128xf32, #tpu.memory_space<vmem>>, vector<1x16xf32>,
    }
    %scan3A_22 = arith.constant 128 : i32
    %mul3A_23 = arith.constant 640 : i32
    %mul3A_24 = arith.muli %arg1, %mul3A_23 : i32
    %add3A_25 = arith.constant 0 : i32
    %add3A_26 = arith.addi %mul3A_24, %add3A_25 : i32
    "tpu.region"() ({
      %run_scoped3A_53 = tpu.sem_alloc : memref<!tpu.dma_semaphore, #tpu.memory_space<semaphore_mem>>
      %dma_start3A_54 = arith.constant 0 : i32
      %dma_start3A_55 = tpu.memref_slice %arg12[%add3A_26, %dma_start3A_54] : memref<10240x128xf32, #tpu.memory_space<vmem_shared>> -> memref<128x128xf32, #tpu.memory_space<vmem_shared>>
      %dma_start3A_56 = arith.constant 0 : i32
      %dma_start3A_57 = tpu.memref_slice %arg12[%add3A_26, %dma_start3A_56] : memref<10240x128xf32, #tpu.memory_space<vmem_shared>> -> memref<128x128xf32, #tpu.memory_space<vmem_shared>>
      tpu.enqueue_dma source(%arg10 : memref<128x128xf32, #tpu.memory_space<vmem>>) target(%dma_start3A_57 : memref<128x128xf32, #tpu.memory_space<vmem_shared>>) target_semaphore(%run_scoped3A_53 : memref<!tpu.dma_semaphore, #tpu.memory_space<semaphore_mem>>)
      %dma_wait3A = arith.constant 0 : i32
      %dma_wait3A_58 = tpu.memref_slice %arg12[%add3A_26, %dma_wait3A] : memref<10240x128xf32, #tpu.memory_space<vmem_shared>> -> memref<128x128xf32, #tpu.memory_space<vmem_shared>>
      %dma_wait3A_59 = arith.constant 0 : i32
      %dma_wait3A_60 = tpu.memref_slice %arg12[%add3A_26, %dma_wait3A_59] : memref<10240x128xf32, #tpu.memory_space<vmem_shared>> -> memref<128x128xf32, #tpu.memory_space<vmem_shared>>
      tpu.wait_dma2 semaphore(%run_scoped3A_53 : memref<!tpu.dma_semaphore, #tpu.memory_space<semaphore_mem>>) src(%arg10 : memref<128x128xf32, #tpu.memory_space<vmem>>) dst(%dma_wait3A_60 : memref<128x128xf32, #tpu.memory_space<vmem_shared>>)
      tpu.yield
    }) : () -> ()
    %mul3A_27 = arith.constant 640 : i32
    %mul3A_28 = arith.muli %arg1, %mul3A_27 : i32
    %add3A_29 = arith.constant 128 : i32
    %add3A_30 = arith.addi %mul3A_28, %add3A_29 : i32
    "tpu.region"() ({
      %run_scoped3A_53 = tpu.sem_alloc : memref<!tpu.dma_semaphore, #tpu.memory_space<semaphore_mem>>
      %dma_start3A_54 = arith.constant 0 : i32
      %dma_start3A_55 = tpu.memref_slice %arg12[%add3A_30, %dma_start3A_54] : memref<10240x128xf32, #tpu.memory_space<vmem_shared>> -> memref<128x128xf32, #tpu.memory_space<vmem_shared>>
      %dma_start3A_56 = arith.constant 0 : i32
      %dma_start3A_57 = tpu.memref_slice %arg12[%add3A_30, %dma_start3A_56] : memref<10240x128xf32, #tpu.memory_space<vmem_shared>> -> memref<128x128xf32, #tpu.memory_space<vmem_shared>>
      tpu.enqueue_dma source(%arg10 : memref<128x128xf32, #tpu.memory_space<vmem>>) target(%dma_start3A_57 : memref<128x128xf32, #tpu.memory_space<vmem_shared>>) target_semaphore(%run_scoped3A_53 : memref<!tpu.dma_semaphore, #tpu.memory_space<semaphore_mem>>)
      %dma_wait3A = arith.constant 0 : i32
      %dma_wait3A_58 = tpu.memref_slice %arg12[%add3A_30, %dma_wait3A] : memref<10240x128xf32, #tpu.memory_space<vmem_shared>> -> memref<128x128xf32, #tpu.memory_space<vmem_shared>>
      %dma_wait3A_59 = arith.constant 0 : i32
      %dma_wait3A_60 = tpu.memref_slice %arg12[%add3A_30, %dma_wait3A_59] : memref<10240x128xf32, #tpu.memory_space<vmem_shared>> -> memref<128x128xf32, #tpu.memory_space<vmem_shared>>
      tpu.wait_dma2 semaphore(%run_scoped3A_53 : memref<!tpu.dma_semaphore, #tpu.memory_space<semaphore_mem>>) src(%arg10 : memref<128x128xf32, #tpu.memory_space<vmem>>) dst(%dma_wait3A_60 : memref<128x128xf32, #tpu.memory_space<vmem_shared>>)
      tpu.yield
    }) : () -> ()
    %mul3A_31 = arith.constant 640 : i32
    %mul3A_32 = arith.muli %arg1, %mul3A_31 : i32
    %add3A_33 = arith.constant 256 : i32
    %add3A_34 = arith.addi %mul3A_32, %add3A_33 : i32
    "tpu.region"() ({
      %run_scoped3A_53 = tpu.sem_alloc : memref<!tpu.dma_semaphore, #tpu.memory_space<semaphore_mem>>
      %dma_start3A_54 = arith.constant 0 : i32
      %dma_start3A_55 = tpu.memref_slice %arg12[%add3A_34, %dma_start3A_54] : memref<10240x128xf32, #tpu.memory_space<vmem_shared>> -> memref<128x128xf32, #tpu.memory_space<vmem_shared>>
      %dma_start3A_56 = arith.constant 0 : i32
      %dma_start3A_57 = tpu.memref_slice %arg12[%add3A_34, %dma_start3A_56] : memref<10240x128xf32, #tpu.memory_space<vmem_shared>> -> memref<128x128xf32, #tpu.memory_space<vmem_shared>>
      tpu.enqueue_dma source(%arg10 : memref<128x128xf32, #tpu.memory_space<vmem>>) target(%dma_start3A_57 : memref<128x128xf32, #tpu.memory_space<vmem_shared>>) target_semaphore(%run_scoped3A_53 : memref<!tpu.dma_semaphore, #tpu.memory_space<semaphore_mem>>)
      %dma_wait3A = arith.constant 0 : i32
      %dma_wait3A_58 = tpu.memref_slice %arg12[%add3A_34, %dma_wait3A] : memref<10240x128xf32, #tpu.memory_space<vmem_shared>> -> memref<128x128xf32, #tpu.memory_space<vmem_shared>>
      %dma_wait3A_59 = arith.constant 0 : i32
      %dma_wait3A_60 = tpu.memref_slice %arg12[%add3A_34, %dma_wait3A_59] : memref<10240x128xf32, #tpu.memory_space<vmem_shared>> -> memref<128x128xf32, #tpu.memory_space<vmem_shared>>
      tpu.wait_dma2 semaphore(%run_scoped3A_53 : memref<!tpu.dma_semaphore, #tpu.memory_space<semaphore_mem>>) src(%arg10 : memref<128x128xf32, #tpu.memory_space<vmem>>) dst(%dma_wait3A_60 : memref<128x128xf32, #tpu.memory_space<vmem_shared>>)
      tpu.yield
    }) : () -> ()
    %mul3A_35 = arith.constant 640 : i32
    %mul3A_36 = arith.muli %arg1, %mul3A_35 : i32
    %add3A_37 = arith.constant 384 : i32
    %add3A_38 = arith.addi %mul3A_36, %add3A_37 : i32
    "tpu.region"() ({
      %run_scoped3A_53 = tpu.sem_alloc : memref<!tpu.dma_semaphore, #tpu.memory_space<semaphore_mem>>
      %dma_start3A_54 = arith.constant 0 : i32
      %dma_start3A_55 = tpu.memref_slice %arg12[%add3A_38, %dma_start3A_54] : memref<10240x128xf32, #tpu.memory_space<vmem_shared>> -> memref<128x128xf32, #tpu.memory_space<vmem_shared>>
      %dma_start3A_56 = arith.constant 0 : i32
      %dma_start3A_57 = tpu.memref_slice %arg12[%add3A_38, %dma_start3A_56] : memref<10240x128xf32, #tpu.memory_space<vmem_shared>> -> memref<128x128xf32, #tpu.memory_space<vmem_shared>>
      tpu.enqueue_dma source(%arg10 : memref<128x128xf32, #tpu.memory_space<vmem>>) target(%dma_start3A_57 : memref<128x128xf32, #tpu.memory_space<vmem_shared>>) target_semaphore(%run_scoped3A_53 : memref<!tpu.dma_semaphore, #tpu.memory_space<semaphore_mem>>)
      %dma_wait3A = arith.constant 0 : i32
      %dma_wait3A_58 = tpu.memref_slice %arg12[%add3A_38, %dma_wait3A] : memref<10240x128xf32, #tpu.memory_space<vmem_shared>> -> memref<128x128xf32, #tpu.memory_space<vmem_shared>>
      %dma_wait3A_59 = arith.constant 0 : i32
      %dma_wait3A_60 = tpu.memref_slice %arg12[%add3A_38, %dma_wait3A_59] : memref<10240x128xf32, #tpu.memory_space<vmem_shared>> -> memref<128x128xf32, #tpu.memory_space<vmem_shared>>
      tpu.wait_dma2 semaphore(%run_scoped3A_53 : memref<!tpu.dma_semaphore, #tpu.memory_space<semaphore_mem>>) src(%arg10 : memref<128x128xf32, #tpu.memory_space<vmem>>) dst(%dma_wait3A_60 : memref<128x128xf32, #tpu.memory_space<vmem_shared>>)
      tpu.yield
    }) : () -> ()
    %mul3A_39 = arith.constant 640 : i32
    %mul3A_40 = arith.muli %arg1, %mul3A_39 : i32
    %add3A_41 = arith.constant 512 : i32
    %add3A_42 = arith.addi %mul3A_40, %add3A_41 : i32
    "tpu.region"() ({
      %run_scoped3A_53 = tpu.sem_alloc : memref<!tpu.dma_semaphore, #tpu.memory_space<semaphore_mem>>
      %dma_start3A_54 = arith.constant 0 : i32
      %dma_start3A_55 = tpu.memref_slice %arg12[%add3A_42, %dma_start3A_54] : memref<10240x128xf32, #tpu.memory_space<vmem_shared>> -> memref<128x128xf32, #tpu.memory_space<vmem_shared>>
      %dma_start3A_56 = arith.constant 0 : i32
      %dma_start3A_57 = tpu.memref_slice %arg12[%add3A_42, %dma_start3A_56] : memref<10240x128xf32, #tpu.memory_space<vmem_shared>> -> memref<128x128xf32, #tpu.memory_space<vmem_shared>>
      tpu.enqueue_dma source(%arg10 : memref<128x128xf32, #tpu.memory_space<vmem>>) target(%dma_start3A_57 : memref<128x128xf32, #tpu.memory_space<vmem_shared>>) target_semaphore(%run_scoped3A_53 : memref<!tpu.dma_semaphore, #tpu.memory_space<semaphore_mem>>)
      %dma_wait3A = arith.constant 0 : i32
      %dma_wait3A_58 = tpu.memref_slice %arg12[%add3A_42, %dma_wait3A] : memref<10240x128xf32, #tpu.memory_space<vmem_shared>> -> memref<128x128xf32, #tpu.memory_space<vmem_shared>>
      %dma_wait3A_59 = arith.constant 0 : i32
      %dma_wait3A_60 = tpu.memref_slice %arg12[%add3A_42, %dma_wait3A_59] : memref<10240x128xf32, #tpu.memory_space<vmem_shared>> -> memref<128x128xf32, #tpu.memory_space<vmem_shared>>
      tpu.wait_dma2 semaphore(%run_scoped3A_53 : memref<!tpu.dma_semaphore, #tpu.memory_space<semaphore_mem>>) src(%arg10 : memref<128x128xf32, #tpu.memory_space<vmem>>) dst(%dma_wait3A_60 : memref<128x128xf32, #tpu.memory_space<vmem_shared>>)
      tpu.yield
    }) : () -> ()
    %barrier3A = arith.constant 0 : index
    tpu.barrier barrier_id(%barrier3A)
    %scan3A_43 = arith.constant 0 : i32
    %scan3A_44 = arith.constant 40 : i32
    %scan3A_45 = arith.addi %scan3A_43, %scan3A_44 : i32
    %scan3A_46 = arith.constant 1 : i32
    scf.for %scan3A_53 = %scan3A_43 to %scan3A_45 step %scan3A_46  : i32 {
      %mul3A_54 = arith.constant 2 : i32
      %mul3A_55 = arith.muli %mul3A_54, %scan3A_53 : i32
      %add3A_56 = arith.constant 1 : i32
      %add3A_57 = arith.addi %mul3A_55, %add3A_56 : i32
      %lt3A = arith.constant 39 : i32
      %lt3A_58 = arith.cmpi slt, %scan3A_53, %lt3A : i32
      %add3A_59 = arith.constant 1 : i32
      %add3A_60 = arith.addi %mul3A_55, %add3A_59 : i32
      %dma_wait3A = arith.constant 0 : i32
      %dma_wait3A_61 = tpu.memref_slice %arg2[%add3A, %add3A_60, %dma_wait3A] : memref<32x80x128xi32, #tpu.memory_space<hbm>> -> memref<1x1x128xi32, #tpu.memory_space<hbm>>
      %dma_wait3A_62 = tpu.memref_squeeze %dma_wait3A_61 : memref<1x1x128xi32, #tpu.memory_space<hbm>> -> memref<128xi32, #tpu.memory_space<hbm>>
      %dma_wait3A_63 = arith.constant 0 : i32
      %dma_wait3A_64 = tpu.memref_slice %arg2[%add3A, %add3A_60, %dma_wait3A_63] : memref<32x80x128xi32, #tpu.memory_space<hbm>> -> memref<1x1x128xi32, #tpu.memory_space<hbm>>
      %dma_wait3A_65 = tpu.memref_squeeze %dma_wait3A_64 : memref<1x1x128xi32, #tpu.memory_space<hbm>> -> memref<128xi32, #tpu.memory_space<hbm>>
      tpu.wait_dma2 semaphore(%arg16 : memref<!tpu.dma_semaphore, #tpu.memory_space<semaphore_mem>>) src(%dma_wait3A_65 : memref<128xi32, #tpu.memory_space<hbm>>) dst(%arg7 : memref<128xi32, #tpu.memory_space<vmem>>)
      %add3A_66 = arith.constant 1 : i32
      %add3A_67 = arith.addi %mul3A_55, %add3A_66 : i32
      %dma_wait3A_68 = arith.constant 0 : i32
      %dma_wait3A_69 = tpu.memref_slice %arg3[%add3A, %add3A_67, %dma_wait3A_68] : memref<32x80x128xi32, #tpu.memory_space<hbm>> -> memref<1x1x128xi32, #tpu.memory_space<hbm>>
      %dma_wait3A_70 = tpu.memref_squeeze %dma_wait3A_69 : memref<1x1x128xi32, #tpu.memory_space<hbm>> -> memref<128xi32, #tpu.memory_space<hbm>>
      %dma_wait3A_71 = arith.constant 0 : i32
      %dma_wait3A_72 = tpu.memref_slice %arg3[%add3A, %add3A_67, %dma_wait3A_71] : memref<32x80x128xi32, #tpu.memory_space<hbm>> -> memref<1x1x128xi32, #tpu.memory_space<hbm>>
      %dma_wait3A_73 = tpu.memref_squeeze %dma_wait3A_72 : memref<1x1x128xi32, #tpu.memory_space<hbm>> -> memref<128xi32, #tpu.memory_space<hbm>>
      tpu.wait_dma2 semaphore(%arg16 : memref<!tpu.dma_semaphore, #tpu.memory_space<semaphore_mem>>) src(%dma_wait3A_73 : memref<128xi32, #tpu.memory_space<hbm>>) dst(%arg9 : memref<128xi32, #tpu.memory_space<vmem>>)
      %dma_wait3A_74 = arith.constant 0 : i32
      %dma_wait3A_75 = arith.constant 0 : i32
      %dma_wait3A_76 = tpu.memref_slice %arg4[%dma_wait3A_74, %dma_wait3A_75] : memref<10240x128xf32, #tpu.memory_space<hbm>> -> memref<10240x128xf32, #tpu.memory_space<hbm>>
      tpu.wait_indirect_dma semaphore(%arg13 : memref<!tpu.dma_semaphore, #tpu.memory_space<semaphore_mem>>) src(%dma_wait3A_76 : memref<10240x128xf32, #tpu.memory_space<hbm>>) dst(%arg11 : memref<128x128xf32, #tpu.memory_space<vmem>>)
      %dma_start3A_77 = arith.constant 0 : i32
      %dma_start3A_78 = arith.constant 0 : i32
      %dma_start3A_79 = tpu.memref_slice %arg4[%dma_start3A_77, %dma_start3A_78] : memref<10240x128xf32, #tpu.memory_space<hbm>> -> memref<10240x128xf32, #tpu.memory_space<hbm>>
      tpu.enqueue_indirect_dma source(%dma_start3A_79 : memref<10240x128xf32, #tpu.memory_space<hbm>>) target(%arg10 : memref<128x128xf32, #tpu.memory_space<vmem>>) offsets(%arg7 : memref<128xi32, #tpu.memory_space<vmem>>) semaphore(%arg14 : memref<!tpu.dma_semaphore, #tpu.memory_space<semaphore_mem>>)
      %convert_element_type3A = arith.extui %lt3A_58 : i1 to i32
      %cond3A = arith.constant 0 : i32
      %cond3A_80 = arith.cmpi ne, %convert_element_type3A, %cond3A : i32
      scf.if %cond3A_80 {
        %add3A_99 = arith.constant 2 : i32
        %add3A_100 = arith.addi %mul3A_55, %add3A_99 : i32
        %dma_start3A_101 = arith.constant 0 : i32
        %dma_start3A_102 = tpu.memref_slice %arg2[%add3A, %add3A_100, %dma_start3A_101] : memref<32x80x128xi32, #tpu.memory_space<hbm>> -> memref<1x1x128xi32, #tpu.memory_space<hbm>>
        %dma_start3A_103 = tpu.memref_squeeze %dma_start3A_102 : memref<1x1x128xi32, #tpu.memory_space<hbm>> -> memref<128xi32, #tpu.memory_space<hbm>>
        %dma_start3A_104 = arith.constant 0 : i32
        %dma_start3A_105 = tpu.memref_slice %arg2[%add3A, %add3A_100, %dma_start3A_104] : memref<32x80x128xi32, #tpu.memory_space<hbm>> -> memref<1x1x128xi32, #tpu.memory_space<hbm>>
        %dma_start3A_106 = tpu.memref_squeeze %dma_start3A_105 : memref<1x1x128xi32, #tpu.memory_space<hbm>> -> memref<128xi32, #tpu.memory_space<hbm>>
        tpu.enqueue_dma source(%dma_start3A_106 : memref<128xi32, #tpu.memory_space<hbm>>) target(%arg6 : memref<128xi32, #tpu.memory_space<vmem>>) target_semaphore(%arg15 : memref<!tpu.dma_semaphore, #tpu.memory_space<semaphore_mem>>)
      } else {
      }
      "tpu.region"() ({
        %run_scoped3A_99 = tpu.sem_alloc : memref<!tpu.dma_semaphore, #tpu.memory_space<semaphore_mem>>
        %dma_start3A_100 = arith.constant 0 : i32
        %dma_start3A_101 = arith.constant 0 : i32
        %dma_start3A_102 = tpu.memref_slice %arg12[%dma_start3A_100, %dma_start3A_101] : memref<10240x128xf32, #tpu.memory_space<vmem_shared>> -> memref<10240x128xf32, #tpu.memory_space<vmem_shared>>
        tpu.enqueue_indirect_dma source(%arg11 : memref<128x128xf32, #tpu.memory_space<vmem>>) target(%dma_start3A_102 : memref<10240x128xf32, #tpu.memory_space<vmem_shared>>) offsets(%arg8 : memref<128xi32, #tpu.memory_space<vmem>>) semaphore(%run_scoped3A_99 : memref<!tpu.dma_semaphore, #tpu.memory_space<semaphore_mem>>) {add = true}
        %dma_wait3A_103 = arith.constant 0 : i32
        %dma_wait3A_104 = arith.constant 0 : i32
        %dma_wait3A_105 = tpu.memref_slice %arg12[%dma_wait3A_103, %dma_wait3A_104] : memref<10240x128xf32, #tpu.memory_space<vmem_shared>> -> memref<10240x128xf32, #tpu.memory_space<vmem_shared>>
        tpu.wait_indirect_dma semaphore(%run_scoped3A_99 : memref<!tpu.dma_semaphore, #tpu.memory_space<semaphore_mem>>) src(%arg11 : memref<128x128xf32, #tpu.memory_space<vmem>>) dst(%dma_wait3A_105 : memref<10240x128xf32, #tpu.memory_space<vmem_shared>>)
        tpu.yield
      }) : () -> ()
      %convert_element_type3A_81 = arith.extui %lt3A_58 : i1 to i32
      %cond3A_82 = arith.constant 0 : i32
      %cond3A_83 = arith.cmpi ne, %convert_element_type3A_81, %cond3A_82 : i32
      scf.if %cond3A_83 {
        %add3A_99 = arith.constant 2 : i32
        %add3A_100 = arith.addi %mul3A_55, %add3A_99 : i32
        %dma_start3A_101 = arith.constant 0 : i32
        %dma_start3A_102 = tpu.memref_slice %arg3[%add3A, %add3A_100, %dma_start3A_101] : memref<32x80x128xi32, #tpu.memory_space<hbm>> -> memref<1x1x128xi32, #tpu.memory_space<hbm>>
        %dma_start3A_103 = tpu.memref_squeeze %dma_start3A_102 : memref<1x1x128xi32, #tpu.memory_space<hbm>> -> memref<128xi32, #tpu.memory_space<hbm>>
        %dma_start3A_104 = arith.constant 0 : i32
        %dma_start3A_105 = tpu.memref_slice %arg3[%add3A, %add3A_100, %dma_start3A_104] : memref<32x80x128xi32, #tpu.memory_space<hbm>> -> memref<1x1x128xi32, #tpu.memory_space<hbm>>
        %dma_start3A_106 = tpu.memref_squeeze %dma_start3A_105 : memref<1x1x128xi32, #tpu.memory_space<hbm>> -> memref<128xi32, #tpu.memory_space<hbm>>
        tpu.enqueue_dma source(%dma_start3A_106 : memref<128xi32, #tpu.memory_space<hbm>>) target(%arg8 : memref<128xi32, #tpu.memory_space<vmem>>) target_semaphore(%arg15 : memref<!tpu.dma_semaphore, #tpu.memory_space<semaphore_mem>>)
      } else {
      }
      %convert_element_type3A_84 = arith.extui %lt3A_58 : i1 to i32
      %cond3A_85 = arith.constant 0 : i32
      %cond3A_86 = arith.cmpi ne, %convert_element_type3A_84, %cond3A_85 : i32
      scf.if %cond3A_86 {
        %add3A_99 = arith.constant 1 : i32
        %add3A_100 = arith.addi %add3A_57, %add3A_99 : i32
        %dma_wait3A_101 = arith.constant 0 : i32
        %dma_wait3A_102 = tpu.memref_slice %arg2[%add3A, %add3A_100, %dma_wait3A_101] : memref<32x80x128xi32, #tpu.memory_space<hbm>> -> memref<1x1x128xi32, #tpu.memory_space<hbm>>
        %dma_wait3A_103 = tpu.memref_squeeze %dma_wait3A_102 : memref<1x1x128xi32, #tpu.memory_space<hbm>> -> memref<128xi32, #tpu.memory_space<hbm>>
        %dma_wait3A_104 = arith.constant 0 : i32
        %dma_wait3A_105 = tpu.memref_slice %arg2[%add3A, %add3A_100, %dma_wait3A_104] : memref<32x80x128xi32, #tpu.memory_space<hbm>> -> memref<1x1x128xi32, #tpu.memory_space<hbm>>
        %dma_wait3A_106 = tpu.memref_squeeze %dma_wait3A_105 : memref<1x1x128xi32, #tpu.memory_space<hbm>> -> memref<128xi32, #tpu.memory_space<hbm>>
        tpu.wait_dma2 semaphore(%arg15 : memref<!tpu.dma_semaphore, #tpu.memory_space<semaphore_mem>>) src(%dma_wait3A_106 : memref<128xi32, #tpu.memory_space<hbm>>) dst(%arg6 : memref<128xi32, #tpu.memory_space<vmem>>)
        %add3A_107 = arith.constant 1 : i32
        %add3A_108 = arith.addi %add3A_57, %add3A_107 : i32
        %dma_wait3A_109 = arith.constant 0 : i32
        %dma_wait3A_110 = tpu.memref_slice %arg3[%add3A, %add3A_108, %dma_wait3A_109] : memref<32x80x128xi32, #tpu.memory_space<hbm>> -> memref<1x1x128xi32, #tpu.memory_space<hbm>>
        %dma_wait3A_111 = tpu.memref_squeeze %dma_wait3A_110 : memref<1x1x128xi32, #tpu.memory_space<hbm>> -> memref<128xi32, #tpu.memory_space<hbm>>
        %dma_wait3A_112 = arith.constant 0 : i32
        %dma_wait3A_113 = tpu.memref_slice %arg3[%add3A, %add3A_108, %dma_wait3A_112] : memref<32x80x128xi32, #tpu.memory_space<hbm>> -> memref<1x1x128xi32, #tpu.memory_space<hbm>>
        %dma_wait3A_114 = tpu.memref_squeeze %dma_wait3A_113 : memref<1x1x128xi32, #tpu.memory_space<hbm>> -> memref<128xi32, #tpu.memory_space<hbm>>
        tpu.wait_dma2 semaphore(%arg15 : memref<!tpu.dma_semaphore, #tpu.memory_space<semaphore_mem>>) src(%dma_wait3A_114 : memref<128xi32, #tpu.memory_space<hbm>>) dst(%arg8 : memref<128xi32, #tpu.memory_space<vmem>>)
      } else {
      }
      %dma_wait3A_87 = arith.constant 0 : i32
      %dma_wait3A_88 = arith.constant 0 : i32
      %dma_wait3A_89 = tpu.memref_slice %arg4[%dma_wait3A_87, %dma_wait3A_88] : memref<10240x128xf32, #tpu.memory_space<hbm>> -> memref<10240x128xf32, #tpu.memory_space<hbm>>
      tpu.wait_indirect_dma semaphore(%arg14 : memref<!tpu.dma_semaphore, #tpu.memory_space<semaphore_mem>>) src(%dma_wait3A_89 : memref<10240x128xf32, #tpu.memory_space<hbm>>) dst(%arg10 : memref<128x128xf32, #tpu.memory_space<vmem>>)
      %convert_element_type3A_90 = arith.extui %lt3A_58 : i1 to i32
      %cond3A_91 = arith.constant 0 : i32
      %cond3A_92 = arith.cmpi ne, %convert_element_type3A_90, %cond3A_91 : i32
      scf.if %cond3A_92 {
        %dma_start3A_99 = arith.constant 0 : i32
        %dma_start3A_100 = arith.constant 0 : i32
        %dma_start3A_101 = tpu.memref_slice %arg4[%dma_start3A_99, %dma_start3A_100] : memref<10240x128xf32, #tpu.memory_space<hbm>> -> memref<10240x128xf32, #tpu.memory_space<hbm>>
        tpu.enqueue_indirect_dma source(%dma_start3A_101 : memref<10240x128xf32, #tpu.memory_space<hbm>>) target(%arg11 : memref<128x128xf32, #tpu.memory_space<vmem>>) offsets(%arg6 : memref<128xi32, #tpu.memory_space<vmem>>) semaphore(%arg13 : memref<!tpu.dma_semaphore, #tpu.memory_space<semaphore_mem>>)
      } else {
      }
      %convert_element_type3A_93 = arith.extui %lt3A_58 : i1 to i32
      %cond3A_94 = arith.constant 0 : i32
      %cond3A_95 = arith.cmpi ne, %convert_element_type3A_93, %cond3A_94 : i32
      scf.if %cond3A_95 {
        %add3A_99 = arith.constant 2 : i32
        %add3A_100 = arith.addi %add3A_57, %add3A_99 : i32
        %dma_start3A_101 = arith.constant 0 : i32
        %dma_start3A_102 = tpu.memref_slice %arg2[%add3A, %add3A_100, %dma_start3A_101] : memref<32x80x128xi32, #tpu.memory_space<hbm>> -> memref<1x1x128xi32, #tpu.memory_space<hbm>>
        %dma_start3A_103 = tpu.memref_squeeze %dma_start3A_102 : memref<1x1x128xi32, #tpu.memory_space<hbm>> -> memref<128xi32, #tpu.memory_space<hbm>>
        %dma_start3A_104 = arith.constant 0 : i32
        %dma_start3A_105 = tpu.memref_slice %arg2[%add3A, %add3A_100, %dma_start3A_104] : memref<32x80x128xi32, #tpu.memory_space<hbm>> -> memref<1x1x128xi32, #tpu.memory_space<hbm>>
        %dma_start3A_106 = tpu.memref_squeeze %dma_start3A_105 : memref<1x1x128xi32, #tpu.memory_space<hbm>> -> memref<128xi32, #tpu.memory_space<hbm>>
        tpu.enqueue_dma source(%dma_start3A_106 : memref<128xi32, #tpu.memory_space<hbm>>) target(%arg7 : memref<128xi32, #tpu.memory_space<vmem>>) target_semaphore(%arg16 : memref<!tpu.dma_semaphore, #tpu.memory_space<semaphore_mem>>)
      } else {
      }
      "tpu.region"() ({
        %run_scoped3A_99 = tpu.sem_alloc : memref<!tpu.dma_semaphore, #tpu.memory_space<semaphore_mem>>
        %dma_start3A_100 = arith.constant 0 : i32
        %dma_start3A_101 = arith.constant 0 : i32
        %dma_start3A_102 = tpu.memref_slice %arg12[%dma_start3A_100, %dma_start3A_101] : memref<10240x128xf32, #tpu.memory_space<vmem_shared>> -> memref<10240x128xf32, #tpu.memory_space<vmem_shared>>
        tpu.enqueue_indirect_dma source(%arg10 : memref<128x128xf32, #tpu.memory_space<vmem>>) target(%dma_start3A_102 : memref<10240x128xf32, #tpu.memory_space<vmem_shared>>) offsets(%arg9 : memref<128xi32, #tpu.memory_space<vmem>>) semaphore(%run_scoped3A_99 : memref<!tpu.dma_semaphore, #tpu.memory_space<semaphore_mem>>) {add = true}
        %dma_wait3A_103 = arith.constant 0 : i32
        %dma_wait3A_104 = arith.constant 0 : i32
        %dma_wait3A_105 = tpu.memref_slice %arg12[%dma_wait3A_103, %dma_wait3A_104] : memref<10240x128xf32, #tpu.memory_space<vmem_shared>> -> memref<10240x128xf32, #tpu.memory_space<vmem_shared>>
        tpu.wait_indirect_dma semaphore(%run_scoped3A_99 : memref<!tpu.dma_semaphore, #tpu.memory_space<semaphore_mem>>) src(%arg10 : memref<128x128xf32, #tpu.memory_space<vmem>>) dst(%dma_wait3A_105 : memref<10240x128xf32, #tpu.memory_space<vmem_shared>>)
        tpu.yield
      }) : () -> ()
      %convert_element_type3A_96 = arith.extui %lt3A_58 : i1 to i32
      %cond3A_97 = arith.constant 0 : i32
      %cond3A_98 = arith.cmpi ne, %convert_element_type3A_96, %cond3A_97 : i32
      scf.if %cond3A_98 {
        %add3A_99 = arith.constant 2 : i32
        %add3A_100 = arith.addi %add3A_57, %add3A_99 : i32
        %dma_start3A_101 = arith.constant 0 : i32
        %dma_start3A_102 = tpu.memref_slice %arg3[%add3A, %add3A_100, %dma_start3A_101] : memref<32x80x128xi32, #tpu.memory_space<hbm>> -> memref<1x1x128xi32, #tpu.memory_space<hbm>>
        %dma_start3A_103 = tpu.memref_squeeze %dma_start3A_102 : memref<1x1x128xi32, #tpu.memory_space<hbm>> -> memref<128xi32, #tpu.memory_space<hbm>>
        %dma_start3A_104 = arith.constant 0 : i32
        %dma_start3A_105 = tpu.memref_slice %arg3[%add3A, %add3A_100, %dma_start3A_104] : memref<32x80x128xi32, #tpu.memory_space<hbm>> -> memref<1x1x128xi32, #tpu.memory_space<hbm>>
        %dma_start3A_106 = tpu.memref_squeeze %dma_start3A_105 : memref<1x1x128xi32, #tpu.memory_space<hbm>> -> memref<128xi32, #tpu.memory_space<hbm>>
        tpu.enqueue_dma source(%dma_start3A_106 : memref<128xi32, #tpu.memory_space<hbm>>) target(%arg9 : memref<128xi32, #tpu.memory_space<vmem>>) target_semaphore(%arg16 : memref<!tpu.dma_semaphore, #tpu.memory_space<semaphore_mem>>)
      } else {
      }
    }
    %scan3A_47 = arith.constant 40 : i32
    %barrier3A_48 = arith.constant 0 : index
    tpu.barrier barrier_id(%barrier3A_48)
    %mul3A_49 = arith.constant 640 : i32
    %mul3A_50 = arith.muli %arg1, %mul3A_49 : i32
    %mul3A_51 = arith.constant 640 : i32
    %mul3A_52 = arith.muli %arg1, %mul3A_51 : i32
    "tpu.region"() ({
      %run_scoped3A_53 = tpu.sem_alloc : memref<!tpu.dma_semaphore, #tpu.memory_space<semaphore_mem>>
      %dma_start3A_54 = arith.constant 0 : i32
      %dma_start3A_55 = tpu.memref_slice %arg5[%arg0, %mul3A_52, %dma_start3A_54] : memref<2x10240x128xf32, #tpu.memory_space<hbm>> -> memref<1x640x128xf32, #tpu.memory_space<hbm>>
      %dma_start3A_56 = tpu.memref_squeeze %dma_start3A_55 : memref<1x640x128xf32, #tpu.memory_space<hbm>> -> memref<640x128xf32, #tpu.memory_space<hbm>>
      %dma_start3A_57 = arith.constant 0 : i32
      %dma_start3A_58 = tpu.memref_slice %arg12[%mul3A_50, %dma_start3A_57] : memref<10240x128xf32, #tpu.memory_space<vmem_shared>> -> memref<640x128xf32, #tpu.memory_space<vmem_shared>>
      tpu.enqueue_dma source(%dma_start3A_58 : memref<640x128xf32, #tpu.memory_space<vmem_shared>>) target(%dma_start3A_56 : memref<640x128xf32, #tpu.memory_space<hbm>>) target_semaphore(%run_scoped3A_53 : memref<!tpu.dma_semaphore, #tpu.memory_space<semaphore_mem>>)
      %dma_wait3A = arith.constant 0 : i32
      %dma_wait3A_59 = tpu.memref_slice %arg5[%arg0, %mul3A_52, %dma_wait3A] : memref<2x10240x128xf32, #tpu.memory_space<hbm>> -> memref<1x640x128xf32, #tpu.memory_space<hbm>>
      %dma_wait3A_60 = tpu.memref_squeeze %dma_wait3A_59 : memref<1x640x128xf32, #tpu.memory_space<hbm>> -> memref<640x128xf32, #tpu.memory_space<hbm>>
      %dma_wait3A_61 = arith.constant 0 : i32
      %dma_wait3A_62 = tpu.memref_slice %arg12[%mul3A_50, %dma_wait3A_61] : memref<10240x128xf32, #tpu.memory_space<vmem_shared>> -> memref<640x128xf32, #tpu.memory_space<vmem_shared>>
      tpu.wait_dma2 semaphore(%run_scoped3A_53 : memref<!tpu.dma_semaphore, #tpu.memory_space<semaphore_mem>>) src(%dma_wait3A_62 : memref<640x128xf32, #tpu.memory_space<vmem_shared>>) dst(%dma_wait3A_60 : memref<640x128xf32, #tpu.memory_space<hbm>>)
      tpu.yield
    }) : () -> ()
    return
  }
}

#map = affine_map<(d0, d1) -> (0, 0, 0)>
#map1 = affine_map<(d0, d1) -> (0, 0)>
module attributes {stable_mosaic.version = 14 : i64} {
  func.func @body(%arg0: i32, %arg1: i32, %arg2: memref<32x80x128xi32, #tpu.memory_space<hbm>>, %arg3: memref<32x80x128xi32, #tpu.memory_space<hbm>>, %arg4: memref<10240x128xf32, #tpu.memory_space<hbm>>, %arg5: memref<2x10240x128xf32, #tpu.memory_space<hbm>>, %arg6: memref<128xi32, #tpu.memory_space<vmem>>, %arg7: memref<128xi32, #tpu.memory_space<vmem>>, %arg8: memref<128xi32, #tpu.memory_space<vmem>>, %arg9: memref<128xi32, #tpu.memory_space<vmem>>, %arg10: memref<128x128xf32, #tpu.memory_space<vmem>>, %arg11: memref<128x128xf32, #tpu.memory_space<vmem>>, %arg12: memref<10240x128xf32, #tpu.memory_space<vmem_shared>>, %arg13: memref<!tpu.dma_semaphore, #tpu.memory_space<semaphore_mem>>, %arg14: memref<!tpu.dma_semaphore, #tpu.memory_space<semaphore_mem>>, %arg15: memref<!tpu.dma_semaphore, #tpu.memory_space<semaphore_mem>>, %arg16: memref<!tpu.dma_semaphore, #tpu.memory_space<semaphore_mem>>) attributes {dimension_semantics = [#tpu.dimension_semantics<core_parallel>, #tpu.dimension_semantics<subcore_parallel>], iteration_bounds = array<i64: 2, 16>, scalar_prefetch = 0 : i64, scratch_operands = 11 : i64, tpu.core_type = #tpu.core_type<sc_vector_subcore>, window_params = [{transform_indices = #map}, {transform_indices = #map}, {transform_indices = #map1}, {transform_indices = #map}]} {
    %mul3A = arith.constant 16 : i32
    %mul3A_0 = arith.muli %arg0, %mul3A : i32
    %add3A = arith.addi %mul3A_0, %arg1 : i32
    %run_scoped3A = arith.constant 0 : i32
    "tpu.region"() ({
      %run_scoped3A_53 = tpu.sem_alloc : memref<!tpu.dma_semaphore, #tpu.memory_space<semaphore_mem>>
      %dma_start3A_54 = arith.constant 0 : i32
      %dma_start3A_55 = tpu.memref_slice %arg2[%add3A, %run_scoped3A, %dma_start3A_54] : memref<32x80x128xi32, #tpu.memory_space<hbm>> -> memref<1x1x128xi32, #tpu.memory_space<hbm>>
      %dma_start3A_56 = tpu.memref_squeeze %dma_start3A_55 : memref<1x1x128xi32, #tpu.memory_space<hbm>> -> memref<128xi32, #tpu.memory_space<hbm>>
      %dma_start3A_57 = arith.constant 0 : i32
      %dma_start3A_58 = tpu.memref_slice %arg2[%add3A, %run_scoped3A, %dma_start3A_57] : memref<32x80x128xi32, #tpu.memory_space<hbm>> -> memref<1x1x128xi32, #tpu.memory_space<hbm>>
      %dma_start3A_59 = tpu.memref_squeeze %dma_start3A_58 : memref<1x1x128xi32, #tpu.memory_space<hbm>> -> memref<128xi32, #tpu.memory_space<hbm>>
      tpu.enqueue_dma source(%dma_start3A_59 : memref<128xi32, #tpu.memory_space<hbm>>) target(%arg6 : memref<128xi32, #tpu.memory_space<vmem>>) target_semaphore(%run_scoped3A_53 : memref<!tpu.dma_semaphore, #tpu.memory_space<semaphore_mem>>)
      %dma_wait3A = arith.constant 0 : i32
      %dma_wait3A_60 = tpu.memref_slice %arg2[%add3A, %run_scoped3A, %dma_wait3A] : memref<32x80x128xi32, #tpu.memory_space<hbm>> -> memref<1x1x128xi32, #tpu.memory_space<hbm>>
      %dma_wait3A_61 = tpu.memref_squeeze %dma_wait3A_60 : memref<1x1x128xi32, #tpu.memory_space<hbm>> -> memref<128xi32, #tpu.memory_space<hbm>>
      %dma_wait3A_62 = arith.constant 0 : i32
      %dma_wait3A_63 = tpu.memref_slice %arg2[%add3A, %run_scoped3A, %dma_wait3A_62] : memref<32x80x128xi32, #tpu.memory_space<hbm>> -> memref<1x1x128xi32, #tpu.memory_space<hbm>>
      %dma_wait3A_64 = tpu.memref_squeeze %dma_wait3A_63 : memref<1x1x128xi32, #tpu.memory_space<hbm>> -> memref<128xi32, #tpu.memory_space<hbm>>
      tpu.wait_dma2 semaphore(%run_scoped3A_53 : memref<!tpu.dma_semaphore, #tpu.memory_space<semaphore_mem>>) src(%dma_wait3A_64 : memref<128xi32, #tpu.memory_space<hbm>>) dst(%arg6 : memref<128xi32, #tpu.memory_space<vmem>>)
      tpu.yield
    }) : () -> ()
    %run_scoped3A_1 = arith.constant 0 : i32
    "tpu.region"() ({
      %run_scoped3A_53 = tpu.sem_alloc : memref<!tpu.dma_semaphore, #tpu.memory_space<semaphore_mem>>
      %dma_start3A_54 = arith.constant 0 : i32
      %dma_start3A_55 = tpu.memref_slice %arg3[%add3A, %run_scoped3A_1, %dma_start3A_54] : memref<32x80x128xi32, #tpu.memory_space<hbm>> -> memref<1x1x128xi32, #tpu.memory_space<hbm>>
      %dma_start3A_56 = tpu.memref_squeeze %dma_start3A_55 : memref<1x1x128xi32, #tpu.memory_space<hbm>> -> memref<128xi32, #tpu.memory_space<hbm>>
      %dma_start3A_57 = arith.constant 0 : i32
      %dma_start3A_58 = tpu.memref_slice %arg3[%add3A, %run_scoped3A_1, %dma_start3A_57] : memref<32x80x128xi32, #tpu.memory_space<hbm>> -> memref<1x1x128xi32, #tpu.memory_space<hbm>>
      %dma_start3A_59 = tpu.memref_squeeze %dma_start3A_58 : memref<1x1x128xi32, #tpu.memory_space<hbm>> -> memref<128xi32, #tpu.memory_space<hbm>>
      tpu.enqueue_dma source(%dma_start3A_59 : memref<128xi32, #tpu.memory_space<hbm>>) target(%arg8 : memref<128xi32, #tpu.memory_space<vmem>>) target_semaphore(%run_scoped3A_53 : memref<!tpu.dma_semaphore, #tpu.memory_space<semaphore_mem>>)
      %dma_wait3A = arith.constant 0 : i32
      %dma_wait3A_60 = tpu.memref_slice %arg3[%add3A, %run_scoped3A_1, %dma_wait3A] : memref<32x80x128xi32, #tpu.memory_space<hbm>> -> memref<1x1x128xi32, #tpu.memory_space<hbm>>
      %dma_wait3A_61 = tpu.memref_squeeze %dma_wait3A_60 : memref<1x1x128xi32, #tpu.memory_space<hbm>> -> memref<128xi32, #tpu.memory_space<hbm>>
      %dma_wait3A_62 = arith.constant 0 : i32
      %dma_wait3A_63 = tpu.memref_slice %arg3[%add3A, %run_scoped3A_1, %dma_wait3A_62] : memref<32x80x128xi32, #tpu.memory_space<hbm>> -> memref<1x1x128xi32, #tpu.memory_space<hbm>>
      %dma_wait3A_64 = tpu.memref_squeeze %dma_wait3A_63 : memref<1x1x128xi32, #tpu.memory_space<hbm>> -> memref<128xi32, #tpu.memory_space<hbm>>
      tpu.wait_dma2 semaphore(%run_scoped3A_53 : memref<!tpu.dma_semaphore, #tpu.memory_space<semaphore_mem>>) src(%dma_wait3A_64 : memref<128xi32, #tpu.memory_space<hbm>>) dst(%arg8 : memref<128xi32, #tpu.memory_space<vmem>>)
      tpu.yield
    }) : () -> ()
    %dma_start3A = arith.constant 0 : i32
    %dma_start3A_2 = arith.constant 0 : i32
    %dma_start3A_3 = tpu.memref_slice %arg4[%dma_start3A, %dma_start3A_2] : memref<10240x128xf32, #tpu.memory_space<hbm>> -> memref<10240x128xf32, #tpu.memory_space<hbm>>
    tpu.enqueue_indirect_dma source(%dma_start3A_3 : memref<10240x128xf32, #tpu.memory_space<hbm>>) target(%arg11 : memref<128x128xf32, #tpu.memory_space<vmem>>) offsets(%arg6 : memref<128xi32, #tpu.memory_space<vmem>>) semaphore(%arg13 : memref<!tpu.dma_semaphore, #tpu.memory_space<semaphore_mem>>)
    %dma_start3A_4 = arith.constant 1 : i32
    %dma_start3A_5 = arith.constant 0 : i32
    %dma_start3A_6 = tpu.memref_slice %arg2[%add3A, %dma_start3A_4, %dma_start3A_5] : memref<32x80x128xi32, #tpu.memory_space<hbm>> -> memref<1x1x128xi32, #tpu.memory_space<hbm>>
    %dma_start3A_7 = tpu.memref_squeeze %dma_start3A_6 : memref<1x1x128xi32, #tpu.memory_space<hbm>> -> memref<128xi32, #tpu.memory_space<hbm>>
    %dma_start3A_8 = arith.constant 0 : i32
    %dma_start3A_9 = tpu.memref_slice %arg2[%add3A, %dma_start3A_4, %dma_start3A_8] : memref<32x80x128xi32, #tpu.memory_space<hbm>> -> memref<1x1x128xi32, #tpu.memory_space<hbm>>
    %dma_start3A_10 = tpu.memref_squeeze %dma_start3A_9 : memref<1x1x128xi32, #tpu.memory_space<hbm>> -> memref<128xi32, #tpu.memory_space<hbm>>
    tpu.enqueue_dma source(%dma_start3A_10 : memref<128xi32, #tpu.memory_space<hbm>>) target(%arg7 : memref<128xi32, #tpu.memory_space<vmem>>) target_semaphore(%arg16 : memref<!tpu.dma_semaphore, #tpu.memory_space<semaphore_mem>>)
    %dma_start3A_11 = arith.constant 1 : i32
    %dma_start3A_12 = arith.constant 0 : i32
    %dma_start3A_13 = tpu.memref_slice %arg3[%add3A, %dma_start3A_11, %dma_start3A_12] : memref<32x80x128xi32, #tpu.memory_space<hbm>> -> memref<1x1x128xi32, #tpu.memory_space<hbm>>
    %dma_start3A_14 = tpu.memref_squeeze %dma_start3A_13 : memref<1x1x128xi32, #tpu.memory_space<hbm>> -> memref<128xi32, #tpu.memory_space<hbm>>
    %dma_start3A_15 = arith.constant 0 : i32
    %dma_start3A_16 = tpu.memref_slice %arg3[%add3A, %dma_start3A_11, %dma_start3A_15] : memref<32x80x128xi32, #tpu.memory_space<hbm>> -> memref<1x1x128xi32, #tpu.memory_space<hbm>>
    %dma_start3A_17 = tpu.memref_squeeze %dma_start3A_16 : memref<1x1x128xi32, #tpu.memory_space<hbm>> -> memref<128xi32, #tpu.memory_space<hbm>>
    tpu.enqueue_dma source(%dma_start3A_17 : memref<128xi32, #tpu.memory_space<hbm>>) target(%arg9 : memref<128xi32, #tpu.memory_space<vmem>>) target_semaphore(%arg16 : memref<!tpu.dma_semaphore, #tpu.memory_space<semaphore_mem>>)
    %broadcast_in_dim3A = arith.constant 0.000000e+00 : f32
    %broadcast_in_dim3A_18 = vector.broadcast %broadcast_in_dim3A : f32 to vector<16xf32>
    %scan3A = arith.constant 0 : i32
    %scan3A_19 = arith.constant 128 : i32
    %scan3A_20 = arith.addi %scan3A, %scan3A_19 : i32
    %scan3A_21 = arith.constant 1 : i32
    scf.for %scan3A_53 = %scan3A to %scan3A_20 step %scan3A_21  : i32 {
      %swap3A = arith.index_cast %scan3A_53 : i32 to index
      %swap3A_54 = arith.constant 0 : index
      %swap3A_55 = tpu.vector_load %arg10[%swap3A, %swap3A_54] {strides = array<i32>} : memref<128x128xf32, #tpu.memory_space<vmem>>, vector<1x16xf32>,
      %swap3A_56 = vector.shape_cast %swap3A_55 : vector<1x16xf32> to vector<16xf32>
      %swap3A_57 = vector.shape_cast %broadcast_in_dim3A_18 : vector<16xf32> to vector<1x16xf32>
      tpu.vector_store %arg10[%swap3A, %swap3A_54], %swap3A_57 {strides = array<i32>} : memref<128x128xf32, #tpu.memory_space<vmem>>, vector<1x16xf32>,
      %swap3A_58 = arith.index_cast %scan3A_53 : i32 to index
      %swap3A_59 = arith.constant 16 : index
      %swap3A_60 = tpu.vector_load %arg10[%swap3A_58, %swap3A_59] {strides = array<i32>} : memref<128x128xf32, #tpu.memory_space<vmem>>, vector<1x16xf32>,
      %swap3A_61 = vector.shape_cast %swap3A_60 : vector<1x16xf32> to vector<16xf32>
      %swap3A_62 = vector.shape_cast %broadcast_in_dim3A_18 : vector<16xf32> to vector<1x16xf32>
      tpu.vector_store %arg10[%swap3A_58, %swap3A_59], %swap3A_62 {strides = array<i32>} : memref<128x128xf32, #tpu.memory_space<vmem>>, vector<1x16xf32>,
      %swap3A_63 = arith.index_cast %scan3A_53 : i32 to index
      %swap3A_64 = arith.constant 32 : index
      %swap3A_65 = tpu.vector_load %arg10[%swap3A_63, %swap3A_64] {strides = array<i32>} : memref<128x128xf32, #tpu.memory_space<vmem>>, vector<1x16xf32>,
      %swap3A_66 = vector.shape_cast %swap3A_65 : vector<1x16xf32> to vector<16xf32>
      %swap3A_67 = vector.shape_cast %broadcast_in_dim3A_18 : vector<16xf32> to vector<1x16xf32>
      tpu.vector_store %arg10[%swap3A_63, %swap3A_64], %swap3A_67 {strides = array<i32>} : memref<128x128xf32, #tpu.memory_space<vmem>>, vector<1x16xf32>,
      %swap3A_68 = arith.index_cast %scan3A_53 : i32 to index
      %swap3A_69 = arith.constant 48 : index
      %swap3A_70 = tpu.vector_load %arg10[%swap3A_68, %swap3A_69] {strides = array<i32>} : memref<128x128xf32, #tpu.memory_space<vmem>>, vector<1x16xf32>,
      %swap3A_71 = vector.shape_cast %swap3A_70 : vector<1x16xf32> to vector<16xf32>
      %swap3A_72 = vector.shape_cast %broadcast_in_dim3A_18 : vector<16xf32> to vector<1x16xf32>
      tpu.vector_store %arg10[%swap3A_68, %swap3A_69], %swap3A_72 {strides = array<i32>} : memref<128x128xf32, #tpu.memory_space<vmem>>, vector<1x16xf32>,
      %swap3A_73 = arith.index_cast %scan3A_53 : i32 to index
      %swap3A_74 = arith.constant 64 : index
      %swap3A_75 = tpu.vector_load %arg10[%swap3A_73, %swap3A_74] {strides = array<i32>} : memref<128x128xf32, #tpu.memory_space<vmem>>, vector<1x16xf32>,
      %swap3A_76 = vector.shape_cast %swap3A_75 : vector<1x16xf32> to vector<16xf32>
      %swap3A_77 = vector.shape_cast %broadcast_in_dim3A_18 : vector<16xf32> to vector<1x16xf32>
      tpu.vector_store %arg10[%swap3A_73, %swap3A_74], %swap3A_77 {strides = array<i32>} : memref<128x128xf32, #tpu.memory_space<vmem>>, vector<1x16xf32>,
      %swap3A_78 = arith.index_cast %scan3A_53 : i32 to index
      %swap3A_79 = arith.constant 80 : index
      %swap3A_80 = tpu.vector_load %arg10[%swap3A_78, %swap3A_79] {strides = array<i32>} : memref<128x128xf32, #tpu.memory_space<vmem>>, vector<1x16xf32>,
      %swap3A_81 = vector.shape_cast %swap3A_80 : vector<1x16xf32> to vector<16xf32>
      %swap3A_82 = vector.shape_cast %broadcast_in_dim3A_18 : vector<16xf32> to vector<1x16xf32>
      tpu.vector_store %arg10[%swap3A_78, %swap3A_79], %swap3A_82 {strides = array<i32>} : memref<128x128xf32, #tpu.memory_space<vmem>>, vector<1x16xf32>,
      %swap3A_83 = arith.index_cast %scan3A_53 : i32 to index
      %swap3A_84 = arith.constant 96 : index
      %swap3A_85 = tpu.vector_load %arg10[%swap3A_83, %swap3A_84] {strides = array<i32>} : memref<128x128xf32, #tpu.memory_space<vmem>>, vector<1x16xf32>,
      %swap3A_86 = vector.shape_cast %swap3A_85 : vector<1x16xf32> to vector<16xf32>
      %swap3A_87 = vector.shape_cast %broadcast_in_dim3A_18 : vector<16xf32> to vector<1x16xf32>
      tpu.vector_store %arg10[%swap3A_83, %swap3A_84], %swap3A_87 {strides = array<i32>} : memref<128x128xf32, #tpu.memory_space<vmem>>, vector<1x16xf32>,
      %swap3A_88 = arith.index_cast %scan3A_53 : i32 to index
      %swap3A_89 = arith.constant 112 : index
      %swap3A_90 = tpu.vector_load %arg10[%swap3A_88, %swap3A_89] {strides = array<i32>} : memref<128x128xf32, #tpu.memory_space<vmem>>, vector<1x16xf32>,
      %swap3A_91 = vector.shape_cast %swap3A_90 : vector<1x16xf32> to vector<16xf32>
      %swap3A_92 = vector.shape_cast %broadcast_in_dim3A_18 : vector<16xf32> to vector<1x16xf32>
      tpu.vector_store %arg10[%swap3A_88, %swap3A_89], %swap3A_92 {strides = array<i32>} : memref<128x128xf32, #tpu.memory_space<vmem>>, vector<1x16xf32>,
    }
    %scan3A_22 = arith.constant 128 : i32
    %mul3A_23 = arith.constant 640 : i32
    %mul3A_24 = arith.muli %arg1, %mul3A_23 : i32
    %add3A_25 = arith.constant 0 : i32
    %add3A_26 = arith.addi %mul3A_24, %add3A_25 : i32
    "tpu.region"() ({
      %run_scoped3A_53 = tpu.sem_alloc : memref<!tpu.dma_semaphore, #tpu.memory_space<semaphore_mem>>
      %dma_start3A_54 = arith.constant 0 : i32
      %dma_start3A_55 = tpu.memref_slice %arg12[%add3A_26, %dma_start3A_54] : memref<10240x128xf32, #tpu.memory_space<vmem_shared>> -> memref<128x128xf32, #tpu.memory_space<vmem_shared>>
      %dma_start3A_56 = arith.constant 0 : i32
      %dma_start3A_57 = tpu.memref_slice %arg12[%add3A_26, %dma_start3A_56] : memref<10240x128xf32, #tpu.memory_space<vmem_shared>> -> memref<128x128xf32, #tpu.memory_space<vmem_shared>>
      tpu.enqueue_dma source(%arg10 : memref<128x128xf32, #tpu.memory_space<vmem>>) target(%dma_start3A_57 : memref<128x128xf32, #tpu.memory_space<vmem_shared>>) target_semaphore(%run_scoped3A_53 : memref<!tpu.dma_semaphore, #tpu.memory_space<semaphore_mem>>)
      %dma_wait3A = arith.constant 0 : i32
      %dma_wait3A_58 = tpu.memref_slice %arg12[%add3A_26, %dma_wait3A] : memref<10240x128xf32, #tpu.memory_space<vmem_shared>> -> memref<128x128xf32, #tpu.memory_space<vmem_shared>>
      %dma_wait3A_59 = arith.constant 0 : i32
      %dma_wait3A_60 = tpu.memref_slice %arg12[%add3A_26, %dma_wait3A_59] : memref<10240x128xf32, #tpu.memory_space<vmem_shared>> -> memref<128x128xf32, #tpu.memory_space<vmem_shared>>
      tpu.wait_dma2 semaphore(%run_scoped3A_53 : memref<!tpu.dma_semaphore, #tpu.memory_space<semaphore_mem>>) src(%arg10 : memref<128x128xf32, #tpu.memory_space<vmem>>) dst(%dma_wait3A_60 : memref<128x128xf32, #tpu.memory_space<vmem_shared>>)
      tpu.yield
    }) : () -> ()
    %mul3A_27 = arith.constant 640 : i32
    %mul3A_28 = arith.muli %arg1, %mul3A_27 : i32
    %add3A_29 = arith.constant 128 : i32
    %add3A_30 = arith.addi %mul3A_28, %add3A_29 : i32
    "tpu.region"() ({
      %run_scoped3A_53 = tpu.sem_alloc : memref<!tpu.dma_semaphore, #tpu.memory_space<semaphore_mem>>
      %dma_start3A_54 = arith.constant 0 : i32
      %dma_start3A_55 = tpu.memref_slice %arg12[%add3A_30, %dma_start3A_54] : memref<10240x128xf32, #tpu.memory_space<vmem_shared>> -> memref<128x128xf32, #tpu.memory_space<vmem_shared>>
      %dma_start3A_56 = arith.constant 0 : i32
      %dma_start3A_57 = tpu.memref_slice %arg12[%add3A_30, %dma_start3A_56] : memref<10240x128xf32, #tpu.memory_space<vmem_shared>> -> memref<128x128xf32, #tpu.memory_space<vmem_shared>>
      tpu.enqueue_dma source(%arg10 : memref<128x128xf32, #tpu.memory_space<vmem>>) target(%dma_start3A_57 : memref<128x128xf32, #tpu.memory_space<vmem_shared>>) target_semaphore(%run_scoped3A_53 : memref<!tpu.dma_semaphore, #tpu.memory_space<semaphore_mem>>)
      %dma_wait3A = arith.constant 0 : i32
      %dma_wait3A_58 = tpu.memref_slice %arg12[%add3A_30, %dma_wait3A] : memref<10240x128xf32, #tpu.memory_space<vmem_shared>> -> memref<128x128xf32, #tpu.memory_space<vmem_shared>>
      %dma_wait3A_59 = arith.constant 0 : i32
      %dma_wait3A_60 = tpu.memref_slice %arg12[%add3A_30, %dma_wait3A_59] : memref<10240x128xf32, #tpu.memory_space<vmem_shared>> -> memref<128x128xf32, #tpu.memory_space<vmem_shared>>
      tpu.wait_dma2 semaphore(%run_scoped3A_53 : memref<!tpu.dma_semaphore, #tpu.memory_space<semaphore_mem>>) src(%arg10 : memref<128x128xf32, #tpu.memory_space<vmem>>) dst(%dma_wait3A_60 : memref<128x128xf32, #tpu.memory_space<vmem_shared>>)
      tpu.yield
    }) : () -> ()
    %mul3A_31 = arith.constant 640 : i32
    %mul3A_32 = arith.muli %arg1, %mul3A_31 : i32
    %add3A_33 = arith.constant 256 : i32
    %add3A_34 = arith.addi %mul3A_32, %add3A_33 : i32
    "tpu.region"() ({
      %run_scoped3A_53 = tpu.sem_alloc : memref<!tpu.dma_semaphore, #tpu.memory_space<semaphore_mem>>
      %dma_start3A_54 = arith.constant 0 : i32
      %dma_start3A_55 = tpu.memref_slice %arg12[%add3A_34, %dma_start3A_54] : memref<10240x128xf32, #tpu.memory_space<vmem_shared>> -> memref<128x128xf32, #tpu.memory_space<vmem_shared>>
      %dma_start3A_56 = arith.constant 0 : i32
      %dma_start3A_57 = tpu.memref_slice %arg12[%add3A_34, %dma_start3A_56] : memref<10240x128xf32, #tpu.memory_space<vmem_shared>> -> memref<128x128xf32, #tpu.memory_space<vmem_shared>>
      tpu.enqueue_dma source(%arg10 : memref<128x128xf32, #tpu.memory_space<vmem>>) target(%dma_start3A_57 : memref<128x128xf32, #tpu.memory_space<vmem_shared>>) target_semaphore(%run_scoped3A_53 : memref<!tpu.dma_semaphore, #tpu.memory_space<semaphore_mem>>)
      %dma_wait3A = arith.constant 0 : i32
      %dma_wait3A_58 = tpu.memref_slice %arg12[%add3A_34, %dma_wait3A] : memref<10240x128xf32, #tpu.memory_space<vmem_shared>> -> memref<128x128xf32, #tpu.memory_space<vmem_shared>>
      %dma_wait3A_59 = arith.constant 0 : i32
      %dma_wait3A_60 = tpu.memref_slice %arg12[%add3A_34, %dma_wait3A_59] : memref<10240x128xf32, #tpu.memory_space<vmem_shared>> -> memref<128x128xf32, #tpu.memory_space<vmem_shared>>
      tpu.wait_dma2 semaphore(%run_scoped3A_53 : memref<!tpu.dma_semaphore, #tpu.memory_space<semaphore_mem>>) src(%arg10 : memref<128x128xf32, #tpu.memory_space<vmem>>) dst(%dma_wait3A_60 : memref<128x128xf32, #tpu.memory_space<vmem_shared>>)
      tpu.yield
    }) : () -> ()
    %mul3A_35 = arith.constant 640 : i32
    %mul3A_36 = arith.muli %arg1, %mul3A_35 : i32
    %add3A_37 = arith.constant 384 : i32
    %add3A_38 = arith.addi %mul3A_36, %add3A_37 : i32
    "tpu.region"() ({
      %run_scoped3A_53 = tpu.sem_alloc : memref<!tpu.dma_semaphore, #tpu.memory_space<semaphore_mem>>
      %dma_start3A_54 = arith.constant 0 : i32
      %dma_start3A_55 = tpu.memref_slice %arg12[%add3A_38, %dma_start3A_54] : memref<10240x128xf32, #tpu.memory_space<vmem_shared>> -> memref<128x128xf32, #tpu.memory_space<vmem_shared>>
      %dma_start3A_56 = arith.constant 0 : i32
      %dma_start3A_57 = tpu.memref_slice %arg12[%add3A_38, %dma_start3A_56] : memref<10240x128xf32, #tpu.memory_space<vmem_shared>> -> memref<128x128xf32, #tpu.memory_space<vmem_shared>>
      tpu.enqueue_dma source(%arg10 : memref<128x128xf32, #tpu.memory_space<vmem>>) target(%dma_start3A_57 : memref<128x128xf32, #tpu.memory_space<vmem_shared>>) target_semaphore(%run_scoped3A_53 : memref<!tpu.dma_semaphore, #tpu.memory_space<semaphore_mem>>)
      %dma_wait3A = arith.constant 0 : i32
      %dma_wait3A_58 = tpu.memref_slice %arg12[%add3A_38, %dma_wait3A] : memref<10240x128xf32, #tpu.memory_space<vmem_shared>> -> memref<128x128xf32, #tpu.memory_space<vmem_shared>>
      %dma_wait3A_59 = arith.constant 0 : i32
      %dma_wait3A_60 = tpu.memref_slice %arg12[%add3A_38, %dma_wait3A_59] : memref<10240x128xf32, #tpu.memory_space<vmem_shared>> -> memref<128x128xf32, #tpu.memory_space<vmem_shared>>
      tpu.wait_dma2 semaphore(%run_scoped3A_53 : memref<!tpu.dma_semaphore, #tpu.memory_space<semaphore_mem>>) src(%arg10 : memref<128x128xf32, #tpu.memory_space<vmem>>) dst(%dma_wait3A_60 : memref<128x128xf32, #tpu.memory_space<vmem_shared>>)
      tpu.yield
    }) : () -> ()
    %mul3A_39 = arith.constant 640 : i32
    %mul3A_40 = arith.muli %arg1, %mul3A_39 : i32
    %add3A_41 = arith.constant 512 : i32
    %add3A_42 = arith.addi %mul3A_40, %add3A_41 : i32
    "tpu.region"() ({
      %run_scoped3A_53 = tpu.sem_alloc : memref<!tpu.dma_semaphore, #tpu.memory_space<semaphore_mem>>
      %dma_start3A_54 = arith.constant 0 : i32
      %dma_start3A_55 = tpu.memref_slice %arg12[%add3A_42, %dma_start3A_54] : memref<10240x128xf32, #tpu.memory_space<vmem_shared>> -> memref<128x128xf32, #tpu.memory_space<vmem_shared>>
      %dma_start3A_56 = arith.constant 0 : i32
      %dma_start3A_57 = tpu.memref_slice %arg12[%add3A_42, %dma_start3A_56] : memref<10240x128xf32, #tpu.memory_space<vmem_shared>> -> memref<128x128xf32, #tpu.memory_space<vmem_shared>>
      tpu.enqueue_dma source(%arg10 : memref<128x128xf32, #tpu.memory_space<vmem>>) target(%dma_start3A_57 : memref<128x128xf32, #tpu.memory_space<vmem_shared>>) target_semaphore(%run_scoped3A_53 : memref<!tpu.dma_semaphore, #tpu.memory_space<semaphore_mem>>)
      %dma_wait3A = arith.constant 0 : i32
      %dma_wait3A_58 = tpu.memref_slice %arg12[%add3A_42, %dma_wait3A] : memref<10240x128xf32, #tpu.memory_space<vmem_shared>> -> memref<128x128xf32, #tpu.memory_space<vmem_shared>>
      %dma_wait3A_59 = arith.constant 0 : i32
      %dma_wait3A_60 = tpu.memref_slice %arg12[%add3A_42, %dma_wait3A_59] : memref<10240x128xf32, #tpu.memory_space<vmem_shared>> -> memref<128x128xf32, #tpu.memory_space<vmem_shared>>
      tpu.wait_dma2 semaphore(%run_scoped3A_53 : memref<!tpu.dma_semaphore, #tpu.memory_space<semaphore_mem>>) src(%arg10 : memref<128x128xf32, #tpu.memory_space<vmem>>) dst(%dma_wait3A_60 : memref<128x128xf32, #tpu.memory_space<vmem_shared>>)
      tpu.yield
    }) : () -> ()
    %barrier3A = arith.constant 0 : index
    tpu.barrier barrier_id(%barrier3A)
    %scan3A_43 = arith.constant 0 : i32
    %scan3A_44 = arith.constant 40 : i32
    %scan3A_45 = arith.addi %scan3A_43, %scan3A_44 : i32
    %scan3A_46 = arith.constant 1 : i32
    scf.for %scan3A_53 = %scan3A_43 to %scan3A_45 step %scan3A_46  : i32 {
      %mul3A_54 = arith.constant 2 : i32
      %mul3A_55 = arith.muli %mul3A_54, %scan3A_53 : i32
      %add3A_56 = arith.constant 1 : i32
      %add3A_57 = arith.addi %mul3A_55, %add3A_56 : i32
      %lt3A = arith.constant 39 : i32
      %lt3A_58 = arith.cmpi slt, %scan3A_53, %lt3A : i32
      %add3A_59 = arith.constant 1 : i32
      %add3A_60 = arith.addi %mul3A_55, %add3A_59 : i32
      %dma_wait3A = arith.constant 0 : i32
      %dma_wait3A_61 = tpu.memref_slice %arg2[%add3A, %add3A_60, %dma_wait3A] : memref<32x80x128xi32, #tpu.memory_space<hbm>> -> memref<1x1x128xi32, #tpu.memory_space<hbm>>
      %dma_wait3A_62 = tpu.memref_squeeze %dma_wait3A_61 : memref<1x1x128xi32, #tpu.memory_space<hbm>> -> memref<128xi32, #tpu.memory_space<hbm>>
      %dma_wait3A_63 = arith.constant 0 : i32
      %dma_wait3A_64 = tpu.memref_slice %arg2[%add3A, %add3A_60, %dma_wait3A_63] : memref<32x80x128xi32, #tpu.memory_space<hbm>> -> memref<1x1x128xi32, #tpu.memory_space<hbm>>
      %dma_wait3A_65 = tpu.memref_squeeze %dma_wait3A_64 : memref<1x1x128xi32, #tpu.memory_space<hbm>> -> memref<128xi32, #tpu.memory_space<hbm>>
      tpu.wait_dma2 semaphore(%arg16 : memref<!tpu.dma_semaphore, #tpu.memory_space<semaphore_mem>>) src(%dma_wait3A_65 : memref<128xi32, #tpu.memory_space<hbm>>) dst(%arg7 : memref<128xi32, #tpu.memory_space<vmem>>)
      %add3A_66 = arith.constant 1 : i32
      %add3A_67 = arith.addi %mul3A_55, %add3A_66 : i32
      %dma_wait3A_68 = arith.constant 0 : i32
      %dma_wait3A_69 = tpu.memref_slice %arg3[%add3A, %add3A_67, %dma_wait3A_68] : memref<32x80x128xi32, #tpu.memory_space<hbm>> -> memref<1x1x128xi32, #tpu.memory_space<hbm>>
      %dma_wait3A_70 = tpu.memref_squeeze %dma_wait3A_69 : memref<1x1x128xi32, #tpu.memory_space<hbm>> -> memref<128xi32, #tpu.memory_space<hbm>>
      %dma_wait3A_71 = arith.constant 0 : i32
      %dma_wait3A_72 = tpu.memref_slice %arg3[%add3A, %add3A_67, %dma_wait3A_71] : memref<32x80x128xi32, #tpu.memory_space<hbm>> -> memref<1x1x128xi32, #tpu.memory_space<hbm>>
      %dma_wait3A_73 = tpu.memref_squeeze %dma_wait3A_72 : memref<1x1x128xi32, #tpu.memory_space<hbm>> -> memref<128xi32, #tpu.memory_space<hbm>>
      tpu.wait_dma2 semaphore(%arg16 : memref<!tpu.dma_semaphore, #tpu.memory_space<semaphore_mem>>) src(%dma_wait3A_73 : memref<128xi32, #tpu.memory_space<hbm>>) dst(%arg9 : memref<128xi32, #tpu.memory_space<vmem>>)
      %dma_wait3A_74 = arith.constant 0 : i32
      %dma_wait3A_75 = arith.constant 0 : i32
      %dma_wait3A_76 = tpu.memref_slice %arg4[%dma_wait3A_74, %dma_wait3A_75] : memref<10240x128xf32, #tpu.memory_space<hbm>> -> memref<10240x128xf32, #tpu.memory_space<hbm>>
      tpu.wait_indirect_dma semaphore(%arg13 : memref<!tpu.dma_semaphore, #tpu.memory_space<semaphore_mem>>) src(%dma_wait3A_76 : memref<10240x128xf32, #tpu.memory_space<hbm>>) dst(%arg11 : memref<128x128xf32, #tpu.memory_space<vmem>>)
      %dma_start3A_77 = arith.constant 0 : i32
      %dma_start3A_78 = arith.constant 0 : i32
      %dma_start3A_79 = tpu.memref_slice %arg4[%dma_start3A_77, %dma_start3A_78] : memref<10240x128xf32, #tpu.memory_space<hbm>> -> memref<10240x128xf32, #tpu.memory_space<hbm>>
      tpu.enqueue_indirect_dma source(%dma_start3A_79 : memref<10240x128xf32, #tpu.memory_space<hbm>>) target(%arg10 : memref<128x128xf32, #tpu.memory_space<vmem>>) offsets(%arg7 : memref<128xi32, #tpu.memory_space<vmem>>) semaphore(%arg14 : memref<!tpu.dma_semaphore, #tpu.memory_space<semaphore_mem>>)
      %convert_element_type3A = arith.extui %lt3A_58 : i1 to i32
      %cond3A = arith.constant 0 : i32
      %cond3A_80 = arith.cmpi ne, %convert_element_type3A, %cond3A : i32
      scf.if %cond3A_80 {
        %add3A_99 = arith.constant 2 : i32
        %add3A_100 = arith.addi %mul3A_55, %add3A_99 : i32
        %dma_start3A_101 = arith.constant 0 : i32
        %dma_start3A_102 = tpu.memref_slice %arg2[%add3A, %add3A_100, %dma_start3A_101] : memref<32x80x128xi32, #tpu.memory_space<hbm>> -> memref<1x1x128xi32, #tpu.memory_space<hbm>>
        %dma_start3A_103 = tpu.memref_squeeze %dma_start3A_102 : memref<1x1x128xi32, #tpu.memory_space<hbm>> -> memref<128xi32, #tpu.memory_space<hbm>>
        %dma_start3A_104 = arith.constant 0 : i32
        %dma_start3A_105 = tpu.memref_slice %arg2[%add3A, %add3A_100, %dma_start3A_104] : memref<32x80x128xi32, #tpu.memory_space<hbm>> -> memref<1x1x128xi32, #tpu.memory_space<hbm>>
        %dma_start3A_106 = tpu.memref_squeeze %dma_start3A_105 : memref<1x1x128xi32, #tpu.memory_space<hbm>> -> memref<128xi32, #tpu.memory_space<hbm>>
        tpu.enqueue_dma source(%dma_start3A_106 : memref<128xi32, #tpu.memory_space<hbm>>) target(%arg6 : memref<128xi32, #tpu.memory_space<vmem>>) target_semaphore(%arg15 : memref<!tpu.dma_semaphore, #tpu.memory_space<semaphore_mem>>)
      } else {
      }
      "tpu.region"() ({
        %run_scoped3A_99 = tpu.sem_alloc : memref<!tpu.dma_semaphore, #tpu.memory_space<semaphore_mem>>
        %dma_start3A_100 = arith.constant 0 : i32
        %dma_start3A_101 = arith.constant 0 : i32
        %dma_start3A_102 = tpu.memref_slice %arg12[%dma_start3A_100, %dma_start3A_101] : memref<10240x128xf32, #tpu.memory_space<vmem_shared>> -> memref<10240x128xf32, #tpu.memory_space<vmem_shared>>
        tpu.enqueue_indirect_dma source(%arg11 : memref<128x128xf32, #tpu.memory_space<vmem>>) target(%dma_start3A_102 : memref<10240x128xf32, #tpu.memory_space<vmem_shared>>) offsets(%arg8 : memref<128xi32, #tpu.memory_space<vmem>>) semaphore(%run_scoped3A_99 : memref<!tpu.dma_semaphore, #tpu.memory_space<semaphore_mem>>) {add = true}
        %dma_wait3A_103 = arith.constant 0 : i32
        %dma_wait3A_104 = arith.constant 0 : i32
        %dma_wait3A_105 = tpu.memref_slice %arg12[%dma_wait3A_103, %dma_wait3A_104] : memref<10240x128xf32, #tpu.memory_space<vmem_shared>> -> memref<10240x128xf32, #tpu.memory_space<vmem_shared>>
        tpu.wait_indirect_dma semaphore(%run_scoped3A_99 : memref<!tpu.dma_semaphore, #tpu.memory_space<semaphore_mem>>) src(%arg11 : memref<128x128xf32, #tpu.memory_space<vmem>>) dst(%dma_wait3A_105 : memref<10240x128xf32, #tpu.memory_space<vmem_shared>>)
        tpu.yield
      }) : () -> ()
      %convert_element_type3A_81 = arith.extui %lt3A_58 : i1 to i32
      %cond3A_82 = arith.constant 0 : i32
      %cond3A_83 = arith.cmpi ne, %convert_element_type3A_81, %cond3A_82 : i32
      scf.if %cond3A_83 {
        %add3A_99 = arith.constant 2 : i32
        %add3A_100 = arith.addi %mul3A_55, %add3A_99 : i32
        %dma_start3A_101 = arith.constant 0 : i32
        %dma_start3A_102 = tpu.memref_slice %arg3[%add3A, %add3A_100, %dma_start3A_101] : memref<32x80x128xi32, #tpu.memory_space<hbm>> -> memref<1x1x128xi32, #tpu.memory_space<hbm>>
        %dma_start3A_103 = tpu.memref_squeeze %dma_start3A_102 : memref<1x1x128xi32, #tpu.memory_space<hbm>> -> memref<128xi32, #tpu.memory_space<hbm>>
        %dma_start3A_104 = arith.constant 0 : i32
        %dma_start3A_105 = tpu.memref_slice %arg3[%add3A, %add3A_100, %dma_start3A_104] : memref<32x80x128xi32, #tpu.memory_space<hbm>> -> memref<1x1x128xi32, #tpu.memory_space<hbm>>
        %dma_start3A_106 = tpu.memref_squeeze %dma_start3A_105 : memref<1x1x128xi32, #tpu.memory_space<hbm>> -> memref<128xi32, #tpu.memory_space<hbm>>
        tpu.enqueue_dma source(%dma_start3A_106 : memref<128xi32, #tpu.memory_space<hbm>>) target(%arg8 : memref<128xi32, #tpu.memory_space<vmem>>) target_semaphore(%arg15 : memref<!tpu.dma_semaphore, #tpu.memory_space<semaphore_mem>>)
      } else {
      }
      %convert_element_type3A_84 = arith.extui %lt3A_58 : i1 to i32
      %cond3A_85 = arith.constant 0 : i32
      %cond3A_86 = arith.cmpi ne, %convert_element_type3A_84, %cond3A_85 : i32
      scf.if %cond3A_86 {
        %add3A_99 = arith.constant 1 : i32
        %add3A_100 = arith.addi %add3A_57, %add3A_99 : i32
        %dma_wait3A_101 = arith.constant 0 : i32
        %dma_wait3A_102 = tpu.memref_slice %arg2[%add3A, %add3A_100, %dma_wait3A_101] : memref<32x80x128xi32, #tpu.memory_space<hbm>> -> memref<1x1x128xi32, #tpu.memory_space<hbm>>
        %dma_wait3A_103 = tpu.memref_squeeze %dma_wait3A_102 : memref<1x1x128xi32, #tpu.memory_space<hbm>> -> memref<128xi32, #tpu.memory_space<hbm>>
        %dma_wait3A_104 = arith.constant 0 : i32
        %dma_wait3A_105 = tpu.memref_slice %arg2[%add3A, %add3A_100, %dma_wait3A_104] : memref<32x80x128xi32, #tpu.memory_space<hbm>> -> memref<1x1x128xi32, #tpu.memory_space<hbm>>
        %dma_wait3A_106 = tpu.memref_squeeze %dma_wait3A_105 : memref<1x1x128xi32, #tpu.memory_space<hbm>> -> memref<128xi32, #tpu.memory_space<hbm>>
        tpu.wait_dma2 semaphore(%arg15 : memref<!tpu.dma_semaphore, #tpu.memory_space<semaphore_mem>>) src(%dma_wait3A_106 : memref<128xi32, #tpu.memory_space<hbm>>) dst(%arg6 : memref<128xi32, #tpu.memory_space<vmem>>)
        %add3A_107 = arith.constant 1 : i32
        %add3A_108 = arith.addi %add3A_57, %add3A_107 : i32
        %dma_wait3A_109 = arith.constant 0 : i32
        %dma_wait3A_110 = tpu.memref_slice %arg3[%add3A, %add3A_108, %dma_wait3A_109] : memref<32x80x128xi32, #tpu.memory_space<hbm>> -> memref<1x1x128xi32, #tpu.memory_space<hbm>>
        %dma_wait3A_111 = tpu.memref_squeeze %dma_wait3A_110 : memref<1x1x128xi32, #tpu.memory_space<hbm>> -> memref<128xi32, #tpu.memory_space<hbm>>
        %dma_wait3A_112 = arith.constant 0 : i32
        %dma_wait3A_113 = tpu.memref_slice %arg3[%add3A, %add3A_108, %dma_wait3A_112] : memref<32x80x128xi32, #tpu.memory_space<hbm>> -> memref<1x1x128xi32, #tpu.memory_space<hbm>>
        %dma_wait3A_114 = tpu.memref_squeeze %dma_wait3A_113 : memref<1x1x128xi32, #tpu.memory_space<hbm>> -> memref<128xi32, #tpu.memory_space<hbm>>
        tpu.wait_dma2 semaphore(%arg15 : memref<!tpu.dma_semaphore, #tpu.memory_space<semaphore_mem>>) src(%dma_wait3A_114 : memref<128xi32, #tpu.memory_space<hbm>>) dst(%arg8 : memref<128xi32, #tpu.memory_space<vmem>>)
      } else {
      }
      %dma_wait3A_87 = arith.constant 0 : i32
      %dma_wait3A_88 = arith.constant 0 : i32
      %dma_wait3A_89 = tpu.memref_slice %arg4[%dma_wait3A_87, %dma_wait3A_88] : memref<10240x128xf32, #tpu.memory_space<hbm>> -> memref<10240x128xf32, #tpu.memory_space<hbm>>
      tpu.wait_indirect_dma semaphore(%arg14 : memref<!tpu.dma_semaphore, #tpu.memory_space<semaphore_mem>>) src(%dma_wait3A_89 : memref<10240x128xf32, #tpu.memory_space<hbm>>) dst(%arg10 : memref<128x128xf32, #tpu.memory_space<vmem>>)
      %convert_element_type3A_90 = arith.extui %lt3A_58 : i1 to i32
      %cond3A_91 = arith.constant 0 : i32
      %cond3A_92 = arith.cmpi ne, %convert_element_type3A_90, %cond3A_91 : i32
      scf.if %cond3A_92 {
        %dma_start3A_99 = arith.constant 0 : i32
        %dma_start3A_100 = arith.constant 0 : i32
        %dma_start3A_101 = tpu.memref_slice %arg4[%dma_start3A_99, %dma_start3A_100] : memref<10240x128xf32, #tpu.memory_space<hbm>> -> memref<10240x128xf32, #tpu.memory_space<hbm>>
        tpu.enqueue_indirect_dma source(%dma_start3A_101 : memref<10240x128xf32, #tpu.memory_space<hbm>>) target(%arg11 : memref<128x128xf32, #tpu.memory_space<vmem>>) offsets(%arg6 : memref<128xi32, #tpu.memory_space<vmem>>) semaphore(%arg13 : memref<!tpu.dma_semaphore, #tpu.memory_space<semaphore_mem>>)
      } else {
      }
      %convert_element_type3A_93 = arith.extui %lt3A_58 : i1 to i32
      %cond3A_94 = arith.constant 0 : i32
      %cond3A_95 = arith.cmpi ne, %convert_element_type3A_93, %cond3A_94 : i32
      scf.if %cond3A_95 {
        %add3A_99 = arith.constant 2 : i32
        %add3A_100 = arith.addi %add3A_57, %add3A_99 : i32
        %dma_start3A_101 = arith.constant 0 : i32
        %dma_start3A_102 = tpu.memref_slice %arg2[%add3A, %add3A_100, %dma_start3A_101] : memref<32x80x128xi32, #tpu.memory_space<hbm>> -> memref<1x1x128xi32, #tpu.memory_space<hbm>>
        %dma_start3A_103 = tpu.memref_squeeze %dma_start3A_102 : memref<1x1x128xi32, #tpu.memory_space<hbm>> -> memref<128xi32, #tpu.memory_space<hbm>>
        %dma_start3A_104 = arith.constant 0 : i32
        %dma_start3A_105 = tpu.memref_slice %arg2[%add3A, %add3A_100, %dma_start3A_104] : memref<32x80x128xi32, #tpu.memory_space<hbm>> -> memref<1x1x128xi32, #tpu.memory_space<hbm>>
        %dma_start3A_106 = tpu.memref_squeeze %dma_start3A_105 : memref<1x1x128xi32, #tpu.memory_space<hbm>> -> memref<128xi32, #tpu.memory_space<hbm>>
        tpu.enqueue_dma source(%dma_start3A_106 : memref<128xi32, #tpu.memory_space<hbm>>) target(%arg7 : memref<128xi32, #tpu.memory_space<vmem>>) target_semaphore(%arg16 : memref<!tpu.dma_semaphore, #tpu.memory_space<semaphore_mem>>)
      } else {
      }
      "tpu.region"() ({
        %run_scoped3A_99 = tpu.sem_alloc : memref<!tpu.dma_semaphore, #tpu.memory_space<semaphore_mem>>
        %dma_start3A_100 = arith.constant 0 : i32
        %dma_start3A_101 = arith.constant 0 : i32
        %dma_start3A_102 = tpu.memref_slice %arg12[%dma_start3A_100, %dma_start3A_101] : memref<10240x128xf32, #tpu.memory_space<vmem_shared>> -> memref<10240x128xf32, #tpu.memory_space<vmem_shared>>
        tpu.enqueue_indirect_dma source(%arg10 : memref<128x128xf32, #tpu.memory_space<vmem>>) target(%dma_start3A_102 : memref<10240x128xf32, #tpu.memory_space<vmem_shared>>) offsets(%arg9 : memref<128xi32, #tpu.memory_space<vmem>>) semaphore(%run_scoped3A_99 : memref<!tpu.dma_semaphore, #tpu.memory_space<semaphore_mem>>) {add = true}
        %dma_wait3A_103 = arith.constant 0 : i32
        %dma_wait3A_104 = arith.constant 0 : i32
        %dma_wait3A_105 = tpu.memref_slice %arg12[%dma_wait3A_103, %dma_wait3A_104] : memref<10240x128xf32, #tpu.memory_space<vmem_shared>> -> memref<10240x128xf32, #tpu.memory_space<vmem_shared>>
        tpu.wait_indirect_dma semaphore(%run_scoped3A_99 : memref<!tpu.dma_semaphore, #tpu.memory_space<semaphore_mem>>) src(%arg10 : memref<128x128xf32, #tpu.memory_space<vmem>>) dst(%dma_wait3A_105 : memref<10240x128xf32, #tpu.memory_space<vmem_shared>>)
        tpu.yield
      }) : () -> ()
      %convert_element_type3A_96 = arith.extui %lt3A_58 : i1 to i32
      %cond3A_97 = arith.constant 0 : i32
      %cond3A_98 = arith.cmpi ne, %convert_element_type3A_96, %cond3A_97 : i32
      scf.if %cond3A_98 {
        %add3A_99 = arith.constant 2 : i32
        %add3A_100 = arith.addi %add3A_57, %add3A_99 : i32
        %dma_start3A_101 = arith.constant 0 : i32
        %dma_start3A_102 = tpu.memref_slice %arg3[%add3A, %add3A_100, %dma_start3A_101] : memref<32x80x128xi32, #tpu.memory_space<hbm>> -> memref<1x1x128xi32, #tpu.memory_space<hbm>>
        %dma_start3A_103 = tpu.memref_squeeze %dma_start3A_102 : memref<1x1x128xi32, #tpu.memory_space<hbm>> -> memref<128xi32, #tpu.memory_space<hbm>>
        %dma_start3A_104 = arith.constant 0 : i32
        %dma_start3A_105 = tpu.memref_slice %arg3[%add3A, %add3A_100, %dma_start3A_104] : memref<32x80x128xi32, #tpu.memory_space<hbm>> -> memref<1x1x128xi32, #tpu.memory_space<hbm>>
        %dma_start3A_106 = tpu.memref_squeeze %dma_start3A_105 : memref<1x1x128xi32, #tpu.memory_space<hbm>> -> memref<128xi32, #tpu.memory_space<hbm>>
        tpu.enqueue_dma source(%dma_start3A_106 : memref<128xi32, #tpu.memory_space<hbm>>) target(%arg9 : memref<128xi32, #tpu.memory_space<vmem>>) target_semaphore(%arg16 : memref<!tpu.dma_semaphore, #tpu.memory_space<semaphore_mem>>)
      } else {
      }
    }
    %scan3A_47 = arith.constant 40 : i32
    %barrier3A_48 = arith.constant 0 : index
    tpu.barrier barrier_id(%barrier3A_48)
    %mul3A_49 = arith.constant 640 : i32
    %mul3A_50 = arith.muli %arg1, %mul3A_49 : i32
    %mul3A_51 = arith.constant 640 : i32
    %mul3A_52 = arith.muli %arg1, %mul3A_51 : i32
    "tpu.region"() ({
      %run_scoped3A_53 = tpu.sem_alloc : memref<!tpu.dma_semaphore, #tpu.memory_space<semaphore_mem>>
      %dma_start3A_54 = arith.constant 0 : i32
      %dma_start3A_55 = tpu.memref_slice %arg5[%arg0, %mul3A_52, %dma_start3A_54] : memref<2x10240x128xf32, #tpu.memory_space<hbm>> -> memref<1x640x128xf32, #tpu.memory_space<hbm>>
      %dma_start3A_56 = tpu.memref_squeeze %dma_start3A_55 : memref<1x640x128xf32, #tpu.memory_space<hbm>> -> memref<640x128xf32, #tpu.memory_space<hbm>>
      %dma_start3A_57 = arith.constant 0 : i32
      %dma_start3A_58 = tpu.memref_slice %arg12[%mul3A_50, %dma_start3A_57] : memref<10240x128xf32, #tpu.memory_space<vmem_shared>> -> memref<640x128xf32, #tpu.memory_space<vmem_shared>>
      tpu.enqueue_dma source(%dma_start3A_58 : memref<640x128xf32, #tpu.memory_space<vmem_shared>>) target(%dma_start3A_56 : memref<640x128xf32, #tpu.memory_space<hbm>>) target_semaphore(%run_scoped3A_53 : memref<!tpu.dma_semaphore, #tpu.memory_space<semaphore_mem>>)
      %dma_wait3A = arith.constant 0 : i32
      %dma_wait3A_59 = tpu.memref_slice %arg5[%arg0, %mul3A_52, %dma_wait3A] : memref<2x10240x128xf32, #tpu.memory_space<hbm>> -> memref<1x640x128xf32, #tpu.memory_space<hbm>>
      %dma_wait3A_60 = tpu.memref_squeeze %dma_wait3A_59 : memref<1x640x128xf32, #tpu.memory_space<hbm>> -> memref<640x128xf32, #tpu.memory_space<hbm>>
      %dma_wait3A_61 = arith.constant 0 : i32
      %dma_wait3A_62 = tpu.memref_slice %arg12[%mul3A_50, %dma_wait3A_61] : memref<10240x128xf32, #tpu.memory_space<vmem_shared>> -> memref<640x128xf32, #tpu.memory_space<vmem_shared>>
      tpu.wait_dma2 semaphore(%run_scoped3A_53 : memref<!tpu.dma_semaphore, #tpu.memory_space<semaphore_mem>>) src(%dma_wait3A_62 : memref<640x128xf32, #tpu.memory_space<vmem_shared>>) dst(%dma_wait3A_60 : memref<640x128xf32, #tpu.memory_space<hbm>>)
      tpu.yield
    }) : () -> ()
    return
  }
}

#map = affine_map<(d0, d1) -> (0, 0, 0)>
module attributes {stable_mosaic.version = 14 : i64} {
  func.func @_deg_body(%arg0: i32, %arg1: i32, %arg2: memref<32x80x128xi32, #tpu.memory_space<hbm>>, %arg3: memref<32x80x128xi32, #tpu.memory_space<hbm>>, %arg4: memref<2x2x10240xf32, #tpu.memory_space<hbm>>, %arg5: memref<80x128xi32, #tpu.memory_space<vmem>>, %arg6: memref<80x128xi32, #tpu.memory_space<vmem>>, %arg7: memref<128xf32, #tpu.memory_space<vmem>>, %arg8: memref<640xf32, #tpu.memory_space<vmem>>, %arg9: memref<10240xf32, #tpu.memory_space<vmem_shared>>, %arg10: memref<10240xf32, #tpu.memory_space<vmem_shared>>, %arg11: memref<!tpu.dma_semaphore, #tpu.memory_space<semaphore_mem>>, %arg12: memref<!tpu.dma_semaphore, #tpu.memory_space<semaphore_mem>>) attributes {dimension_semantics = [#tpu.dimension_semantics<core_parallel>, #tpu.dimension_semantics<subcore_parallel>], iteration_bounds = array<i64: 2, 16>, scalar_prefetch = 0 : i64, scratch_operands = 8 : i64, tpu.core_type = #tpu.core_type<sc_vector_subcore>, window_params = [{transform_indices = #map}, {transform_indices = #map}, {transform_indices = #map}]} {
    %mul3A = arith.constant 16 : i32
    %mul3A_0 = arith.muli %arg0, %mul3A : i32
    %add3A = arith.addi %mul3A_0, %arg1 : i32
    "tpu.region"() ({
      %run_scoped3A_63 = tpu.sem_alloc : memref<!tpu.dma_semaphore, #tpu.memory_space<semaphore_mem>>
      %dma_start3A = arith.constant 0 : i32
      %dma_start3A_64 = arith.constant 0 : i32
      %dma_start3A_65 = tpu.memref_slice %arg2[%add3A, %dma_start3A, %dma_start3A_64] : memref<32x80x128xi32, #tpu.memory_space<hbm>> -> memref<1x80x128xi32, #tpu.memory_space<hbm>>
      %dma_start3A_66 = tpu.memref_squeeze %dma_start3A_65 : memref<1x80x128xi32, #tpu.memory_space<hbm>> -> memref<80x128xi32, #tpu.memory_space<hbm>>
      %dma_start3A_67 = arith.constant 0 : i32
      %dma_start3A_68 = arith.constant 0 : i32
      %dma_start3A_69 = tpu.memref_slice %arg2[%add3A, %dma_start3A_67, %dma_start3A_68] : memref<32x80x128xi32, #tpu.memory_space<hbm>> -> memref<1x80x128xi32, #tpu.memory_space<hbm>>
      %dma_start3A_70 = tpu.memref_squeeze %dma_start3A_69 : memref<1x80x128xi32, #tpu.memory_space<hbm>> -> memref<80x128xi32, #tpu.memory_space<hbm>>
      tpu.enqueue_dma source(%dma_start3A_70 : memref<80x128xi32, #tpu.memory_space<hbm>>) target(%arg5 : memref<80x128xi32, #tpu.memory_space<vmem>>) target_semaphore(%run_scoped3A_63 : memref<!tpu.dma_semaphore, #tpu.memory_space<semaphore_mem>>)
      %dma_wait3A = arith.constant 0 : i32
      %dma_wait3A_71 = arith.constant 0 : i32
      %dma_wait3A_72 = tpu.memref_slice %arg2[%add3A, %dma_wait3A, %dma_wait3A_71] : memref<32x80x128xi32, #tpu.memory_space<hbm>> -> memref<1x80x128xi32, #tpu.memory_space<hbm>>
      %dma_wait3A_73 = tpu.memref_squeeze %dma_wait3A_72 : memref<1x80x128xi32, #tpu.memory_space<hbm>> -> memref<80x128xi32, #tpu.memory_space<hbm>>
      %dma_wait3A_74 = arith.constant 0 : i32
      %dma_wait3A_75 = arith.constant 0 : i32
      %dma_wait3A_76 = tpu.memref_slice %arg2[%add3A, %dma_wait3A_74, %dma_wait3A_75] : memref<32x80x128xi32, #tpu.memory_space<hbm>> -> memref<1x80x128xi32, #tpu.memory_space<hbm>>
      %dma_wait3A_77 = tpu.memref_squeeze %dma_wait3A_76 : memref<1x80x128xi32, #tpu.memory_space<hbm>> -> memref<80x128xi32, #tpu.memory_space<hbm>>
      tpu.wait_dma2 semaphore(%run_scoped3A_63 : memref<!tpu.dma_semaphore, #tpu.memory_space<semaphore_mem>>) src(%dma_wait3A_77 : memref<80x128xi32, #tpu.memory_space<hbm>>) dst(%arg5 : memref<80x128xi32, #tpu.memory_space<vmem>>)
      tpu.yield
    }) : () -> ()
    "tpu.region"() ({
      %run_scoped3A_63 = tpu.sem_alloc : memref<!tpu.dma_semaphore, #tpu.memory_space<semaphore_mem>>
      %dma_start3A = arith.constant 0 : i32
      %dma_start3A_64 = arith.constant 0 : i32
      %dma_start3A_65 = tpu.memref_slice %arg3[%add3A, %dma_start3A, %dma_start3A_64] : memref<32x80x128xi32, #tpu.memory_space<hbm>> -> memref<1x80x128xi32, #tpu.memory_space<hbm>>
      %dma_start3A_66 = tpu.memref_squeeze %dma_start3A_65 : memref<1x80x128xi32, #tpu.memory_space<hbm>> -> memref<80x128xi32, #tpu.memory_space<hbm>>
      %dma_start3A_67 = arith.constant 0 : i32
      %dma_start3A_68 = arith.constant 0 : i32
      %dma_start3A_69 = tpu.memref_slice %arg3[%add3A, %dma_start3A_67, %dma_start3A_68] : memref<32x80x128xi32, #tpu.memory_space<hbm>> -> memref<1x80x128xi32, #tpu.memory_space<hbm>>
      %dma_start3A_70 = tpu.memref_squeeze %dma_start3A_69 : memref<1x80x128xi32, #tpu.memory_space<hbm>> -> memref<80x128xi32, #tpu.memory_space<hbm>>
      tpu.enqueue_dma source(%dma_start3A_70 : memref<80x128xi32, #tpu.memory_space<hbm>>) target(%arg6 : memref<80x128xi32, #tpu.memory_space<vmem>>) target_semaphore(%run_scoped3A_63 : memref<!tpu.dma_semaphore, #tpu.memory_space<semaphore_mem>>)
      %dma_wait3A = arith.constant 0 : i32
      %dma_wait3A_71 = arith.constant 0 : i32
      %dma_wait3A_72 = tpu.memref_slice %arg3[%add3A, %dma_wait3A, %dma_wait3A_71] : memref<32x80x128xi32, #tpu.memory_space<hbm>> -> memref<1x80x128xi32, #tpu.memory_space<hbm>>
      %dma_wait3A_73 = tpu.memref_squeeze %dma_wait3A_72 : memref<1x80x128xi32, #tpu.memory_space<hbm>> -> memref<80x128xi32, #tpu.memory_space<hbm>>
      %dma_wait3A_74 = arith.constant 0 : i32
      %dma_wait3A_75 = arith.constant 0 : i32
      %dma_wait3A_76 = tpu.memref_slice %arg3[%add3A, %dma_wait3A_74, %dma_wait3A_75] : memref<32x80x128xi32, #tpu.memory_space<hbm>> -> memref<1x80x128xi32, #tpu.memory_space<hbm>>
      %dma_wait3A_77 = tpu.memref_squeeze %dma_wait3A_76 : memref<1x80x128xi32, #tpu.memory_space<hbm>> -> memref<80x128xi32, #tpu.memory_space<hbm>>
      tpu.wait_dma2 semaphore(%run_scoped3A_63 : memref<!tpu.dma_semaphore, #tpu.memory_space<semaphore_mem>>) src(%dma_wait3A_77 : memref<80x128xi32, #tpu.memory_space<hbm>>) dst(%arg6 : memref<80x128xi32, #tpu.memory_space<vmem>>)
      tpu.yield
    }) : () -> ()
    %broadcast_in_dim3A = arith.constant 0.000000e+00 : f32
    %broadcast_in_dim3A_1 = vector.broadcast %broadcast_in_dim3A : f32 to vector<16xf32>
    %broadcast_in_dim3A_2 = arith.constant 1.000000e+00 : f32
    %broadcast_in_dim3A_3 = vector.broadcast %broadcast_in_dim3A_2 : f32 to vector<16xf32>
    %swap3A = arith.constant 0 : index
    %swap3A_4 = tpu.vector_load %arg7[%swap3A] {strides = array<i32>} : memref<128xf32, #tpu.memory_space<vmem>>, vector<16xf32>,
    %swap3A_5 = vector.shape_cast %swap3A_4 : vector<16xf32> to vector<16xf32>
    %swap3A_6 = vector.shape_cast %broadcast_in_dim3A_3 : vector<16xf32> to vector<16xf32>
    tpu.vector_store %arg7[%swap3A], %swap3A_6 {strides = array<i32>} : memref<128xf32, #tpu.memory_space<vmem>>, vector<16xf32>,
    %swap3A_7 = arith.constant 16 : index
    %swap3A_8 = tpu.vector_load %arg7[%swap3A_7] {strides = array<i32>} : memref<128xf32, #tpu.memory_space<vmem>>, vector<16xf32>,
    %swap3A_9 = vector.shape_cast %swap3A_8 : vector<16xf32> to vector<16xf32>
    %swap3A_10 = vector.shape_cast %broadcast_in_dim3A_3 : vector<16xf32> to vector<16xf32>
    tpu.vector_store %arg7[%swap3A_7], %swap3A_10 {strides = array<i32>} : memref<128xf32, #tpu.memory_space<vmem>>, vector<16xf32>,
    %swap3A_11 = arith.constant 32 : index
    %swap3A_12 = tpu.vector_load %arg7[%swap3A_11] {strides = array<i32>} : memref<128xf32, #tpu.memory_space<vmem>>, vector<16xf32>,
    %swap3A_13 = vector.shape_cast %swap3A_12 : vector<16xf32> to vector<16xf32>
    %swap3A_14 = vector.shape_cast %broadcast_in_dim3A_3 : vector<16xf32> to vector<16xf32>
    tpu.vector_store %arg7[%swap3A_11], %swap3A_14 {strides = array<i32>} : memref<128xf32, #tpu.memory_space<vmem>>, vector<16xf32>,
    %swap3A_15 = arith.constant 48 : index
    %swap3A_16 = tpu.vector_load %arg7[%swap3A_15] {strides = array<i32>} : memref<128xf32, #tpu.memory_space<vmem>>, vector<16xf32>,
    %swap3A_17 = vector.shape_cast %swap3A_16 : vector<16xf32> to vector<16xf32>
    %swap3A_18 = vector.shape_cast %broadcast_in_dim3A_3 : vector<16xf32> to vector<16xf32>
    tpu.vector_store %arg7[%swap3A_15], %swap3A_18 {strides = array<i32>} : memref<128xf32, #tpu.memory_space<vmem>>, vector<16xf32>,
    %swap3A_19 = arith.constant 64 : index
    %swap3A_20 = tpu.vector_load %arg7[%swap3A_19] {strides = array<i32>} : memref<128xf32, #tpu.memory_space<vmem>>, vector<16xf32>,
    %swap3A_21 = vector.shape_cast %swap3A_20 : vector<16xf32> to vector<16xf32>
    %swap3A_22 = vector.shape_cast %broadcast_in_dim3A_3 : vector<16xf32> to vector<16xf32>
    tpu.vector_store %arg7[%swap3A_19], %swap3A_22 {strides = array<i32>} : memref<128xf32, #tpu.memory_space<vmem>>, vector<16xf32>,
    %swap3A_23 = arith.constant 80 : index
    %swap3A_24 = tpu.vector_load %arg7[%swap3A_23] {strides = array<i32>} : memref<128xf32, #tpu.memory_space<vmem>>, vector<16xf32>,
    %swap3A_25 = vector.shape_cast %swap3A_24 : vector<16xf32> to vector<16xf32>
    %swap3A_26 = vector.shape_cast %broadcast_in_dim3A_3 : vector<16xf32> to vector<16xf32>
    tpu.vector_store %arg7[%swap3A_23], %swap3A_26 {strides = array<i32>} : memref<128xf32, #tpu.memory_space<vmem>>, vector<16xf32>,
    %swap3A_27 = arith.constant 96 : index
    %swap3A_28 = tpu.vector_load %arg7[%swap3A_27] {strides = array<i32>} : memref<128xf32, #tpu.memory_space<vmem>>, vector<16xf32>,
    %swap3A_29 = vector.shape_cast %swap3A_28 : vector<16xf32> to vector<16xf32>
    %swap3A_30 = vector.shape_cast %broadcast_in_dim3A_3 : vector<16xf32> to vector<16xf32>
    tpu.vector_store %arg7[%swap3A_27], %swap3A_30 {strides = array<i32>} : memref<128xf32, #tpu.memory_space<vmem>>, vector<16xf32>,
    %swap3A_31 = arith.constant 112 : index
    %swap3A_32 = tpu.vector_load %arg7[%swap3A_31] {strides = array<i32>} : memref<128xf32, #tpu.memory_space<vmem>>, vector<16xf32>,
    %swap3A_33 = vector.shape_cast %swap3A_32 : vector<16xf32> to vector<16xf32>
    %swap3A_34 = vector.shape_cast %broadcast_in_dim3A_3 : vector<16xf32> to vector<16xf32>
    tpu.vector_store %arg7[%swap3A_31], %swap3A_34 {strides = array<i32>} : memref<128xf32, #tpu.memory_space<vmem>>, vector<16xf32>,
    %scan3A = arith.constant 0 : i32
    %scan3A_35 = arith.constant 40 : i32
    %scan3A_36 = arith.addi %scan3A, %scan3A_35 : i32
    %scan3A_37 = arith.constant 1 : i32
    scf.for %scan3A_63 = %scan3A to %scan3A_36 step %scan3A_37  : i32 {
      %mul3A_64 = arith.constant 16 : i32
      %mul3A_65 = arith.muli %scan3A_63, %mul3A_64 : i32
      %swap3A_66 = arith.index_cast %mul3A_65 : i32 to index
      %swap3A_67 = tpu.vector_load %arg8[%swap3A_66] {strides = array<i32>} : memref<640xf32, #tpu.memory_space<vmem>>, vector<16xf32>,
      %swap3A_68 = vector.shape_cast %swap3A_67 : vector<16xf32> to vector<16xf32>
      %swap3A_69 = vector.shape_cast %broadcast_in_dim3A_1 : vector<16xf32> to vector<16xf32>
      tpu.vector_store %arg8[%swap3A_66], %swap3A_69 {strides = array<i32>} : memref<640xf32, #tpu.memory_space<vmem>>, vector<16xf32>,
    }
    %scan3A_38 = arith.constant 40 : i32
    %mul3A_39 = arith.constant 640 : i32
    %mul3A_40 = arith.muli %arg1, %mul3A_39 : i32
    "tpu.region"() ({
      %run_scoped3A_63 = tpu.sem_alloc : memref<!tpu.dma_semaphore, #tpu.memory_space<semaphore_mem>>
      %dma_start3A = tpu.memref_slice %arg9[%mul3A_40] : memref<10240xf32, #tpu.memory_space<vmem_shared>> -> memref<640xf32, #tpu.memory_space<vmem_shared>>
      %dma_start3A_64 = tpu.memref_slice %arg9[%mul3A_40] : memref<10240xf32, #tpu.memory_space<vmem_shared>> -> memref<640xf32, #tpu.memory_space<vmem_shared>>
      tpu.enqueue_dma source(%arg8 : memref<640xf32, #tpu.memory_space<vmem>>) target(%dma_start3A_64 : memref<640xf32, #tpu.memory_space<vmem_shared>>) target_semaphore(%run_scoped3A_63 : memref<!tpu.dma_semaphore, #tpu.memory_space<semaphore_mem>>)
      %dma_wait3A = tpu.memref_slice %arg9[%mul3A_40] : memref<10240xf32, #tpu.memory_space<vmem_shared>> -> memref<640xf32, #tpu.memory_space<vmem_shared>>
      %dma_wait3A_65 = tpu.memref_slice %arg9[%mul3A_40] : memref<10240xf32, #tpu.memory_space<vmem_shared>> -> memref<640xf32, #tpu.memory_space<vmem_shared>>
      tpu.wait_dma2 semaphore(%run_scoped3A_63 : memref<!tpu.dma_semaphore, #tpu.memory_space<semaphore_mem>>) src(%arg8 : memref<640xf32, #tpu.memory_space<vmem>>) dst(%dma_wait3A_65 : memref<640xf32, #tpu.memory_space<vmem_shared>>)
      tpu.yield
    }) : () -> ()
    %mul3A_41 = arith.constant 640 : i32
    %mul3A_42 = arith.muli %arg1, %mul3A_41 : i32
    "tpu.region"() ({
      %run_scoped3A_63 = tpu.sem_alloc : memref<!tpu.dma_semaphore, #tpu.memory_space<semaphore_mem>>
      %dma_start3A = tpu.memref_slice %arg10[%mul3A_42] : memref<10240xf32, #tpu.memory_space<vmem_shared>> -> memref<640xf32, #tpu.memory_space<vmem_shared>>
      %dma_start3A_64 = tpu.memref_slice %arg10[%mul3A_42] : memref<10240xf32, #tpu.memory_space<vmem_shared>> -> memref<640xf32, #tpu.memory_space<vmem_shared>>
      tpu.enqueue_dma source(%arg8 : memref<640xf32, #tpu.memory_space<vmem>>) target(%dma_start3A_64 : memref<640xf32, #tpu.memory_space<vmem_shared>>) target_semaphore(%run_scoped3A_63 : memref<!tpu.dma_semaphore, #tpu.memory_space<semaphore_mem>>)
      %dma_wait3A = tpu.memref_slice %arg10[%mul3A_42] : memref<10240xf32, #tpu.memory_space<vmem_shared>> -> memref<640xf32, #tpu.memory_space<vmem_shared>>
      %dma_wait3A_65 = tpu.memref_slice %arg10[%mul3A_42] : memref<10240xf32, #tpu.memory_space<vmem_shared>> -> memref<640xf32, #tpu.memory_space<vmem_shared>>
      tpu.wait_dma2 semaphore(%run_scoped3A_63 : memref<!tpu.dma_semaphore, #tpu.memory_space<semaphore_mem>>) src(%arg8 : memref<640xf32, #tpu.memory_space<vmem>>) dst(%dma_wait3A_65 : memref<640xf32, #tpu.memory_space<vmem_shared>>)
      tpu.yield
    }) : () -> ()
    %barrier3A = arith.constant 0 : index
    tpu.barrier barrier_id(%barrier3A)
    %scan3A_43 = arith.constant 0 : i32
    %scan3A_44 = arith.constant 80 : i32
    %scan3A_45 = arith.addi %scan3A_43, %scan3A_44 : i32
    %scan3A_46 = arith.constant 1 : i32
    scf.for %scan3A_63 = %scan3A_43 to %scan3A_45 step %scan3A_46  : i32 {
      %dma_start3A = arith.constant 0 : i32
      %dma_start3A_64 = tpu.memref_slice %arg5[%scan3A_63, %dma_start3A] : memref<80x128xi32, #tpu.memory_space<vmem>> -> memref<1x128xi32, #tpu.memory_space<vmem>>
      %dma_start3A_65 = tpu.memref_squeeze %dma_start3A_64 : memref<1x128xi32, #tpu.memory_space<vmem>> -> memref<128xi32, #tpu.memory_space<vmem>>
      %dma_start3A_66 = arith.constant 0 : i32
      %dma_start3A_67 = tpu.memref_slice %arg9[%dma_start3A_66] : memref<10240xf32, #tpu.memory_space<vmem_shared>> -> memref<10240xf32, #tpu.memory_space<vmem_shared>>
      tpu.enqueue_indirect_dma source(%arg7 : memref<128xf32, #tpu.memory_space<vmem>>) target(%dma_start3A_67 : memref<10240xf32, #tpu.memory_space<vmem_shared>>) offsets(%dma_start3A_65 : memref<128xi32, #tpu.memory_space<vmem>>) semaphore(%arg11 : memref<!tpu.dma_semaphore, #tpu.memory_space<semaphore_mem>>) {add = true}
      %dma_start3A_68 = arith.constant 0 : i32
      %dma_start3A_69 = tpu.memref_slice %arg6[%scan3A_63, %dma_start3A_68] : memref<80x128xi32, #tpu.memory_space<vmem>> -> memref<1x128xi32, #tpu.memory_space<vmem>>
      %dma_start3A_70 = tpu.memref_squeeze %dma_start3A_69 : memref<1x128xi32, #tpu.memory_space<vmem>> -> memref<128xi32, #tpu.memory_space<vmem>>
      %dma_start3A_71 = arith.constant 0 : i32
      %dma_start3A_72 = tpu.memref_slice %arg10[%dma_start3A_71] : memref<10240xf32, #tpu.memory_space<vmem_shared>> -> memref<10240xf32, #tpu.memory_space<vmem_shared>>
      tpu.enqueue_indirect_dma source(%arg7 : memref<128xf32, #tpu.memory_space<vmem>>) target(%dma_start3A_72 : memref<10240xf32, #tpu.memory_space<vmem_shared>>) offsets(%dma_start3A_70 : memref<128xi32, #tpu.memory_space<vmem>>) semaphore(%arg12 : memref<!tpu.dma_semaphore, #tpu.memory_space<semaphore_mem>>) {add = true}
    }
    %scan3A_47 = arith.constant 80 : i32
    %scan3A_48 = arith.constant 0 : i32
    %scan3A_49 = arith.constant 80 : i32
    %scan3A_50 = arith.addi %scan3A_48, %scan3A_49 : i32
    %scan3A_51 = arith.constant 1 : i32
    scf.for %scan3A_63 = %scan3A_48 to %scan3A_50 step %scan3A_51  : i32 {
      %dma_wait3A = arith.constant 0 : i32
      %dma_wait3A_64 = tpu.memref_slice %arg5[%scan3A_63, %dma_wait3A] : memref<80x128xi32, #tpu.memory_space<vmem>> -> memref<1x128xi32, #tpu.memory_space<vmem>>
      %dma_wait3A_65 = tpu.memref_squeeze %dma_wait3A_64 : memref<1x128xi32, #tpu.memory_space<vmem>> -> memref<128xi32, #tpu.memory_space<vmem>>
      %dma_wait3A_66 = arith.constant 0 : i32
      %dma_wait3A_67 = tpu.memref_slice %arg9[%dma_wait3A_66] : memref<10240xf32, #tpu.memory_space<vmem_shared>> -> memref<10240xf32, #tpu.memory_space<vmem_shared>>
      tpu.wait_indirect_dma semaphore(%arg11 : memref<!tpu.dma_semaphore, #tpu.memory_space<semaphore_mem>>) src(%arg7 : memref<128xf32, #tpu.memory_space<vmem>>) dst(%dma_wait3A_67 : memref<10240xf32, #tpu.memory_space<vmem_shared>>)
      %dma_wait3A_68 = arith.constant 0 : i32
      %dma_wait3A_69 = tpu.memref_slice %arg6[%scan3A_63, %dma_wait3A_68] : memref<80x128xi32, #tpu.memory_space<vmem>> -> memref<1x128xi32, #tpu.memory_space<vmem>>
      %dma_wait3A_70 = tpu.memref_squeeze %dma_wait3A_69 : memref<1x128xi32, #tpu.memory_space<vmem>> -> memref<128xi32, #tpu.memory_space<vmem>>
      %dma_wait3A_71 = arith.constant 0 : i32
      %dma_wait3A_72 = tpu.memref_slice %arg10[%dma_wait3A_71] : memref<10240xf32, #tpu.memory_space<vmem_shared>> -> memref<10240xf32, #tpu.memory_space<vmem_shared>>
      tpu.wait_indirect_dma semaphore(%arg12 : memref<!tpu.dma_semaphore, #tpu.memory_space<semaphore_mem>>) src(%arg7 : memref<128xf32, #tpu.memory_space<vmem>>) dst(%dma_wait3A_72 : memref<10240xf32, #tpu.memory_space<vmem_shared>>)
    }
    %scan3A_52 = arith.constant 80 : i32
    %barrier3A_53 = arith.constant 0 : index
    tpu.barrier barrier_id(%barrier3A_53)
    %mul3A_54 = arith.constant 640 : i32
    %mul3A_55 = arith.muli %arg1, %mul3A_54 : i32
    %mul3A_56 = arith.constant 640 : i32
    %mul3A_57 = arith.muli %arg1, %mul3A_56 : i32
    %run_scoped3A = arith.constant 0 : i32
    "tpu.region"() ({
      %run_scoped3A_63 = tpu.sem_alloc : memref<!tpu.dma_semaphore, #tpu.memory_space<semaphore_mem>>
      %dma_start3A = tpu.memref_slice %arg4[%arg0, %run_scoped3A, %mul3A_57] : memref<2x2x10240xf32, #tpu.memory_space<hbm>> -> memref<1x1x640xf32, #tpu.memory_space<hbm>>
      %dma_start3A_64 = tpu.memref_squeeze %dma_start3A : memref<1x1x640xf32, #tpu.memory_space<hbm>> -> memref<640xf32, #tpu.memory_space<hbm>>
      %dma_start3A_65 = tpu.memref_slice %arg9[%mul3A_55] : memref<10240xf32, #tpu.memory_space<vmem_shared>> -> memref<640xf32, #tpu.memory_space<vmem_shared>>
      tpu.enqueue_dma source(%dma_start3A_65 : memref<640xf32, #tpu.memory_space<vmem_shared>>) target(%dma_start3A_64 : memref<640xf32, #tpu.memory_space<hbm>>) target_semaphore(%run_scoped3A_63 : memref<!tpu.dma_semaphore, #tpu.memory_space<semaphore_mem>>)
      %dma_wait3A = tpu.memref_slice %arg4[%arg0, %run_scoped3A, %mul3A_57] : memref<2x2x10240xf32, #tpu.memory_space<hbm>> -> memref<1x1x640xf32, #tpu.memory_space<hbm>>
      %dma_wait3A_66 = tpu.memref_squeeze %dma_wait3A : memref<1x1x640xf32, #tpu.memory_space<hbm>> -> memref<640xf32, #tpu.memory_space<hbm>>
      %dma_wait3A_67 = tpu.memref_slice %arg9[%mul3A_55] : memref<10240xf32, #tpu.memory_space<vmem_shared>> -> memref<640xf32, #tpu.memory_space<vmem_shared>>
      tpu.wait_dma2 semaphore(%run_scoped3A_63 : memref<!tpu.dma_semaphore, #tpu.memory_space<semaphore_mem>>) src(%dma_wait3A_67 : memref<640xf32, #tpu.memory_space<vmem_shared>>) dst(%dma_wait3A_66 : memref<640xf32, #tpu.memory_space<hbm>>)
      tpu.yield
    }) : () -> ()
    %mul3A_58 = arith.constant 640 : i32
    %mul3A_59 = arith.muli %arg1, %mul3A_58 : i32
    %mul3A_60 = arith.constant 640 : i32
    %mul3A_61 = arith.muli %arg1, %mul3A_60 : i32
    %run_scoped3A_62 = arith.constant 1 : i32
    "tpu.region"() ({
      %run_scoped3A_63 = tpu.sem_alloc : memref<!tpu.dma_semaphore, #tpu.memory_space<semaphore_mem>>
      %dma_start3A = tpu.memref_slice %arg4[%arg0, %run_scoped3A_62, %mul3A_61] : memref<2x2x10240xf32, #tpu.memory_space<hbm>> -> memref<1x1x640xf32, #tpu.memory_space<hbm>>
      %dma_start3A_64 = tpu.memref_squeeze %dma_start3A : memref<1x1x640xf32, #tpu.memory_space<hbm>> -> memref<640xf32, #tpu.memory_space<hbm>>
      %dma_start3A_65 = tpu.memref_slice %arg10[%mul3A_59] : memref<10240xf32, #tpu.memory_space<vmem_shared>> -> memref<640xf32, #tpu.memory_space<vmem_shared>>
      tpu.enqueue_dma source(%dma_start3A_65 : memref<640xf32, #tpu.memory_space<vmem_shared>>) target(%dma_start3A_64 : memref<640xf32, #tpu.memory_space<hbm>>) target_semaphore(%run_scoped3A_63 : memref<!tpu.dma_semaphore, #tpu.memory_space<semaphore_mem>>)
      %dma_wait3A = tpu.memref_slice %arg4[%arg0, %run_scoped3A_62, %mul3A_61] : memref<2x2x10240xf32, #tpu.memory_space<hbm>> -> memref<1x1x640xf32, #tpu.memory_space<hbm>>
      %dma_wait3A_66 = tpu.memref_squeeze %dma_wait3A : memref<1x1x640xf32, #tpu.memory_space<hbm>> -> memref<640xf32, #tpu.memory_space<hbm>>
      %dma_wait3A_67 = tpu.memref_slice %arg10[%mul3A_59] : memref<10240xf32, #tpu.memory_space<vmem_shared>> -> memref<640xf32, #tpu.memory_space<vmem_shared>>
      tpu.wait_dma2 semaphore(%run_scoped3A_63 : memref<!tpu.dma_semaphore, #tpu.memory_space<semaphore_mem>>) src(%dma_wait3A_67 : memref<640xf32, #tpu.memory_space<vmem_shared>>) dst(%dma_wait3A_66 : memref<640xf32, #tpu.memory_space<hbm>>)
      tpu.yield
    }) : () -> ()
    return
  }
}

#map = affine_map<(d0, d1) -> (0, 0, 0)>
#map1 = affine_map<(d0, d1) -> (0, 0)>
module attributes {stable_mosaic.version = 14 : i64} {
  func.func @body(%arg0: i32, %arg1: i32, %arg2: memref<32x80x128xi32, #tpu.memory_space<hbm>>, %arg3: memref<32x80x128xi32, #tpu.memory_space<hbm>>, %arg4: memref<10240x128xf32, #tpu.memory_space<hbm>>, %arg5: memref<2x10240x128xf32, #tpu.memory_space<hbm>>, %arg6: memref<128xi32, #tpu.memory_space<vmem>>, %arg7: memref<128xi32, #tpu.memory_space<vmem>>, %arg8: memref<128xi32, #tpu.memory_space<vmem>>, %arg9: memref<128xi32, #tpu.memory_space<vmem>>, %arg10: memref<128x128xf32, #tpu.memory_space<vmem>>, %arg11: memref<128x128xf32, #tpu.memory_space<vmem>>, %arg12: memref<10240x128xf32, #tpu.memory_space<vmem_shared>>, %arg13: memref<!tpu.dma_semaphore, #tpu.memory_space<semaphore_mem>>, %arg14: memref<!tpu.dma_semaphore, #tpu.memory_space<semaphore_mem>>, %arg15: memref<!tpu.dma_semaphore, #tpu.memory_space<semaphore_mem>>, %arg16: memref<!tpu.dma_semaphore, #tpu.memory_space<semaphore_mem>>) attributes {dimension_semantics = [#tpu.dimension_semantics<core_parallel>, #tpu.dimension_semantics<subcore_parallel>], iteration_bounds = array<i64: 2, 16>, scalar_prefetch = 0 : i64, scratch_operands = 11 : i64, tpu.core_type = #tpu.core_type<sc_vector_subcore>, window_params = [{transform_indices = #map}, {transform_indices = #map}, {transform_indices = #map1}, {transform_indices = #map}]} {
    %mul3A = arith.constant 16 : i32
    %mul3A_0 = arith.muli %arg0, %mul3A : i32
    %add3A = arith.addi %mul3A_0, %arg1 : i32
    %run_scoped3A = arith.constant 0 : i32
    "tpu.region"() ({
      %run_scoped3A_53 = tpu.sem_alloc : memref<!tpu.dma_semaphore, #tpu.memory_space<semaphore_mem>>
      %dma_start3A_54 = arith.constant 0 : i32
      %dma_start3A_55 = tpu.memref_slice %arg2[%add3A, %run_scoped3A, %dma_start3A_54] : memref<32x80x128xi32, #tpu.memory_space<hbm>> -> memref<1x1x128xi32, #tpu.memory_space<hbm>>
      %dma_start3A_56 = tpu.memref_squeeze %dma_start3A_55 : memref<1x1x128xi32, #tpu.memory_space<hbm>> -> memref<128xi32, #tpu.memory_space<hbm>>
      %dma_start3A_57 = arith.constant 0 : i32
      %dma_start3A_58 = tpu.memref_slice %arg2[%add3A, %run_scoped3A, %dma_start3A_57] : memref<32x80x128xi32, #tpu.memory_space<hbm>> -> memref<1x1x128xi32, #tpu.memory_space<hbm>>
      %dma_start3A_59 = tpu.memref_squeeze %dma_start3A_58 : memref<1x1x128xi32, #tpu.memory_space<hbm>> -> memref<128xi32, #tpu.memory_space<hbm>>
      tpu.enqueue_dma source(%dma_start3A_59 : memref<128xi32, #tpu.memory_space<hbm>>) target(%arg6 : memref<128xi32, #tpu.memory_space<vmem>>) target_semaphore(%run_scoped3A_53 : memref<!tpu.dma_semaphore, #tpu.memory_space<semaphore_mem>>)
      %dma_wait3A = arith.constant 0 : i32
      %dma_wait3A_60 = tpu.memref_slice %arg2[%add3A, %run_scoped3A, %dma_wait3A] : memref<32x80x128xi32, #tpu.memory_space<hbm>> -> memref<1x1x128xi32, #tpu.memory_space<hbm>>
      %dma_wait3A_61 = tpu.memref_squeeze %dma_wait3A_60 : memref<1x1x128xi32, #tpu.memory_space<hbm>> -> memref<128xi32, #tpu.memory_space<hbm>>
      %dma_wait3A_62 = arith.constant 0 : i32
      %dma_wait3A_63 = tpu.memref_slice %arg2[%add3A, %run_scoped3A, %dma_wait3A_62] : memref<32x80x128xi32, #tpu.memory_space<hbm>> -> memref<1x1x128xi32, #tpu.memory_space<hbm>>
      %dma_wait3A_64 = tpu.memref_squeeze %dma_wait3A_63 : memref<1x1x128xi32, #tpu.memory_space<hbm>> -> memref<128xi32, #tpu.memory_space<hbm>>
      tpu.wait_dma2 semaphore(%run_scoped3A_53 : memref<!tpu.dma_semaphore, #tpu.memory_space<semaphore_mem>>) src(%dma_wait3A_64 : memref<128xi32, #tpu.memory_space<hbm>>) dst(%arg6 : memref<128xi32, #tpu.memory_space<vmem>>)
      tpu.yield
    }) : () -> ()
    %run_scoped3A_1 = arith.constant 0 : i32
    "tpu.region"() ({
      %run_scoped3A_53 = tpu.sem_alloc : memref<!tpu.dma_semaphore, #tpu.memory_space<semaphore_mem>>
      %dma_start3A_54 = arith.constant 0 : i32
      %dma_start3A_55 = tpu.memref_slice %arg3[%add3A, %run_scoped3A_1, %dma_start3A_54] : memref<32x80x128xi32, #tpu.memory_space<hbm>> -> memref<1x1x128xi32, #tpu.memory_space<hbm>>
      %dma_start3A_56 = tpu.memref_squeeze %dma_start3A_55 : memref<1x1x128xi32, #tpu.memory_space<hbm>> -> memref<128xi32, #tpu.memory_space<hbm>>
      %dma_start3A_57 = arith.constant 0 : i32
      %dma_start3A_58 = tpu.memref_slice %arg3[%add3A, %run_scoped3A_1, %dma_start3A_57] : memref<32x80x128xi32, #tpu.memory_space<hbm>> -> memref<1x1x128xi32, #tpu.memory_space<hbm>>
      %dma_start3A_59 = tpu.memref_squeeze %dma_start3A_58 : memref<1x1x128xi32, #tpu.memory_space<hbm>> -> memref<128xi32, #tpu.memory_space<hbm>>
      tpu.enqueue_dma source(%dma_start3A_59 : memref<128xi32, #tpu.memory_space<hbm>>) target(%arg8 : memref<128xi32, #tpu.memory_space<vmem>>) target_semaphore(%run_scoped3A_53 : memref<!tpu.dma_semaphore, #tpu.memory_space<semaphore_mem>>)
      %dma_wait3A = arith.constant 0 : i32
      %dma_wait3A_60 = tpu.memref_slice %arg3[%add3A, %run_scoped3A_1, %dma_wait3A] : memref<32x80x128xi32, #tpu.memory_space<hbm>> -> memref<1x1x128xi32, #tpu.memory_space<hbm>>
      %dma_wait3A_61 = tpu.memref_squeeze %dma_wait3A_60 : memref<1x1x128xi32, #tpu.memory_space<hbm>> -> memref<128xi32, #tpu.memory_space<hbm>>
      %dma_wait3A_62 = arith.constant 0 : i32
      %dma_wait3A_63 = tpu.memref_slice %arg3[%add3A, %run_scoped3A_1, %dma_wait3A_62] : memref<32x80x128xi32, #tpu.memory_space<hbm>> -> memref<1x1x128xi32, #tpu.memory_space<hbm>>
      %dma_wait3A_64 = tpu.memref_squeeze %dma_wait3A_63 : memref<1x1x128xi32, #tpu.memory_space<hbm>> -> memref<128xi32, #tpu.memory_space<hbm>>
      tpu.wait_dma2 semaphore(%run_scoped3A_53 : memref<!tpu.dma_semaphore, #tpu.memory_space<semaphore_mem>>) src(%dma_wait3A_64 : memref<128xi32, #tpu.memory_space<hbm>>) dst(%arg8 : memref<128xi32, #tpu.memory_space<vmem>>)
      tpu.yield
    }) : () -> ()
    %dma_start3A = arith.constant 0 : i32
    %dma_start3A_2 = arith.constant 0 : i32
    %dma_start3A_3 = tpu.memref_slice %arg4[%dma_start3A, %dma_start3A_2] : memref<10240x128xf32, #tpu.memory_space<hbm>> -> memref<10240x128xf32, #tpu.memory_space<hbm>>
    tpu.enqueue_indirect_dma source(%dma_start3A_3 : memref<10240x128xf32, #tpu.memory_space<hbm>>) target(%arg11 : memref<128x128xf32, #tpu.memory_space<vmem>>) offsets(%arg6 : memref<128xi32, #tpu.memory_space<vmem>>) semaphore(%arg13 : memref<!tpu.dma_semaphore, #tpu.memory_space<semaphore_mem>>)
    %dma_start3A_4 = arith.constant 1 : i32
    %dma_start3A_5 = arith.constant 0 : i32
    %dma_start3A_6 = tpu.memref_slice %arg2[%add3A, %dma_start3A_4, %dma_start3A_5] : memref<32x80x128xi32, #tpu.memory_space<hbm>> -> memref<1x1x128xi32, #tpu.memory_space<hbm>>
    %dma_start3A_7 = tpu.memref_squeeze %dma_start3A_6 : memref<1x1x128xi32, #tpu.memory_space<hbm>> -> memref<128xi32, #tpu.memory_space<hbm>>
    %dma_start3A_8 = arith.constant 0 : i32
    %dma_start3A_9 = tpu.memref_slice %arg2[%add3A, %dma_start3A_4, %dma_start3A_8] : memref<32x80x128xi32, #tpu.memory_space<hbm>> -> memref<1x1x128xi32, #tpu.memory_space<hbm>>
    %dma_start3A_10 = tpu.memref_squeeze %dma_start3A_9 : memref<1x1x128xi32, #tpu.memory_space<hbm>> -> memref<128xi32, #tpu.memory_space<hbm>>
    tpu.enqueue_dma source(%dma_start3A_10 : memref<128xi32, #tpu.memory_space<hbm>>) target(%arg7 : memref<128xi32, #tpu.memory_space<vmem>>) target_semaphore(%arg16 : memref<!tpu.dma_semaphore, #tpu.memory_space<semaphore_mem>>)
    %dma_start3A_11 = arith.constant 1 : i32
    %dma_start3A_12 = arith.constant 0 : i32
    %dma_start3A_13 = tpu.memref_slice %arg3[%add3A, %dma_start3A_11, %dma_start3A_12] : memref<32x80x128xi32, #tpu.memory_space<hbm>> -> memref<1x1x128xi32, #tpu.memory_space<hbm>>
    %dma_start3A_14 = tpu.memref_squeeze %dma_start3A_13 : memref<1x1x128xi32, #tpu.memory_space<hbm>> -> memref<128xi32, #tpu.memory_space<hbm>>
    %dma_start3A_15 = arith.constant 0 : i32
    %dma_start3A_16 = tpu.memref_slice %arg3[%add3A, %dma_start3A_11, %dma_start3A_15] : memref<32x80x128xi32, #tpu.memory_space<hbm>> -> memref<1x1x128xi32, #tpu.memory_space<hbm>>
    %dma_start3A_17 = tpu.memref_squeeze %dma_start3A_16 : memref<1x1x128xi32, #tpu.memory_space<hbm>> -> memref<128xi32, #tpu.memory_space<hbm>>
    tpu.enqueue_dma source(%dma_start3A_17 : memref<128xi32, #tpu.memory_space<hbm>>) target(%arg9 : memref<128xi32, #tpu.memory_space<vmem>>) target_semaphore(%arg16 : memref<!tpu.dma_semaphore, #tpu.memory_space<semaphore_mem>>)
    %broadcast_in_dim3A = arith.constant 0.000000e+00 : f32
    %broadcast_in_dim3A_18 = vector.broadcast %broadcast_in_dim3A : f32 to vector<16xf32>
    %scan3A = arith.constant 0 : i32
    %scan3A_19 = arith.constant 128 : i32
    %scan3A_20 = arith.addi %scan3A, %scan3A_19 : i32
    %scan3A_21 = arith.constant 1 : i32
    scf.for %scan3A_53 = %scan3A to %scan3A_20 step %scan3A_21  : i32 {
      %swap3A = arith.index_cast %scan3A_53 : i32 to index
      %swap3A_54 = arith.constant 0 : index
      %swap3A_55 = tpu.vector_load %arg10[%swap3A, %swap3A_54] {strides = array<i32>} : memref<128x128xf32, #tpu.memory_space<vmem>>, vector<1x16xf32>,
      %swap3A_56 = vector.shape_cast %swap3A_55 : vector<1x16xf32> to vector<16xf32>
      %swap3A_57 = vector.shape_cast %broadcast_in_dim3A_18 : vector<16xf32> to vector<1x16xf32>
      tpu.vector_store %arg10[%swap3A, %swap3A_54], %swap3A_57 {strides = array<i32>} : memref<128x128xf32, #tpu.memory_space<vmem>>, vector<1x16xf32>,
      %swap3A_58 = arith.index_cast %scan3A_53 : i32 to index
      %swap3A_59 = arith.constant 16 : index
      %swap3A_60 = tpu.vector_load %arg10[%swap3A_58, %swap3A_59] {strides = array<i32>} : memref<128x128xf32, #tpu.memory_space<vmem>>, vector<1x16xf32>,
      %swap3A_61 = vector.shape_cast %swap3A_60 : vector<1x16xf32> to vector<16xf32>
      %swap3A_62 = vector.shape_cast %broadcast_in_dim3A_18 : vector<16xf32> to vector<1x16xf32>
      tpu.vector_store %arg10[%swap3A_58, %swap3A_59], %swap3A_62 {strides = array<i32>} : memref<128x128xf32, #tpu.memory_space<vmem>>, vector<1x16xf32>,
      %swap3A_63 = arith.index_cast %scan3A_53 : i32 to index
      %swap3A_64 = arith.constant 32 : index
      %swap3A_65 = tpu.vector_load %arg10[%swap3A_63, %swap3A_64] {strides = array<i32>} : memref<128x128xf32, #tpu.memory_space<vmem>>, vector<1x16xf32>,
      %swap3A_66 = vector.shape_cast %swap3A_65 : vector<1x16xf32> to vector<16xf32>
      %swap3A_67 = vector.shape_cast %broadcast_in_dim3A_18 : vector<16xf32> to vector<1x16xf32>
      tpu.vector_store %arg10[%swap3A_63, %swap3A_64], %swap3A_67 {strides = array<i32>} : memref<128x128xf32, #tpu.memory_space<vmem>>, vector<1x16xf32>,
      %swap3A_68 = arith.index_cast %scan3A_53 : i32 to index
      %swap3A_69 = arith.constant 48 : index
      %swap3A_70 = tpu.vector_load %arg10[%swap3A_68, %swap3A_69] {strides = array<i32>} : memref<128x128xf32, #tpu.memory_space<vmem>>, vector<1x16xf32>,
      %swap3A_71 = vector.shape_cast %swap3A_70 : vector<1x16xf32> to vector<16xf32>
      %swap3A_72 = vector.shape_cast %broadcast_in_dim3A_18 : vector<16xf32> to vector<1x16xf32>
      tpu.vector_store %arg10[%swap3A_68, %swap3A_69], %swap3A_72 {strides = array<i32>} : memref<128x128xf32, #tpu.memory_space<vmem>>, vector<1x16xf32>,
      %swap3A_73 = arith.index_cast %scan3A_53 : i32 to index
      %swap3A_74 = arith.constant 64 : index
      %swap3A_75 = tpu.vector_load %arg10[%swap3A_73, %swap3A_74] {strides = array<i32>} : memref<128x128xf32, #tpu.memory_space<vmem>>, vector<1x16xf32>,
      %swap3A_76 = vector.shape_cast %swap3A_75 : vector<1x16xf32> to vector<16xf32>
      %swap3A_77 = vector.shape_cast %broadcast_in_dim3A_18 : vector<16xf32> to vector<1x16xf32>
      tpu.vector_store %arg10[%swap3A_73, %swap3A_74], %swap3A_77 {strides = array<i32>} : memref<128x128xf32, #tpu.memory_space<vmem>>, vector<1x16xf32>,
      %swap3A_78 = arith.index_cast %scan3A_53 : i32 to index
      %swap3A_79 = arith.constant 80 : index
      %swap3A_80 = tpu.vector_load %arg10[%swap3A_78, %swap3A_79] {strides = array<i32>} : memref<128x128xf32, #tpu.memory_space<vmem>>, vector<1x16xf32>,
      %swap3A_81 = vector.shape_cast %swap3A_80 : vector<1x16xf32> to vector<16xf32>
      %swap3A_82 = vector.shape_cast %broadcast_in_dim3A_18 : vector<16xf32> to vector<1x16xf32>
      tpu.vector_store %arg10[%swap3A_78, %swap3A_79], %swap3A_82 {strides = array<i32>} : memref<128x128xf32, #tpu.memory_space<vmem>>, vector<1x16xf32>,
      %swap3A_83 = arith.index_cast %scan3A_53 : i32 to index
      %swap3A_84 = arith.constant 96 : index
      %swap3A_85 = tpu.vector_load %arg10[%swap3A_83, %swap3A_84] {strides = array<i32>} : memref<128x128xf32, #tpu.memory_space<vmem>>, vector<1x16xf32>,
      %swap3A_86 = vector.shape_cast %swap3A_85 : vector<1x16xf32> to vector<16xf32>
      %swap3A_87 = vector.shape_cast %broadcast_in_dim3A_18 : vector<16xf32> to vector<1x16xf32>
      tpu.vector_store %arg10[%swap3A_83, %swap3A_84], %swap3A_87 {strides = array<i32>} : memref<128x128xf32, #tpu.memory_space<vmem>>, vector<1x16xf32>,
      %swap3A_88 = arith.index_cast %scan3A_53 : i32 to index
      %swap3A_89 = arith.constant 112 : index
      %swap3A_90 = tpu.vector_load %arg10[%swap3A_88, %swap3A_89] {strides = array<i32>} : memref<128x128xf32, #tpu.memory_space<vmem>>, vector<1x16xf32>,
      %swap3A_91 = vector.shape_cast %swap3A_90 : vector<1x16xf32> to vector<16xf32>
      %swap3A_92 = vector.shape_cast %broadcast_in_dim3A_18 : vector<16xf32> to vector<1x16xf32>
      tpu.vector_store %arg10[%swap3A_88, %swap3A_89], %swap3A_92 {strides = array<i32>} : memref<128x128xf32, #tpu.memory_space<vmem>>, vector<1x16xf32>,
    }
    %scan3A_22 = arith.constant 128 : i32
    %mul3A_23 = arith.constant 640 : i32
    %mul3A_24 = arith.muli %arg1, %mul3A_23 : i32
    %add3A_25 = arith.constant 0 : i32
    %add3A_26 = arith.addi %mul3A_24, %add3A_25 : i32
    "tpu.region"() ({
      %run_scoped3A_53 = tpu.sem_alloc : memref<!tpu.dma_semaphore, #tpu.memory_space<semaphore_mem>>
      %dma_start3A_54 = arith.constant 0 : i32
      %dma_start3A_55 = tpu.memref_slice %arg12[%add3A_26, %dma_start3A_54] : memref<10240x128xf32, #tpu.memory_space<vmem_shared>> -> memref<128x128xf32, #tpu.memory_space<vmem_shared>>
      %dma_start3A_56 = arith.constant 0 : i32
      %dma_start3A_57 = tpu.memref_slice %arg12[%add3A_26, %dma_start3A_56] : memref<10240x128xf32, #tpu.memory_space<vmem_shared>> -> memref<128x128xf32, #tpu.memory_space<vmem_shared>>
      tpu.enqueue_dma source(%arg10 : memref<128x128xf32, #tpu.memory_space<vmem>>) target(%dma_start3A_57 : memref<128x128xf32, #tpu.memory_space<vmem_shared>>) target_semaphore(%run_scoped3A_53 : memref<!tpu.dma_semaphore, #tpu.memory_space<semaphore_mem>>)
      %dma_wait3A = arith.constant 0 : i32
      %dma_wait3A_58 = tpu.memref_slice %arg12[%add3A_26, %dma_wait3A] : memref<10240x128xf32, #tpu.memory_space<vmem_shared>> -> memref<128x128xf32, #tpu.memory_space<vmem_shared>>
      %dma_wait3A_59 = arith.constant 0 : i32
      %dma_wait3A_60 = tpu.memref_slice %arg12[%add3A_26, %dma_wait3A_59] : memref<10240x128xf32, #tpu.memory_space<vmem_shared>> -> memref<128x128xf32, #tpu.memory_space<vmem_shared>>
      tpu.wait_dma2 semaphore(%run_scoped3A_53 : memref<!tpu.dma_semaphore, #tpu.memory_space<semaphore_mem>>) src(%arg10 : memref<128x128xf32, #tpu.memory_space<vmem>>) dst(%dma_wait3A_60 : memref<128x128xf32, #tpu.memory_space<vmem_shared>>)
      tpu.yield
    }) : () -> ()
    %mul3A_27 = arith.constant 640 : i32
    %mul3A_28 = arith.muli %arg1, %mul3A_27 : i32
    %add3A_29 = arith.constant 128 : i32
    %add3A_30 = arith.addi %mul3A_28, %add3A_29 : i32
    "tpu.region"() ({
      %run_scoped3A_53 = tpu.sem_alloc : memref<!tpu.dma_semaphore, #tpu.memory_space<semaphore_mem>>
      %dma_start3A_54 = arith.constant 0 : i32
      %dma_start3A_55 = tpu.memref_slice %arg12[%add3A_30, %dma_start3A_54] : memref<10240x128xf32, #tpu.memory_space<vmem_shared>> -> memref<128x128xf32, #tpu.memory_space<vmem_shared>>
      %dma_start3A_56 = arith.constant 0 : i32
      %dma_start3A_57 = tpu.memref_slice %arg12[%add3A_30, %dma_start3A_56] : memref<10240x128xf32, #tpu.memory_space<vmem_shared>> -> memref<128x128xf32, #tpu.memory_space<vmem_shared>>
      tpu.enqueue_dma source(%arg10 : memref<128x128xf32, #tpu.memory_space<vmem>>) target(%dma_start3A_57 : memref<128x128xf32, #tpu.memory_space<vmem_shared>>) target_semaphore(%run_scoped3A_53 : memref<!tpu.dma_semaphore, #tpu.memory_space<semaphore_mem>>)
      %dma_wait3A = arith.constant 0 : i32
      %dma_wait3A_58 = tpu.memref_slice %arg12[%add3A_30, %dma_wait3A] : memref<10240x128xf32, #tpu.memory_space<vmem_shared>> -> memref<128x128xf32, #tpu.memory_space<vmem_shared>>
      %dma_wait3A_59 = arith.constant 0 : i32
      %dma_wait3A_60 = tpu.memref_slice %arg12[%add3A_30, %dma_wait3A_59] : memref<10240x128xf32, #tpu.memory_space<vmem_shared>> -> memref<128x128xf32, #tpu.memory_space<vmem_shared>>
      tpu.wait_dma2 semaphore(%run_scoped3A_53 : memref<!tpu.dma_semaphore, #tpu.memory_space<semaphore_mem>>) src(%arg10 : memref<128x128xf32, #tpu.memory_space<vmem>>) dst(%dma_wait3A_60 : memref<128x128xf32, #tpu.memory_space<vmem_shared>>)
      tpu.yield
    }) : () -> ()
    %mul3A_31 = arith.constant 640 : i32
    %mul3A_32 = arith.muli %arg1, %mul3A_31 : i32
    %add3A_33 = arith.constant 256 : i32
    %add3A_34 = arith.addi %mul3A_32, %add3A_33 : i32
    "tpu.region"() ({
      %run_scoped3A_53 = tpu.sem_alloc : memref<!tpu.dma_semaphore, #tpu.memory_space<semaphore_mem>>
      %dma_start3A_54 = arith.constant 0 : i32
      %dma_start3A_55 = tpu.memref_slice %arg12[%add3A_34, %dma_start3A_54] : memref<10240x128xf32, #tpu.memory_space<vmem_shared>> -> memref<128x128xf32, #tpu.memory_space<vmem_shared>>
      %dma_start3A_56 = arith.constant 0 : i32
      %dma_start3A_57 = tpu.memref_slice %arg12[%add3A_34, %dma_start3A_56] : memref<10240x128xf32, #tpu.memory_space<vmem_shared>> -> memref<128x128xf32, #tpu.memory_space<vmem_shared>>
      tpu.enqueue_dma source(%arg10 : memref<128x128xf32, #tpu.memory_space<vmem>>) target(%dma_start3A_57 : memref<128x128xf32, #tpu.memory_space<vmem_shared>>) target_semaphore(%run_scoped3A_53 : memref<!tpu.dma_semaphore, #tpu.memory_space<semaphore_mem>>)
      %dma_wait3A = arith.constant 0 : i32
      %dma_wait3A_58 = tpu.memref_slice %arg12[%add3A_34, %dma_wait3A] : memref<10240x128xf32, #tpu.memory_space<vmem_shared>> -> memref<128x128xf32, #tpu.memory_space<vmem_shared>>
      %dma_wait3A_59 = arith.constant 0 : i32
      %dma_wait3A_60 = tpu.memref_slice %arg12[%add3A_34, %dma_wait3A_59] : memref<10240x128xf32, #tpu.memory_space<vmem_shared>> -> memref<128x128xf32, #tpu.memory_space<vmem_shared>>
      tpu.wait_dma2 semaphore(%run_scoped3A_53 : memref<!tpu.dma_semaphore, #tpu.memory_space<semaphore_mem>>) src(%arg10 : memref<128x128xf32, #tpu.memory_space<vmem>>) dst(%dma_wait3A_60 : memref<128x128xf32, #tpu.memory_space<vmem_shared>>)
      tpu.yield
    }) : () -> ()
    %mul3A_35 = arith.constant 640 : i32
    %mul3A_36 = arith.muli %arg1, %mul3A_35 : i32
    %add3A_37 = arith.constant 384 : i32
    %add3A_38 = arith.addi %mul3A_36, %add3A_37 : i32
    "tpu.region"() ({
      %run_scoped3A_53 = tpu.sem_alloc : memref<!tpu.dma_semaphore, #tpu.memory_space<semaphore_mem>>
      %dma_start3A_54 = arith.constant 0 : i32
      %dma_start3A_55 = tpu.memref_slice %arg12[%add3A_38, %dma_start3A_54] : memref<10240x128xf32, #tpu.memory_space<vmem_shared>> -> memref<128x128xf32, #tpu.memory_space<vmem_shared>>
      %dma_start3A_56 = arith.constant 0 : i32
      %dma_start3A_57 = tpu.memref_slice %arg12[%add3A_38, %dma_start3A_56] : memref<10240x128xf32, #tpu.memory_space<vmem_shared>> -> memref<128x128xf32, #tpu.memory_space<vmem_shared>>
      tpu.enqueue_dma source(%arg10 : memref<128x128xf32, #tpu.memory_space<vmem>>) target(%dma_start3A_57 : memref<128x128xf32, #tpu.memory_space<vmem_shared>>) target_semaphore(%run_scoped3A_53 : memref<!tpu.dma_semaphore, #tpu.memory_space<semaphore_mem>>)
      %dma_wait3A = arith.constant 0 : i32
      %dma_wait3A_58 = tpu.memref_slice %arg12[%add3A_38, %dma_wait3A] : memref<10240x128xf32, #tpu.memory_space<vmem_shared>> -> memref<128x128xf32, #tpu.memory_space<vmem_shared>>
      %dma_wait3A_59 = arith.constant 0 : i32
      %dma_wait3A_60 = tpu.memref_slice %arg12[%add3A_38, %dma_wait3A_59] : memref<10240x128xf32, #tpu.memory_space<vmem_shared>> -> memref<128x128xf32, #tpu.memory_space<vmem_shared>>
      tpu.wait_dma2 semaphore(%run_scoped3A_53 : memref<!tpu.dma_semaphore, #tpu.memory_space<semaphore_mem>>) src(%arg10 : memref<128x128xf32, #tpu.memory_space<vmem>>) dst(%dma_wait3A_60 : memref<128x128xf32, #tpu.memory_space<vmem_shared>>)
      tpu.yield
    }) : () -> ()
    %mul3A_39 = arith.constant 640 : i32
    %mul3A_40 = arith.muli %arg1, %mul3A_39 : i32
    %add3A_41 = arith.constant 512 : i32
    %add3A_42 = arith.addi %mul3A_40, %add3A_41 : i32
    "tpu.region"() ({
      %run_scoped3A_53 = tpu.sem_alloc : memref<!tpu.dma_semaphore, #tpu.memory_space<semaphore_mem>>
      %dma_start3A_54 = arith.constant 0 : i32
      %dma_start3A_55 = tpu.memref_slice %arg12[%add3A_42, %dma_start3A_54] : memref<10240x128xf32, #tpu.memory_space<vmem_shared>> -> memref<128x128xf32, #tpu.memory_space<vmem_shared>>
      %dma_start3A_56 = arith.constant 0 : i32
      %dma_start3A_57 = tpu.memref_slice %arg12[%add3A_42, %dma_start3A_56] : memref<10240x128xf32, #tpu.memory_space<vmem_shared>> -> memref<128x128xf32, #tpu.memory_space<vmem_shared>>
      tpu.enqueue_dma source(%arg10 : memref<128x128xf32, #tpu.memory_space<vmem>>) target(%dma_start3A_57 : memref<128x128xf32, #tpu.memory_space<vmem_shared>>) target_semaphore(%run_scoped3A_53 : memref<!tpu.dma_semaphore, #tpu.memory_space<semaphore_mem>>)
      %dma_wait3A = arith.constant 0 : i32
      %dma_wait3A_58 = tpu.memref_slice %arg12[%add3A_42, %dma_wait3A] : memref<10240x128xf32, #tpu.memory_space<vmem_shared>> -> memref<128x128xf32, #tpu.memory_space<vmem_shared>>
      %dma_wait3A_59 = arith.constant 0 : i32
      %dma_wait3A_60 = tpu.memref_slice %arg12[%add3A_42, %dma_wait3A_59] : memref<10240x128xf32, #tpu.memory_space<vmem_shared>> -> memref<128x128xf32, #tpu.memory_space<vmem_shared>>
      tpu.wait_dma2 semaphore(%run_scoped3A_53 : memref<!tpu.dma_semaphore, #tpu.memory_space<semaphore_mem>>) src(%arg10 : memref<128x128xf32, #tpu.memory_space<vmem>>) dst(%dma_wait3A_60 : memref<128x128xf32, #tpu.memory_space<vmem_shared>>)
      tpu.yield
    }) : () -> ()
    %barrier3A = arith.constant 0 : index
    tpu.barrier barrier_id(%barrier3A)
    %scan3A_43 = arith.constant 0 : i32
    %scan3A_44 = arith.constant 40 : i32
    %scan3A_45 = arith.addi %scan3A_43, %scan3A_44 : i32
    %scan3A_46 = arith.constant 1 : i32
    scf.for %scan3A_53 = %scan3A_43 to %scan3A_45 step %scan3A_46  : i32 {
      %mul3A_54 = arith.constant 2 : i32
      %mul3A_55 = arith.muli %mul3A_54, %scan3A_53 : i32
      %add3A_56 = arith.constant 1 : i32
      %add3A_57 = arith.addi %mul3A_55, %add3A_56 : i32
      %lt3A = arith.constant 39 : i32
      %lt3A_58 = arith.cmpi slt, %scan3A_53, %lt3A : i32
      %add3A_59 = arith.constant 1 : i32
      %add3A_60 = arith.addi %mul3A_55, %add3A_59 : i32
      %dma_wait3A = arith.constant 0 : i32
      %dma_wait3A_61 = tpu.memref_slice %arg2[%add3A, %add3A_60, %dma_wait3A] : memref<32x80x128xi32, #tpu.memory_space<hbm>> -> memref<1x1x128xi32, #tpu.memory_space<hbm>>
      %dma_wait3A_62 = tpu.memref_squeeze %dma_wait3A_61 : memref<1x1x128xi32, #tpu.memory_space<hbm>> -> memref<128xi32, #tpu.memory_space<hbm>>
      %dma_wait3A_63 = arith.constant 0 : i32
      %dma_wait3A_64 = tpu.memref_slice %arg2[%add3A, %add3A_60, %dma_wait3A_63] : memref<32x80x128xi32, #tpu.memory_space<hbm>> -> memref<1x1x128xi32, #tpu.memory_space<hbm>>
      %dma_wait3A_65 = tpu.memref_squeeze %dma_wait3A_64 : memref<1x1x128xi32, #tpu.memory_space<hbm>> -> memref<128xi32, #tpu.memory_space<hbm>>
      tpu.wait_dma2 semaphore(%arg16 : memref<!tpu.dma_semaphore, #tpu.memory_space<semaphore_mem>>) src(%dma_wait3A_65 : memref<128xi32, #tpu.memory_space<hbm>>) dst(%arg7 : memref<128xi32, #tpu.memory_space<vmem>>)
      %add3A_66 = arith.constant 1 : i32
      %add3A_67 = arith.addi %mul3A_55, %add3A_66 : i32
      %dma_wait3A_68 = arith.constant 0 : i32
      %dma_wait3A_69 = tpu.memref_slice %arg3[%add3A, %add3A_67, %dma_wait3A_68] : memref<32x80x128xi32, #tpu.memory_space<hbm>> -> memref<1x1x128xi32, #tpu.memory_space<hbm>>
      %dma_wait3A_70 = tpu.memref_squeeze %dma_wait3A_69 : memref<1x1x128xi32, #tpu.memory_space<hbm>> -> memref<128xi32, #tpu.memory_space<hbm>>
      %dma_wait3A_71 = arith.constant 0 : i32
      %dma_wait3A_72 = tpu.memref_slice %arg3[%add3A, %add3A_67, %dma_wait3A_71] : memref<32x80x128xi32, #tpu.memory_space<hbm>> -> memref<1x1x128xi32, #tpu.memory_space<hbm>>
      %dma_wait3A_73 = tpu.memref_squeeze %dma_wait3A_72 : memref<1x1x128xi32, #tpu.memory_space<hbm>> -> memref<128xi32, #tpu.memory_space<hbm>>
      tpu.wait_dma2 semaphore(%arg16 : memref<!tpu.dma_semaphore, #tpu.memory_space<semaphore_mem>>) src(%dma_wait3A_73 : memref<128xi32, #tpu.memory_space<hbm>>) dst(%arg9 : memref<128xi32, #tpu.memory_space<vmem>>)
      %dma_wait3A_74 = arith.constant 0 : i32
      %dma_wait3A_75 = arith.constant 0 : i32
      %dma_wait3A_76 = tpu.memref_slice %arg4[%dma_wait3A_74, %dma_wait3A_75] : memref<10240x128xf32, #tpu.memory_space<hbm>> -> memref<10240x128xf32, #tpu.memory_space<hbm>>
      tpu.wait_indirect_dma semaphore(%arg13 : memref<!tpu.dma_semaphore, #tpu.memory_space<semaphore_mem>>) src(%dma_wait3A_76 : memref<10240x128xf32, #tpu.memory_space<hbm>>) dst(%arg11 : memref<128x128xf32, #tpu.memory_space<vmem>>)
      %dma_start3A_77 = arith.constant 0 : i32
      %dma_start3A_78 = arith.constant 0 : i32
      %dma_start3A_79 = tpu.memref_slice %arg4[%dma_start3A_77, %dma_start3A_78] : memref<10240x128xf32, #tpu.memory_space<hbm>> -> memref<10240x128xf32, #tpu.memory_space<hbm>>
      tpu.enqueue_indirect_dma source(%dma_start3A_79 : memref<10240x128xf32, #tpu.memory_space<hbm>>) target(%arg10 : memref<128x128xf32, #tpu.memory_space<vmem>>) offsets(%arg7 : memref<128xi32, #tpu.memory_space<vmem>>) semaphore(%arg14 : memref<!tpu.dma_semaphore, #tpu.memory_space<semaphore_mem>>)
      %convert_element_type3A = arith.extui %lt3A_58 : i1 to i32
      %cond3A = arith.constant 0 : i32
      %cond3A_80 = arith.cmpi ne, %convert_element_type3A, %cond3A : i32
      scf.if %cond3A_80 {
        %add3A_99 = arith.constant 2 : i32
        %add3A_100 = arith.addi %mul3A_55, %add3A_99 : i32
        %dma_start3A_101 = arith.constant 0 : i32
        %dma_start3A_102 = tpu.memref_slice %arg2[%add3A, %add3A_100, %dma_start3A_101] : memref<32x80x128xi32, #tpu.memory_space<hbm>> -> memref<1x1x128xi32, #tpu.memory_space<hbm>>
        %dma_start3A_103 = tpu.memref_squeeze %dma_start3A_102 : memref<1x1x128xi32, #tpu.memory_space<hbm>> -> memref<128xi32, #tpu.memory_space<hbm>>
        %dma_start3A_104 = arith.constant 0 : i32
        %dma_start3A_105 = tpu.memref_slice %arg2[%add3A, %add3A_100, %dma_start3A_104] : memref<32x80x128xi32, #tpu.memory_space<hbm>> -> memref<1x1x128xi32, #tpu.memory_space<hbm>>
        %dma_start3A_106 = tpu.memref_squeeze %dma_start3A_105 : memref<1x1x128xi32, #tpu.memory_space<hbm>> -> memref<128xi32, #tpu.memory_space<hbm>>
        tpu.enqueue_dma source(%dma_start3A_106 : memref<128xi32, #tpu.memory_space<hbm>>) target(%arg6 : memref<128xi32, #tpu.memory_space<vmem>>) target_semaphore(%arg15 : memref<!tpu.dma_semaphore, #tpu.memory_space<semaphore_mem>>)
      } else {
      }
      "tpu.region"() ({
        %run_scoped3A_99 = tpu.sem_alloc : memref<!tpu.dma_semaphore, #tpu.memory_space<semaphore_mem>>
        %dma_start3A_100 = arith.constant 0 : i32
        %dma_start3A_101 = arith.constant 0 : i32
        %dma_start3A_102 = tpu.memref_slice %arg12[%dma_start3A_100, %dma_start3A_101] : memref<10240x128xf32, #tpu.memory_space<vmem_shared>> -> memref<10240x128xf32, #tpu.memory_space<vmem_shared>>
        tpu.enqueue_indirect_dma source(%arg11 : memref<128x128xf32, #tpu.memory_space<vmem>>) target(%dma_start3A_102 : memref<10240x128xf32, #tpu.memory_space<vmem_shared>>) offsets(%arg8 : memref<128xi32, #tpu.memory_space<vmem>>) semaphore(%run_scoped3A_99 : memref<!tpu.dma_semaphore, #tpu.memory_space<semaphore_mem>>) {add = true}
        %dma_wait3A_103 = arith.constant 0 : i32
        %dma_wait3A_104 = arith.constant 0 : i32
        %dma_wait3A_105 = tpu.memref_slice %arg12[%dma_wait3A_103, %dma_wait3A_104] : memref<10240x128xf32, #tpu.memory_space<vmem_shared>> -> memref<10240x128xf32, #tpu.memory_space<vmem_shared>>
        tpu.wait_indirect_dma semaphore(%run_scoped3A_99 : memref<!tpu.dma_semaphore, #tpu.memory_space<semaphore_mem>>) src(%arg11 : memref<128x128xf32, #tpu.memory_space<vmem>>) dst(%dma_wait3A_105 : memref<10240x128xf32, #tpu.memory_space<vmem_shared>>)
        tpu.yield
      }) : () -> ()
      %convert_element_type3A_81 = arith.extui %lt3A_58 : i1 to i32
      %cond3A_82 = arith.constant 0 : i32
      %cond3A_83 = arith.cmpi ne, %convert_element_type3A_81, %cond3A_82 : i32
      scf.if %cond3A_83 {
        %add3A_99 = arith.constant 2 : i32
        %add3A_100 = arith.addi %mul3A_55, %add3A_99 : i32
        %dma_start3A_101 = arith.constant 0 : i32
        %dma_start3A_102 = tpu.memref_slice %arg3[%add3A, %add3A_100, %dma_start3A_101] : memref<32x80x128xi32, #tpu.memory_space<hbm>> -> memref<1x1x128xi32, #tpu.memory_space<hbm>>
        %dma_start3A_103 = tpu.memref_squeeze %dma_start3A_102 : memref<1x1x128xi32, #tpu.memory_space<hbm>> -> memref<128xi32, #tpu.memory_space<hbm>>
        %dma_start3A_104 = arith.constant 0 : i32
        %dma_start3A_105 = tpu.memref_slice %arg3[%add3A, %add3A_100, %dma_start3A_104] : memref<32x80x128xi32, #tpu.memory_space<hbm>> -> memref<1x1x128xi32, #tpu.memory_space<hbm>>
        %dma_start3A_106 = tpu.memref_squeeze %dma_start3A_105 : memref<1x1x128xi32, #tpu.memory_space<hbm>> -> memref<128xi32, #tpu.memory_space<hbm>>
        tpu.enqueue_dma source(%dma_start3A_106 : memref<128xi32, #tpu.memory_space<hbm>>) target(%arg8 : memref<128xi32, #tpu.memory_space<vmem>>) target_semaphore(%arg15 : memref<!tpu.dma_semaphore, #tpu.memory_space<semaphore_mem>>)
      } else {
      }
      %convert_element_type3A_84 = arith.extui %lt3A_58 : i1 to i32
      %cond3A_85 = arith.constant 0 : i32
      %cond3A_86 = arith.cmpi ne, %convert_element_type3A_84, %cond3A_85 : i32
      scf.if %cond3A_86 {
        %add3A_99 = arith.constant 1 : i32
        %add3A_100 = arith.addi %add3A_57, %add3A_99 : i32
        %dma_wait3A_101 = arith.constant 0 : i32
        %dma_wait3A_102 = tpu.memref_slice %arg2[%add3A, %add3A_100, %dma_wait3A_101] : memref<32x80x128xi32, #tpu.memory_space<hbm>> -> memref<1x1x128xi32, #tpu.memory_space<hbm>>
        %dma_wait3A_103 = tpu.memref_squeeze %dma_wait3A_102 : memref<1x1x128xi32, #tpu.memory_space<hbm>> -> memref<128xi32, #tpu.memory_space<hbm>>
        %dma_wait3A_104 = arith.constant 0 : i32
        %dma_wait3A_105 = tpu.memref_slice %arg2[%add3A, %add3A_100, %dma_wait3A_104] : memref<32x80x128xi32, #tpu.memory_space<hbm>> -> memref<1x1x128xi32, #tpu.memory_space<hbm>>
        %dma_wait3A_106 = tpu.memref_squeeze %dma_wait3A_105 : memref<1x1x128xi32, #tpu.memory_space<hbm>> -> memref<128xi32, #tpu.memory_space<hbm>>
        tpu.wait_dma2 semaphore(%arg15 : memref<!tpu.dma_semaphore, #tpu.memory_space<semaphore_mem>>) src(%dma_wait3A_106 : memref<128xi32, #tpu.memory_space<hbm>>) dst(%arg6 : memref<128xi32, #tpu.memory_space<vmem>>)
        %add3A_107 = arith.constant 1 : i32
        %add3A_108 = arith.addi %add3A_57, %add3A_107 : i32
        %dma_wait3A_109 = arith.constant 0 : i32
        %dma_wait3A_110 = tpu.memref_slice %arg3[%add3A, %add3A_108, %dma_wait3A_109] : memref<32x80x128xi32, #tpu.memory_space<hbm>> -> memref<1x1x128xi32, #tpu.memory_space<hbm>>
        %dma_wait3A_111 = tpu.memref_squeeze %dma_wait3A_110 : memref<1x1x128xi32, #tpu.memory_space<hbm>> -> memref<128xi32, #tpu.memory_space<hbm>>
        %dma_wait3A_112 = arith.constant 0 : i32
        %dma_wait3A_113 = tpu.memref_slice %arg3[%add3A, %add3A_108, %dma_wait3A_112] : memref<32x80x128xi32, #tpu.memory_space<hbm>> -> memref<1x1x128xi32, #tpu.memory_space<hbm>>
        %dma_wait3A_114 = tpu.memref_squeeze %dma_wait3A_113 : memref<1x1x128xi32, #tpu.memory_space<hbm>> -> memref<128xi32, #tpu.memory_space<hbm>>
        tpu.wait_dma2 semaphore(%arg15 : memref<!tpu.dma_semaphore, #tpu.memory_space<semaphore_mem>>) src(%dma_wait3A_114 : memref<128xi32, #tpu.memory_space<hbm>>) dst(%arg8 : memref<128xi32, #tpu.memory_space<vmem>>)
      } else {
      }
      %dma_wait3A_87 = arith.constant 0 : i32
      %dma_wait3A_88 = arith.constant 0 : i32
      %dma_wait3A_89 = tpu.memref_slice %arg4[%dma_wait3A_87, %dma_wait3A_88] : memref<10240x128xf32, #tpu.memory_space<hbm>> -> memref<10240x128xf32, #tpu.memory_space<hbm>>
      tpu.wait_indirect_dma semaphore(%arg14 : memref<!tpu.dma_semaphore, #tpu.memory_space<semaphore_mem>>) src(%dma_wait3A_89 : memref<10240x128xf32, #tpu.memory_space<hbm>>) dst(%arg10 : memref<128x128xf32, #tpu.memory_space<vmem>>)
      %convert_element_type3A_90 = arith.extui %lt3A_58 : i1 to i32
      %cond3A_91 = arith.constant 0 : i32
      %cond3A_92 = arith.cmpi ne, %convert_element_type3A_90, %cond3A_91 : i32
      scf.if %cond3A_92 {
        %dma_start3A_99 = arith.constant 0 : i32
        %dma_start3A_100 = arith.constant 0 : i32
        %dma_start3A_101 = tpu.memref_slice %arg4[%dma_start3A_99, %dma_start3A_100] : memref<10240x128xf32, #tpu.memory_space<hbm>> -> memref<10240x128xf32, #tpu.memory_space<hbm>>
        tpu.enqueue_indirect_dma source(%dma_start3A_101 : memref<10240x128xf32, #tpu.memory_space<hbm>>) target(%arg11 : memref<128x128xf32, #tpu.memory_space<vmem>>) offsets(%arg6 : memref<128xi32, #tpu.memory_space<vmem>>) semaphore(%arg13 : memref<!tpu.dma_semaphore, #tpu.memory_space<semaphore_mem>>)
      } else {
      }
      %convert_element_type3A_93 = arith.extui %lt3A_58 : i1 to i32
      %cond3A_94 = arith.constant 0 : i32
      %cond3A_95 = arith.cmpi ne, %convert_element_type3A_93, %cond3A_94 : i32
      scf.if %cond3A_95 {
        %add3A_99 = arith.constant 2 : i32
        %add3A_100 = arith.addi %add3A_57, %add3A_99 : i32
        %dma_start3A_101 = arith.constant 0 : i32
        %dma_start3A_102 = tpu.memref_slice %arg2[%add3A, %add3A_100, %dma_start3A_101] : memref<32x80x128xi32, #tpu.memory_space<hbm>> -> memref<1x1x128xi32, #tpu.memory_space<hbm>>
        %dma_start3A_103 = tpu.memref_squeeze %dma_start3A_102 : memref<1x1x128xi32, #tpu.memory_space<hbm>> -> memref<128xi32, #tpu.memory_space<hbm>>
        %dma_start3A_104 = arith.constant 0 : i32
        %dma_start3A_105 = tpu.memref_slice %arg2[%add3A, %add3A_100, %dma_start3A_104] : memref<32x80x128xi32, #tpu.memory_space<hbm>> -> memref<1x1x128xi32, #tpu.memory_space<hbm>>
        %dma_start3A_106 = tpu.memref_squeeze %dma_start3A_105 : memref<1x1x128xi32, #tpu.memory_space<hbm>> -> memref<128xi32, #tpu.memory_space<hbm>>
        tpu.enqueue_dma source(%dma_start3A_106 : memref<128xi32, #tpu.memory_space<hbm>>) target(%arg7 : memref<128xi32, #tpu.memory_space<vmem>>) target_semaphore(%arg16 : memref<!tpu.dma_semaphore, #tpu.memory_space<semaphore_mem>>)
      } else {
      }
      "tpu.region"() ({
        %run_scoped3A_99 = tpu.sem_alloc : memref<!tpu.dma_semaphore, #tpu.memory_space<semaphore_mem>>
        %dma_start3A_100 = arith.constant 0 : i32
        %dma_start3A_101 = arith.constant 0 : i32
        %dma_start3A_102 = tpu.memref_slice %arg12[%dma_start3A_100, %dma_start3A_101] : memref<10240x128xf32, #tpu.memory_space<vmem_shared>> -> memref<10240x128xf32, #tpu.memory_space<vmem_shared>>
        tpu.enqueue_indirect_dma source(%arg10 : memref<128x128xf32, #tpu.memory_space<vmem>>) target(%dma_start3A_102 : memref<10240x128xf32, #tpu.memory_space<vmem_shared>>) offsets(%arg9 : memref<128xi32, #tpu.memory_space<vmem>>) semaphore(%run_scoped3A_99 : memref<!tpu.dma_semaphore, #tpu.memory_space<semaphore_mem>>) {add = true}
        %dma_wait3A_103 = arith.constant 0 : i32
        %dma_wait3A_104 = arith.constant 0 : i32
        %dma_wait3A_105 = tpu.memref_slice %arg12[%dma_wait3A_103, %dma_wait3A_104] : memref<10240x128xf32, #tpu.memory_space<vmem_shared>> -> memref<10240x128xf32, #tpu.memory_space<vmem_shared>>
        tpu.wait_indirect_dma semaphore(%run_scoped3A_99 : memref<!tpu.dma_semaphore, #tpu.memory_space<semaphore_mem>>) src(%arg10 : memref<128x128xf32, #tpu.memory_space<vmem>>) dst(%dma_wait3A_105 : memref<10240x128xf32, #tpu.memory_space<vmem_shared>>)
        tpu.yield
      }) : () -> ()
      %convert_element_type3A_96 = arith.extui %lt3A_58 : i1 to i32
      %cond3A_97 = arith.constant 0 : i32
      %cond3A_98 = arith.cmpi ne, %convert_element_type3A_96, %cond3A_97 : i32
      scf.if %cond3A_98 {
        %add3A_99 = arith.constant 2 : i32
        %add3A_100 = arith.addi %add3A_57, %add3A_99 : i32
        %dma_start3A_101 = arith.constant 0 : i32
        %dma_start3A_102 = tpu.memref_slice %arg3[%add3A, %add3A_100, %dma_start3A_101] : memref<32x80x128xi32, #tpu.memory_space<hbm>> -> memref<1x1x128xi32, #tpu.memory_space<hbm>>
        %dma_start3A_103 = tpu.memref_squeeze %dma_start3A_102 : memref<1x1x128xi32, #tpu.memory_space<hbm>> -> memref<128xi32, #tpu.memory_space<hbm>>
        %dma_start3A_104 = arith.constant 0 : i32
        %dma_start3A_105 = tpu.memref_slice %arg3[%add3A, %add3A_100, %dma_start3A_104] : memref<32x80x128xi32, #tpu.memory_space<hbm>> -> memref<1x1x128xi32, #tpu.memory_space<hbm>>
        %dma_start3A_106 = tpu.memref_squeeze %dma_start3A_105 : memref<1x1x128xi32, #tpu.memory_space<hbm>> -> memref<128xi32, #tpu.memory_space<hbm>>
        tpu.enqueue_dma source(%dma_start3A_106 : memref<128xi32, #tpu.memory_space<hbm>>) target(%arg9 : memref<128xi32, #tpu.memory_space<vmem>>) target_semaphore(%arg16 : memref<!tpu.dma_semaphore, #tpu.memory_space<semaphore_mem>>)
      } else {
      }
    }
    %scan3A_47 = arith.constant 40 : i32
    %barrier3A_48 = arith.constant 0 : index
    tpu.barrier barrier_id(%barrier3A_48)
    %mul3A_49 = arith.constant 640 : i32
    %mul3A_50 = arith.muli %arg1, %mul3A_49 : i32
    %mul3A_51 = arith.constant 640 : i32
    %mul3A_52 = arith.muli %arg1, %mul3A_51 : i32
    "tpu.region"() ({
      %run_scoped3A_53 = tpu.sem_alloc : memref<!tpu.dma_semaphore, #tpu.memory_space<semaphore_mem>>
      %dma_start3A_54 = arith.constant 0 : i32
      %dma_start3A_55 = tpu.memref_slice %arg5[%arg0, %mul3A_52, %dma_start3A_54] : memref<2x10240x128xf32, #tpu.memory_space<hbm>> -> memref<1x640x128xf32, #tpu.memory_space<hbm>>
      %dma_start3A_56 = tpu.memref_squeeze %dma_start3A_55 : memref<1x640x128xf32, #tpu.memory_space<hbm>> -> memref<640x128xf32, #tpu.memory_space<hbm>>
      %dma_start3A_57 = arith.constant 0 : i32
      %dma_start3A_58 = tpu.memref_slice %arg12[%mul3A_50, %dma_start3A_57] : memref<10240x128xf32, #tpu.memory_space<vmem_shared>> -> memref<640x128xf32, #tpu.memory_space<vmem_shared>>
      tpu.enqueue_dma source(%dma_start3A_58 : memref<640x128xf32, #tpu.memory_space<vmem_shared>>) target(%dma_start3A_56 : memref<640x128xf32, #tpu.memory_space<hbm>>) target_semaphore(%run_scoped3A_53 : memref<!tpu.dma_semaphore, #tpu.memory_space<semaphore_mem>>)
      %dma_wait3A = arith.constant 0 : i32
      %dma_wait3A_59 = tpu.memref_slice %arg5[%arg0, %mul3A_52, %dma_wait3A] : memref<2x10240x128xf32, #tpu.memory_space<hbm>> -> memref<1x640x128xf32, #tpu.memory_space<hbm>>
      %dma_wait3A_60 = tpu.memref_squeeze %dma_wait3A_59 : memref<1x640x128xf32, #tpu.memory_space<hbm>> -> memref<640x128xf32, #tpu.memory_space<hbm>>
      %dma_wait3A_61 = arith.constant 0 : i32
      %dma_wait3A_62 = tpu.memref_slice %arg12[%mul3A_50, %dma_wait3A_61] : memref<10240x128xf32, #tpu.memory_space<vmem_shared>> -> memref<640x128xf32, #tpu.memory_space<vmem_shared>>
      tpu.wait_dma2 semaphore(%run_scoped3A_53 : memref<!tpu.dma_semaphore, #tpu.memory_space<semaphore_mem>>) src(%dma_wait3A_62 : memref<640x128xf32, #tpu.memory_space<vmem_shared>>) dst(%dma_wait3A_60 : memref<640x128xf32, #tpu.memory_space<hbm>>)
      tpu.yield
    }) : () -> ()
    return
  }
}

module attributes {stable_mosaic.version = 14 : i64} {
  func.func @_layer_s_body(%arg0: i32, %arg1: memref<2x1024x128xf32, #tpu.memory_space<vmem>>, %arg2: memref<1024x1xf32, #tpu.memory_space<vmem>>, %arg3: memref<1024x1xf32, #tpu.memory_space<vmem>>, %arg4: memref<128x128xf32, #tpu.memory_space<vmem>>, %arg5: memref<1x128xf32, #tpu.memory_space<vmem>>, %arg6: memref<1024x128xf32, #tpu.memory_space<vmem>>) attributes {dimension_semantics = [#tpu.dimension_semantics<arbitrary>], iteration_bounds = array<i64: 10>, scalar_prefetch = 0 : i64, scratch_operands = 0 : i64, tpu.core_type = #tpu.core_type<tc>, window_params = [{transform_indices = @transform_0, window_bounds = array<i64: 2, 1024, 128>}, {transform_indices = @transform_1, window_bounds = array<i64: 1024, 1>}, {transform_indices = @transform_2, window_bounds = array<i64: 1024, 1>}, {pipeline_mode = #tpu.pipeline_mode<synchronous>, transform_indices = @transform_3, window_bounds = array<i64: 128, 128>}, {pipeline_mode = #tpu.pipeline_mode<synchronous>, transform_indices = @transform_4, window_bounds = array<i64: 1, 128>}, {transform_indices = @transform_5, window_bounds = array<i64: 1024, 128>}]} {
    %get3A = arith.constant 0 : index
    %get3A_0 = arith.constant 0 : index
    %get3A_1 = arith.constant 0 : index
    %get3A_2 = vector.load %arg1[%get3A, %get3A_0, %get3A_1] : memref<2x1024x128xf32, #tpu.memory_space<vmem>>, vector<1x1024x128xf32>
    %get3A_3 = vector.shape_cast %get3A_2 : vector<1x1024x128xf32> to vector<1024x128xf32>
    %get3A_4 = arith.constant 1 : index
    %get3A_5 = arith.constant 0 : index
    %get3A_6 = arith.constant 0 : index
    %get3A_7 = vector.load %arg1[%get3A_4, %get3A_5, %get3A_6] : memref<2x1024x128xf32, #tpu.memory_space<vmem>>, vector<1x1024x128xf32>
    %get3A_8 = vector.shape_cast %get3A_7 : vector<1x1024x128xf32> to vector<1024x128xf32>
    %add3A = arith.addf %get3A_3, %get3A_8 : vector<1024x128xf32>
    %get3A_9 = arith.constant 0 : index
    %get3A_10 = arith.constant 0 : index
    %get3A_11 = vector.load %arg2[%get3A_9, %get3A_10] : memref<1024x1xf32, #tpu.memory_space<vmem>>, vector<1024x1xf32>
    %mul3A = vector.broadcast %get3A_11 : vector<1024x1xf32> to vector<1024x128xf32>
    %mul3A_12 = arith.mulf %add3A, %mul3A : vector<1024x128xf32>
    %get3A_13 = arith.constant 0 : index
    %get3A_14 = arith.constant 0 : index
    %get3A_15 = vector.load %arg4[%get3A_13, %get3A_14] : memref<128x128xf32, #tpu.memory_space<vmem>>, vector<128x128xf32>
    %dot_general3A = arith.constant dense<0.000000e+00> : vector<1024x128xf32>
    %dot_general3A_16 = tpu.matmul %mul3A_12, %get3A_15, %dot_general3A {dimension_numbers = #tpu.dot_dimension_numbers<[1], [0], [0], [1], [0, 0, 1, 1], [], []>, transpose_lhs_hint = false} : vector<1024x128xf32>, vector<128x128xf32>, vector<1024x128xf32> -> vector<1024x128xf32>
    %get3A_17 = arith.constant 0 : index
    %get3A_18 = arith.constant 0 : index
    %get3A_19 = vector.load %arg5[%get3A_17, %get3A_18] : memref<1x128xf32, #tpu.memory_space<vmem>>, vector<1x128xf32>
    %add3A_20 = vector.broadcast %get3A_19 : vector<1x128xf32> to vector<1024x128xf32>
    %add3A_21 = arith.addf %dot_general3A_16, %add3A_20 : vector<1024x128xf32>
    %max3A = arith.constant 0.000000e+00 : f32
    %max3A_22 = vector.broadcast %max3A : f32 to vector<1024x128xf32>
    %max3A_23 = arith.maximumf %add3A_21, %max3A_22 : vector<1024x128xf32>
    %get3A_24 = arith.constant 0 : index
    %get3A_25 = arith.constant 0 : index
    %get3A_26 = vector.load %arg3[%get3A_24, %get3A_25] : memref<1024x1xf32, #tpu.memory_space<vmem>>, vector<1024x1xf32>
    %mul3A_27 = vector.broadcast %get3A_26 : vector<1024x1xf32> to vector<1024x128xf32>
    %mul3A_28 = arith.mulf %max3A_23, %mul3A_27 : vector<1024x128xf32>
    %swap3A = arith.constant 0 : index
    %swap3A_29 = arith.constant 0 : index
    %swap3A_30 = vector.load %arg6[%swap3A, %swap3A_29] : memref<1024x128xf32, #tpu.memory_space<vmem>>, vector<1024x128xf32>
    tpu.vector_store %arg6[%swap3A, %swap3A_29], %mul3A_28 {strides = array<i32>} : memref<1024x128xf32, #tpu.memory_space<vmem>>, vector<1024x128xf32>,
    return
  }
  func.func @transform_0(%arg0: i32) -> (i32, i32, i32) {
    %c0_i32 = arith.constant 0 : i32
    %c0_i32_0 = arith.constant 0 : i32
    %c0_i32_1 = arith.constant 0 : i32
    return %c0_i32, %arg0, %c0_i32_0 : i32, i32, i32
  }
  func.func @transform_1(%arg0: i32) -> (i32, i32) {
    %c0_i32 = arith.constant 0 : i32
    %c0_i32_0 = arith.constant 0 : i32
    return %arg0, %c0_i32 : i32, i32
  }
  func.func @transform_2(%arg0: i32) -> (i32, i32) {
    %c0_i32 = arith.constant 0 : i32
    %c0_i32_0 = arith.constant 0 : i32
    return %arg0, %c0_i32 : i32, i32
  }
  func.func @transform_3(%arg0: i32) -> (i32, i32) {
    %c0_i32 = arith.constant 0 : i32
    %c0_i32_0 = arith.constant 0 : i32
    %c0_i32_1 = arith.constant 0 : i32
    return %c0_i32, %c0_i32_0 : i32, i32
  }
  func.func @transform_4(%arg0: i32) -> (i32, i32) {
    %c0_i32 = arith.constant 0 : i32
    %c0_i32_0 = arith.constant 0 : i32
    %c0_i32_1 = arith.constant 0 : i32
    return %c0_i32, %c0_i32_0 : i32, i32
  }
  func.func @transform_5(%arg0: i32) -> (i32, i32) {
    %c0_i32 = arith.constant 0 : i32
    %c0_i32_0 = arith.constant 0 : i32
    return %arg0, %c0_i32 : i32, i32
  }
}

module attributes {stable_mosaic.version = 14 : i64} {
  func.func @_prep_body(%arg0: i32, %arg1: memref<2x2x1024xf32, #tpu.memory_space<vmem>>, %arg2: memref<1024x128xf32, #tpu.memory_space<vmem>>, %arg3: memref<1024x128xf32, #tpu.memory_space<vmem>>, %arg4: memref<1024x1xf32, #tpu.memory_space<vmem>>, %arg5: memref<1024x1xf32, #tpu.memory_space<vmem>>) attributes {dimension_semantics = [#tpu.dimension_semantics<arbitrary>], iteration_bounds = array<i64: 10>, scalar_prefetch = 0 : i64, scratch_operands = 0 : i64, tpu.core_type = #tpu.core_type<tc>, window_params = [{transform_indices = @transform_0, window_bounds = array<i64: 2, 2, 1024>}, {transform_indices = @transform_1, window_bounds = array<i64: 1024, 128>}, {transform_indices = @transform_2, window_bounds = array<i64: 1024, 128>}, {transform_indices = @transform_3, window_bounds = array<i64: 1024, 1>}, {transform_indices = @transform_4, window_bounds = array<i64: 1024, 1>}]} {
    %get3A = arith.constant 0 : index
    %get3A_0 = arith.constant 0 : index
    %get3A_1 = arith.constant 0 : index
    %get3A_2 = vector.load %arg1[%get3A, %get3A_0, %get3A_1] : memref<2x2x1024xf32, #tpu.memory_space<vmem>>, vector<2x2x1024xf32>
    %slice3A = vector.extract_strided_slice %get3A_2 {offsets = [0, 0, 0], sizes = [1, 1, 1024], strides = [1, 1, 1]} : vector<2x2x1024xf32> to vector<1x1x1024xf32>
    %squeeze3A = vector.shape_cast %slice3A : vector<1x1x1024xf32> to vector<1024xf32>
    %slice3A_3 = vector.extract_strided_slice %get3A_2 {offsets = [1, 0, 0], sizes = [1, 1, 1024], strides = [1, 1, 1]} : vector<2x2x1024xf32> to vector<1x1x1024xf32>
    %squeeze3A_4 = vector.shape_cast %slice3A_3 : vector<1x1x1024xf32> to vector<1024xf32>
    %add3A = arith.addf %squeeze3A, %squeeze3A_4 : vector<1024xf32>
    %slice3A_5 = vector.extract_strided_slice %get3A_2 {offsets = [0, 1, 0], sizes = [1, 1, 1024], strides = [1, 1, 1]} : vector<2x2x1024xf32> to vector<1x1x1024xf32>
    %squeeze3A_6 = vector.shape_cast %slice3A_5 : vector<1x1x1024xf32> to vector<1024xf32>
    %slice3A_7 = vector.extract_strided_slice %get3A_2 {offsets = [1, 1, 0], sizes = [1, 1, 1024], strides = [1, 1, 1]} : vector<2x2x1024xf32> to vector<1x1x1024xf32>
    %squeeze3A_8 = vector.shape_cast %slice3A_7 : vector<1x1x1024xf32> to vector<1024xf32>
    %add3A_9 = arith.addf %squeeze3A_6, %squeeze3A_8 : vector<1024xf32>
    %gt3A = arith.constant 0.000000e+00 : f32
    %gt3A_10 = vector.broadcast %gt3A : f32 to vector<1024xf32>
    %gt3A_11 = arith.cmpf ogt, %add3A, %gt3A_10 : vector<1024xf32>
    %max3A = arith.constant 9.99999996E-13 : f32
    %max3A_12 = vector.broadcast %max3A : f32 to vector<1024xf32>
    %max3A_13 = arith.maximumf %add3A, %max3A_12 : vector<1024xf32>
    %rsqrt3A = math.rsqrt %max3A_13 : vector<1024xf32>
    %jit3A = arith.constant 0.000000e+00 : f32
    %broadcast_in_dim3A = vector.broadcast %jit3A : f32 to vector<1024xf32>
    %select_n3A = arith.select %gt3A_11, %rsqrt3A, %broadcast_in_dim3A : vector<1024xi1>, vector<1024xf32>
    %gt3A_14 = arith.constant 0.000000e+00 : f32
    %gt3A_15 = vector.broadcast %gt3A_14 : f32 to vector<1024xf32>
    %gt3A_16 = arith.cmpf ogt, %add3A_9, %gt3A_15 : vector<1024xf32>
    %max3A_17 = arith.constant 9.99999996E-13 : f32
    %max3A_18 = vector.broadcast %max3A_17 : f32 to vector<1024xf32>
    %max3A_19 = arith.maximumf %add3A_9, %max3A_18 : vector<1024xf32>
    %rsqrt3A_20 = math.rsqrt %max3A_19 : vector<1024xf32>
    %jit3A_21 = arith.constant 0.000000e+00 : f32
    %broadcast_in_dim3A_22 = vector.broadcast %jit3A_21 : f32 to vector<1024xf32>
    %select_n3A_23 = arith.select %gt3A_16, %rsqrt3A_20, %broadcast_in_dim3A_22 : vector<1024xi1>, vector<1024xf32>
    %broadcast_in_dim3A_24 = vector.shape_cast %select_n3A : vector<1024xf32> to vector<1024x1xf32>
    %swap3A = arith.constant 0 : index
    %swap3A_25 = arith.constant 0 : index
    %swap3A_26 = vector.load %arg4[%swap3A, %swap3A_25] : memref<1024x1xf32, #tpu.memory_space<vmem>>, vector<1024x1xf32>
    tpu.vector_store %arg4[%swap3A, %swap3A_25], %broadcast_in_dim3A_24 {strides = array<i32>} : memref<1024x1xf32, #tpu.memory_space<vmem>>, vector<1024x1xf32>,
    %broadcast_in_dim3A_27 = vector.shape_cast %select_n3A_23 : vector<1024xf32> to vector<1024x1xf32>
    %swap3A_28 = arith.constant 0 : index
    %swap3A_29 = arith.constant 0 : index
    %swap3A_30 = vector.load %arg5[%swap3A_28, %swap3A_29] : memref<1024x1xf32, #tpu.memory_space<vmem>>, vector<1024x1xf32>
    tpu.vector_store %arg5[%swap3A_28, %swap3A_29], %broadcast_in_dim3A_27 {strides = array<i32>} : memref<1024x1xf32, #tpu.memory_space<vmem>>, vector<1024x1xf32>,
    %get3A_31 = arith.constant 0 : index
    %get3A_32 = arith.constant 0 : index
    %get3A_33 = vector.load %arg2[%get3A_31, %get3A_32] : memref<1024x128xf32, #tpu.memory_space<vmem>>, vector<1024x128xf32>
    %broadcast_in_dim3A_34 = vector.shape_cast %select_n3A : vector<1024xf32> to vector<1024x1xf32>
    %mul3A = vector.broadcast %broadcast_in_dim3A_34 : vector<1024x1xf32> to vector<1024x128xf32>
    %mul3A_35 = arith.mulf %get3A_33, %mul3A : vector<1024x128xf32>
    %swap3A_36 = arith.constant 0 : index
    %swap3A_37 = arith.constant 0 : index
    %swap3A_38 = vector.load %arg3[%swap3A_36, %swap3A_37] : memref<1024x128xf32, #tpu.memory_space<vmem>>, vector<1024x128xf32>
    tpu.vector_store %arg3[%swap3A_36, %swap3A_37], %mul3A_35 {strides = array<i32>} : memref<1024x128xf32, #tpu.memory_space<vmem>>, vector<1024x128xf32>,
    return
  }
  func.func @transform_0(%arg0: i32) -> (i32, i32, i32) {
    %c0_i32 = arith.constant 0 : i32
    %c0_i32_0 = arith.constant 0 : i32
    %c0_i32_1 = arith.constant 0 : i32
    return %c0_i32, %c0_i32_0, %arg0 : i32, i32, i32
  }
  func.func @transform_1(%arg0: i32) -> (i32, i32) {
    %c0_i32 = arith.constant 0 : i32
    %c0_i32_0 = arith.constant 0 : i32
    return %arg0, %c0_i32 : i32, i32
  }
  func.func @transform_2(%arg0: i32) -> (i32, i32) {
    %c0_i32 = arith.constant 0 : i32
    %c0_i32_0 = arith.constant 0 : i32
    return %arg0, %c0_i32 : i32, i32
  }
  func.func @transform_3(%arg0: i32) -> (i32, i32) {
    %c0_i32 = arith.constant 0 : i32
    %c0_i32_0 = arith.constant 0 : i32
    return %arg0, %c0_i32 : i32, i32
  }
  func.func @transform_4(%arg0: i32) -> (i32, i32) {
    %c0_i32 = arith.constant 0 : i32
    %c0_i32_0 = arith.constant 0 : i32
    return %arg0, %c0_i32 : i32, i32
  }
}

module attributes {stable_mosaic.version = 14 : i64} {
  func.func @_layer_body(%arg0: i32, %arg1: memref<2x1024x128xf32, #tpu.memory_space<vmem>>, %arg2: memref<1024x1xf32, #tpu.memory_space<vmem>>, %arg3: memref<1024x1xf32, #tpu.memory_space<vmem>>, %arg4: memref<128x128xf32, #tpu.memory_space<vmem>>, %arg5: memref<1x128xf32, #tpu.memory_space<vmem>>, %arg6: memref<1024x128xf32, #tpu.memory_space<vmem>>, %arg7: memref<1024x128xf32, #tpu.memory_space<vmem>>) attributes {dimension_semantics = [#tpu.dimension_semantics<arbitrary>], iteration_bounds = array<i64: 10>, scalar_prefetch = 0 : i64, scratch_operands = 0 : i64, tpu.core_type = #tpu.core_type<tc>, window_params = [{transform_indices = @transform_0, window_bounds = array<i64: 2, 1024, 128>}, {transform_indices = @transform_1, window_bounds = array<i64: 1024, 1>}, {transform_indices = @transform_2, window_bounds = array<i64: 1024, 1>}, {pipeline_mode = #tpu.pipeline_mode<synchronous>, transform_indices = @transform_3, window_bounds = array<i64: 128, 128>}, {pipeline_mode = #tpu.pipeline_mode<synchronous>, transform_indices = @transform_4, window_bounds = array<i64: 1, 128>}, {transform_indices = @transform_5, window_bounds = array<i64: 1024, 128>}, {transform_indices = @transform_6, window_bounds = array<i64: 1024, 128>}]} {
    %get3A = arith.constant 0 : index
    %get3A_0 = arith.constant 0 : index
    %get3A_1 = arith.constant 0 : index
    %get3A_2 = vector.load %arg1[%get3A, %get3A_0, %get3A_1] : memref<2x1024x128xf32, #tpu.memory_space<vmem>>, vector<1x1024x128xf32>
    %get3A_3 = vector.shape_cast %get3A_2 : vector<1x1024x128xf32> to vector<1024x128xf32>
    %get3A_4 = arith.constant 1 : index
    %get3A_5 = arith.constant 0 : index
    %get3A_6 = arith.constant 0 : index
    %get3A_7 = vector.load %arg1[%get3A_4, %get3A_5, %get3A_6] : memref<2x1024x128xf32, #tpu.memory_space<vmem>>, vector<1x1024x128xf32>
    %get3A_8 = vector.shape_cast %get3A_7 : vector<1x1024x128xf32> to vector<1024x128xf32>
    %add3A = arith.addf %get3A_3, %get3A_8 : vector<1024x128xf32>
    %get3A_9 = arith.constant 0 : index
    %get3A_10 = arith.constant 0 : index
    %get3A_11 = vector.load %arg2[%get3A_9, %get3A_10] : memref<1024x1xf32, #tpu.memory_space<vmem>>, vector<1024x1xf32>
    %mul3A = vector.broadcast %get3A_11 : vector<1024x1xf32> to vector<1024x128xf32>
    %mul3A_12 = arith.mulf %add3A, %mul3A : vector<1024x128xf32>
    %get3A_13 = arith.constant 0 : index
    %get3A_14 = arith.constant 0 : index
    %get3A_15 = vector.load %arg4[%get3A_13, %get3A_14] : memref<128x128xf32, #tpu.memory_space<vmem>>, vector<128x128xf32>
    %dot_general3A = arith.constant dense<0.000000e+00> : vector<1024x128xf32>
    %dot_general3A_16 = tpu.matmul %mul3A_12, %get3A_15, %dot_general3A {dimension_numbers = #tpu.dot_dimension_numbers<[1], [0], [0], [1], [0, 0, 1, 1], [], []>, transpose_lhs_hint = false} : vector<1024x128xf32>, vector<128x128xf32>, vector<1024x128xf32> -> vector<1024x128xf32>
    %get3A_17 = arith.constant 0 : index
    %get3A_18 = arith.constant 0 : index
    %get3A_19 = vector.load %arg5[%get3A_17, %get3A_18] : memref<1x128xf32, #tpu.memory_space<vmem>>, vector<1x128xf32>
    %add3A_20 = vector.broadcast %get3A_19 : vector<1x128xf32> to vector<1024x128xf32>
    %add3A_21 = arith.addf %dot_general3A_16, %add3A_20 : vector<1024x128xf32>
    %max3A = arith.constant 0.000000e+00 : f32
    %max3A_22 = vector.broadcast %max3A : f32 to vector<1024x128xf32>
    %max3A_23 = arith.maximumf %add3A_21, %max3A_22 : vector<1024x128xf32>
    %swap3A = arith.constant 0 : index
    %swap3A_24 = arith.constant 0 : index
    %swap3A_25 = vector.load %arg6[%swap3A, %swap3A_24] : memref<1024x128xf32, #tpu.memory_space<vmem>>, vector<1024x128xf32>
    tpu.vector_store %arg6[%swap3A, %swap3A_24], %max3A_23 {strides = array<i32>} : memref<1024x128xf32, #tpu.memory_space<vmem>>, vector<1024x128xf32>,
    %get3A_26 = arith.constant 0 : index
    %get3A_27 = arith.constant 0 : index
    %get3A_28 = vector.load %arg3[%get3A_26, %get3A_27] : memref<1024x1xf32, #tpu.memory_space<vmem>>, vector<1024x1xf32>
    %mul3A_29 = vector.broadcast %get3A_28 : vector<1024x1xf32> to vector<1024x128xf32>
    %mul3A_30 = arith.mulf %max3A_23, %mul3A_29 : vector<1024x128xf32>
    %swap3A_31 = arith.constant 0 : index
    %swap3A_32 = arith.constant 0 : index
    %swap3A_33 = vector.load %arg7[%swap3A_31, %swap3A_32] : memref<1024x128xf32, #tpu.memory_space<vmem>>, vector<1024x128xf32>
    tpu.vector_store %arg7[%swap3A_31, %swap3A_32], %mul3A_30 {strides = array<i32>} : memref<1024x128xf32, #tpu.memory_space<vmem>>, vector<1024x128xf32>,
    return
  }
  func.func @transform_0(%arg0: i32) -> (i32, i32, i32) {
    %c0_i32 = arith.constant 0 : i32
    %c0_i32_0 = arith.constant 0 : i32
    %c0_i32_1 = arith.constant 0 : i32
    return %c0_i32, %arg0, %c0_i32_0 : i32, i32, i32
  }
  func.func @transform_1(%arg0: i32) -> (i32, i32) {
    %c0_i32 = arith.constant 0 : i32
    %c0_i32_0 = arith.constant 0 : i32
    return %arg0, %c0_i32 : i32, i32
  }
  func.func @transform_2(%arg0: i32) -> (i32, i32) {
    %c0_i32 = arith.constant 0 : i32
    %c0_i32_0 = arith.constant 0 : i32
    return %arg0, %c0_i32 : i32, i32
  }
  func.func @transform_3(%arg0: i32) -> (i32, i32) {
    %c0_i32 = arith.constant 0 : i32
    %c0_i32_0 = arith.constant 0 : i32
    %c0_i32_1 = arith.constant 0 : i32
    return %c0_i32, %c0_i32_0 : i32, i32
  }
  func.func @transform_4(%arg0: i32) -> (i32, i32) {
    %c0_i32 = arith.constant 0 : i32
    %c0_i32_0 = arith.constant 0 : i32
    %c0_i32_1 = arith.constant 0 : i32
    return %c0_i32, %c0_i32_0 : i32, i32
  }
  func.func @transform_5(%arg0: i32) -> (i32, i32) {
    %c0_i32 = arith.constant 0 : i32
    %c0_i32_0 = arith.constant 0 : i32
    return %arg0, %c0_i32 : i32, i32
  }
  func.func @transform_6(%arg0: i32) -> (i32, i32) {
    %c0_i32 = arith.constant 0 : i32
    %c0_i32_0 = arith.constant 0 : i32
    return %arg0, %c0_i32 : i32, i32
  }
}

module attributes {stable_mosaic.version = 14 : i64} {
  func.func @_final_body(%arg0: i32, %arg1: memref<2x400x128xf32, #tpu.memory_space<vmem>>, %arg2: memref<400x1xf32, #tpu.memory_space<vmem>>, %arg3: memref<128x128xf32, #tpu.memory_space<vmem>>, %arg4: memref<1x128xf32, #tpu.memory_space<vmem>>, %arg5: memref<128x128xf32, #tpu.memory_space<vmem>>, %arg6: memref<1x128xf32, #tpu.memory_space<vmem>>, %arg7: memref<400x128xf32, #tpu.memory_space<vmem>>, %arg8: memref<400x128xf32, #tpu.memory_space<vmem>>) attributes {dimension_semantics = [#tpu.dimension_semantics<arbitrary>], iteration_bounds = array<i64: 25>, scalar_prefetch = 0 : i64, scratch_operands = 0 : i64, tpu.core_type = #tpu.core_type<tc>, window_params = [{transform_indices = @transform_0, window_bounds = array<i64: 2, 400, 128>}, {transform_indices = @transform_1, window_bounds = array<i64: 400, 1>}, {pipeline_mode = #tpu.pipeline_mode<synchronous>, transform_indices = @transform_2, window_bounds = array<i64: 128, 128>}, {pipeline_mode = #tpu.pipeline_mode<synchronous>, transform_indices = @transform_3, window_bounds = array<i64: 1, 128>}, {pipeline_mode = #tpu.pipeline_mode<synchronous>, transform_indices = @transform_4, window_bounds = array<i64: 128, 128>}, {pipeline_mode = #tpu.pipeline_mode<synchronous>, transform_indices = @transform_5, window_bounds = array<i64: 1, 128>}, {transform_indices = @transform_6, window_bounds = array<i64: 400, 128>}, {transform_indices = @transform_7, window_bounds = array<i64: 400, 128>}]} {
    %get3A = arith.constant 0 : index
    %get3A_0 = arith.constant 0 : index
    %get3A_1 = arith.constant 0 : index
    %get3A_2 = vector.load %arg1[%get3A, %get3A_0, %get3A_1] : memref<2x400x128xf32, #tpu.memory_space<vmem>>, vector<1x400x128xf32>
    %get3A_3 = vector.shape_cast %get3A_2 : vector<1x400x128xf32> to vector<400x128xf32>
    %get3A_4 = arith.constant 1 : index
    %get3A_5 = arith.constant 0 : index
    %get3A_6 = arith.constant 0 : index
    %get3A_7 = vector.load %arg1[%get3A_4, %get3A_5, %get3A_6] : memref<2x400x128xf32, #tpu.memory_space<vmem>>, vector<1x400x128xf32>
    %get3A_8 = vector.shape_cast %get3A_7 : vector<1x400x128xf32> to vector<400x128xf32>
    %add3A = arith.addf %get3A_3, %get3A_8 : vector<400x128xf32>
    %get3A_9 = arith.constant 0 : index
    %get3A_10 = arith.constant 0 : index
    %get3A_11 = vector.load %arg2[%get3A_9, %get3A_10] : memref<400x1xf32, #tpu.memory_space<vmem>>, vector<400x1xf32>
    %mul3A = vector.broadcast %get3A_11 : vector<400x1xf32> to vector<400x128xf32>
    %mul3A_12 = arith.mulf %add3A, %mul3A : vector<400x128xf32>
    %get3A_13 = arith.constant 0 : index
    %get3A_14 = arith.constant 0 : index
    %get3A_15 = vector.load %arg3[%get3A_13, %get3A_14] : memref<128x128xf32, #tpu.memory_space<vmem>>, vector<128x128xf32>
    %dot_general3A = arith.constant dense<0.000000e+00> : vector<400x128xf32>
    %dot_general3A_16 = tpu.matmul %mul3A_12, %get3A_15, %dot_general3A {dimension_numbers = #tpu.dot_dimension_numbers<[1], [0], [0], [1], [0, 0, 1, 1], [], []>, transpose_lhs_hint = false} : vector<400x128xf32>, vector<128x128xf32>, vector<400x128xf32> -> vector<400x128xf32>
    %get3A_17 = arith.constant 0 : index
    %get3A_18 = arith.constant 0 : index
    %get3A_19 = vector.load %arg4[%get3A_17, %get3A_18] : memref<1x128xf32, #tpu.memory_space<vmem>>, vector<1x128xf32>
    %add3A_20 = vector.broadcast %get3A_19 : vector<1x128xf32> to vector<400x128xf32>
    %add3A_21 = arith.addf %dot_general3A_16, %add3A_20 : vector<400x128xf32>
    %max3A = arith.constant 0.000000e+00 : f32
    %max3A_22 = vector.broadcast %max3A : f32 to vector<400x128xf32>
    %max3A_23 = arith.maximumf %add3A_21, %max3A_22 : vector<400x128xf32>
    %swap3A = arith.constant 0 : index
    %swap3A_24 = arith.constant 0 : index
    %swap3A_25 = vector.load %arg7[%swap3A, %swap3A_24] : memref<400x128xf32, #tpu.memory_space<vmem>>, vector<400x128xf32>
    tpu.vector_store %arg7[%swap3A, %swap3A_24], %max3A_23 {strides = array<i32>} : memref<400x128xf32, #tpu.memory_space<vmem>>, vector<400x128xf32>,
    %get3A_26 = arith.constant 0 : index
    %get3A_27 = arith.constant 0 : index
    %get3A_28 = vector.load %arg5[%get3A_26, %get3A_27] : memref<128x128xf32, #tpu.memory_space<vmem>>, vector<128x128xf32>
    %dot_general3A_29 = arith.constant dense<0.000000e+00> : vector<400x128xf32>
    %dot_general3A_30 = tpu.matmul %mul3A_12, %get3A_28, %dot_general3A_29 {dimension_numbers = #tpu.dot_dimension_numbers<[1], [0], [0], [1], [0, 0, 1, 1], [], []>, transpose_lhs_hint = false} : vector<400x128xf32>, vector<128x128xf32>, vector<400x128xf32> -> vector<400x128xf32>
    %get3A_31 = arith.constant 0 : index
    %get3A_32 = arith.constant 0 : index
    %get3A_33 = vector.load %arg6[%get3A_31, %get3A_32] : memref<1x128xf32, #tpu.memory_space<vmem>>, vector<1x128xf32>
    %add3A_34 = vector.broadcast %get3A_33 : vector<1x128xf32> to vector<400x128xf32>
    %add3A_35 = arith.addf %dot_general3A_30, %add3A_34 : vector<400x128xf32>
    %swap3A_36 = arith.constant 0 : index
    %swap3A_37 = arith.constant 0 : index
    %swap3A_38 = vector.load %arg8[%swap3A_36, %swap3A_37] : memref<400x128xf32, #tpu.memory_space<vmem>>, vector<400x128xf32>
    tpu.vector_store %arg8[%swap3A_36, %swap3A_37], %add3A_35 {strides = array<i32>} : memref<400x128xf32, #tpu.memory_space<vmem>>, vector<400x128xf32>,
    return
  }
  func.func @transform_0(%arg0: i32) -> (i32, i32, i32) {
    %c0_i32 = arith.constant 0 : i32
    %c0_i32_0 = arith.constant 0 : i32
    %c0_i32_1 = arith.constant 0 : i32
    return %c0_i32, %arg0, %c0_i32_0 : i32, i32, i32
  }
  func.func @transform_1(%arg0: i32) -> (i32, i32) {
    %c0_i32 = arith.constant 0 : i32
    %c0_i32_0 = arith.constant 0 : i32
    return %arg0, %c0_i32 : i32, i32
  }
  func.func @transform_2(%arg0: i32) -> (i32, i32) {
    %c0_i32 = arith.constant 0 : i32
    %c0_i32_0 = arith.constant 0 : i32
    %c0_i32_1 = arith.constant 0 : i32
    return %c0_i32, %c0_i32_0 : i32, i32
  }
  func.func @transform_3(%arg0: i32) -> (i32, i32) {
    %c0_i32 = arith.constant 0 : i32
    %c0_i32_0 = arith.constant 0 : i32
    %c0_i32_1 = arith.constant 0 : i32
    return %c0_i32, %c0_i32_0 : i32, i32
  }
  func.func @transform_4(%arg0: i32) -> (i32, i32) {
    %c0_i32 = arith.constant 0 : i32
    %c0_i32_0 = arith.constant 0 : i32
    %c0_i32_1 = arith.constant 0 : i32
    return %c0_i32, %c0_i32_0 : i32, i32
  }
  func.func @transform_5(%arg0: i32) -> (i32, i32) {
    %c0_i32 = arith.constant 0 : i32
    %c0_i32_0 = arith.constant 0 : i32
    %c0_i32_1 = arith.constant 0 : i32
    return %c0_i32, %c0_i32_0 : i32, i32
  }
  func.func @transform_6(%arg0: i32) -> (i32, i32) {
    %c0_i32 = arith.constant 0 : i32
    %c0_i32_0 = arith.constant 0 : i32
    return %arg0, %c0_i32 : i32, i32
  }
  func.func @transform_7(%arg0: i32) -> (i32, i32) {
    %c0_i32 = arith.constant 0 : i32
    %c0_i32_0 = arith.constant 0 : i32
    return %arg0, %c0_i32 : i32, i32
  }
}

</mosaic_0001>

<sc_bundles>
// kernel: kernel.10.cloned.1.call-start
scs
__scs_entry_jumppad:
0x0: {  	(pc) =	sbr.rel $0x88, $3  }
0x1: {  	(tag) =	ssettag $0x0;
	lr =	simm.s32 $0x1  }
0x2: {  	[smem:$0x3F99] =	sst lr;
	_ =	strace $0xD0000000  }
0x3: {  	_ = 	snop  }
0x4: {  	_ = 	snop  }
0x5: {  	_ = 	snop  }
0x6: {  	_ = 	snop  }
0x7: {  	_ = 	snop  }
__scs_overlays_trampoline_lowered:
0x8: {  	[smem:$0x3FA8] =	sst s0  }
0x9: {  	[smem:$0x3FA9] =	sst s1  }
0xa: {  	[smem:$0x3FAA] =	sst s2  }
0xb: {  	[smem:$0x3FAB] =	sst s3  }
0xc: {  	[smem:$0x3FAC] =	sst s4  }
0xd: {  	[smem:$0x3FAD] =	sst s5  }
0xe: {  	[smem:$0x3FAE] =	sst s6  }
0xf: {  	[smem:$0x3FAF] =	sst s7  }
0x10: {  	[smem:$0x3FB0] =	sst s8  }
0x11: {  	[smem:$0x3FB1] =	sst s9;
	s0 =	simm.s32 @!p0 $0x0  }
0x12: {  	s1 =	sld [smem:$0x3F97];
	s0 =	simm.s32 @p0 $0x1  }
0x13: {  	[smem:$0x3FB2] =	sst s0;
	s0 =	simm.s32 @!p1 $0x0  }
0x14: {  	s2 =	sld [smem:$0x3F96];
	s0 =	simm.s32 @p1 $0x1  }
0x15: {  	[smem:$0x3FB3] =	sst s0;
	s0 =	simm.s32 @!p2 $0x0  }
0x16: {  	s3 =	sld [smem:$0x3FDB];
	s0 =	simm.s32 @p2 $0x1  }
0x17: {  	s4 =	simm.s32 $0x1BF5;
	[smem:$0x3FB5] =	sst s0  }
0x18: {  	s0 =	sld [smem:$0x3F98];
	_ =	swait.ge [sflag:s4], $0x0  }
0x19: {  	s7 =	sld [smem:$0x3F99]  }
0x1a: {  	s8 =	sadd.s32 $0xFFFFE003, lr  }
0x1b: {  	s9 =	sadd.s32 $0xFFFFFEF7, lr;
	s5 =	simm.s32 $0xFFFFFFFF;
	p2 =	slt.u32 s8, $0xFFFFF086  }
0x1c: {  	p1 =	slt.u32 s9, $0xF7A;
	s5 =	simm.s32 @!p2 $0x0  }
0x1d: {  	s5 =	simm.s32 @p1 $0x1;
	p0 =	seq.s32 s7, s2  }
0x1e: {  	s7 =	smul.u32 @!p0 $0xF7A, s2;
	p2 =	seq.s32 @!p0 s5, $0x0  }
0x1f: {  	s9 =	smul.u32 $0xF7A, s1;
	s8 =	simm.s32 @!p0 $0x1BF5;
	p2 =	por !p2, p0  }
0x20: {  	[sflag:s8] =	ssyncset.s32 @!p0 $0xFFFFF086;
	s6 =	sadd.s32 @!p0 s3, s7;
	s7 =	simm.s32 @!p0 $0x108  }
0x21: {  	s3 =	sadd.s32 s3, s9;
	s6 =	sadd.s32 @!p0 $0x88, s6;
	s7 =	simm.s32 @p2 $0x1082  }
0x22: {  	[simem:s7], [sflag:s8] =	dma.local @!p0 [hbm:s6], $0xF7A  }
0x23: {  	s9 =	sor.u32 $0xD0000000, s2;
	s6 =	simm.s32 $0x108;
	_ =	swait.ge @!p0 [sflag:s8], $0x0  }
0x24: {  	s3 =	sadd.s32 $0x88, s3;
	s6 =	simm.s32 @!p1 $0x1082;
	[sflag:s4] =	ssyncset.s32 $0xFFFFF086  }
0x25: {  	[simem:s6], [sflag:s4] =	dma.local [hbm:s3], $0xF7A  }
0x26: {  	[smem:$0x3F99] =	sst s1;
	(tag) =	ssettag s2;
	_ =	strace s9  }
0x27: {  	s1 =	sld [smem:$0x3FA9]  }
0x28: {  	s2 =	sld [smem:$0x3FAA]  }
0x29: {  	s4 =	sld [smem:$0x3FAC]  }
0x2a: {  	p0 =	seq.s32 s5, $0x0;
	s5 =	sld [smem:$0x3FAD]  }
0x2b: {  	s6 =	sld [smem:$0x3FAE]  }
0x2c: {  	s7 =	sld [smem:$0x3FAF]  }
0x2d: {  	s3 =	simm.s32 $0x108;
	s8 =	sld [smem:$0x3FB0]  }
0x2e: {  	s3 =	simm.s32 @!p0 $0x1082;
	s9 =	sld [smem:$0x3FB1]  }
0x2f: {  	lr =	sadd.s32 s0, s3;
	s0 =	sld [smem:$0x3FA8]  }
0x30: {  	s3 =	sld [smem:$0x3FAB]  }
0x31: {  	[smem:$0x3FB4] =	sst s10  }
0x32: {  	s10 =	sld [smem:$0x3FB2];
	_ =	sdelay $0x3  }
0x33: {  	p0 =	seq.s32 s10, $0x1;
	s10 =	sld [smem:$0x3FB4];
	_ =	sdelay $0x3  }
0x34: {  	[smem:$0x3FB4] =	sst s10  }
0x35: {  	s10 =	sld [smem:$0x3FB3];
	_ =	sdelay $0x3  }
0x36: {  	p1 =	seq.s32 s10, $0x1;
	s10 =	sld [smem:$0x3FB4];
	_ =	sdelay $0x3  }
0x37: {  	[smem:$0x3FB4] =	sst s10  }
0x38: {  	s10 =	sld [smem:$0x3FB5]  }
0x39: {  	_ = 	snop;
	(pc) =	sbr.ind lr, $3  }
0x3a: {  	_ = 	snop  }
0x3b: {  	_ = 	snop  }
0x3c: {  	p2 =	seq.s32 s10, $0x1;
	s10 =	sld [smem:$0x3FB4]  }
0x3d: {  	_ =	shalt  }
0x3e: {  	_ =	shalt  }
0x3f: {  	_ =	shalt  }
0x40: {  	_ =	shalt  }
0x41: {  	_ =	shalt  }
0x42: {  	_ =	shalt  }
0x43: {  	_ =	shalt  }
0x44: {  	_ =	shalt  }
0x45: {  	_ =	shalt  }
0x46: {  	_ =	shalt  }
0x47: {  	_ =	shalt  }
0x48: {  	_ =	shalt  }
0x49: {  	_ =	shalt  }
0x4a: {  	_ =	shalt  }
0x4b: {  	_ =	shalt  }
0x4c: {  	_ =	shalt  }
0x4d: {  	_ =	shalt  }
0x4e: {  	_ =	shalt  }
0x4f: {  	_ =	shalt  }
0x50: {  	_ =	shalt  }
0x51: {  	_ =	shalt  }
0x52: {  	_ =	shalt  }
0x53: {  	_ =	shalt  }
0x54: {  	_ =	shalt  }
0x55: {  	_ =	shalt  }
0x56: {  	_ =	shalt  }
0x57: {  	_ =	shalt  }
0x58: {  	_ =	shalt  }
0x59: {  	_ =	shalt  }
0x5a: {  	_ =	shalt  }
0x5b: {  	_ =	shalt  }
0x5c: {  	_ =	shalt  }
0x5d: {  	_ =	shalt  }
0x5e: {  	_ =	shalt  }
0x5f: {  	_ =	shalt  }
0x60: {  	_ =	shalt  }
0x61: {  	_ =	shalt  }
0x62: {  	_ =	shalt  }
0x63: {  	_ =	shalt  }
0x64: {  	_ =	shalt  }
0x65: {  	_ =	shalt  }
0x66: {  	_ =	shalt  }
0x67: {  	_ =	shalt  }
0x68: {  	_ =	shalt  }
0x69: {  	_ =	shalt  }
0x6a: {  	_ =	shalt  }
0x6b: {  	_ =	shalt  }
0x6c: {  	_ =	shalt  }
0x6d: {  	_ =	shalt  }
0x6e: {  	_ =	shalt  }
0x6f: {  	_ =	shalt  }
0x70: {  	_ =	shalt  }
0x71: {  	_ =	shalt  }
0x72: {  	_ =	shalt  }
0x73: {  	_ =	shalt  }
0x74: {  	_ =	shalt  }
0x75: {  	_ =	shalt  }
0x76: {  	_ =	shalt  }
0x77: {  	_ =	shalt  }
0x78: {  	_ =	shalt  }
0x79: {  	_ =	shalt  }
0x7a: {  	_ =	shalt  }
0x7b: {  	_ =	shalt  }
0x7c: {  	_ =	shalt  }
0x7d: {  	_ =	shalt  }
0x7e: {  	_ =	shalt  }
0x7f: {  	_ =	shalt  }
0x80: {  	_ =	shalt  }
0x81: {  	_ =	shalt  }
0x82: {  	_ =	shalt  }
0x83: {  	_ =	shalt  }
0x84: {  	_ =	shalt  }
0x85: {  	_ =	shalt  }
0x86: {  	_ =	shalt  }
0x87: {  	_ =	shalt  }
.Lfunc_end0:
.L_simem_size_0:
called_computation_lowered:
.L_overlay_start_0:
0x88: {  	s2 =	sld [smem:$0x3FD9]  }
0x89: {  	s3 =	sld [smem:$0x3FFE];
	_ =	sdelay $0x1  }
0x8a: {  	s1 =	srdreg.scid  }
0x8b: {  	s0 =	sand.u32 $0x1, s1  }
0x8c: {  	s15 =	sshll.u32 s0, $0xA;
	s2 =	sadd.s32 s3, s2  }
0x8d: {  	s2 =	sadd.s32 s2, s15  }
0x8e: {  	[smem:$0x3FC0] =	sst s2  }
0x8f: {  	_ = 	snop  }
0x90: {  	s2 =	sld [smem:$0x3FD0];
	_ =	sdelay $0x2  }
0x91: {  	s16 =	simm.s32 $0xA;
	s4 =	simm.s32 $0x10  }
0x92: {  	[smem:s4], [sflag:s16] =	dma.local [hbm:s2], $0x1  }
0x93: {  	_ =	swait.eq [sflag:s16], $0x1  }
0x94: {  	s17 =	sld [smem:$0x10];
	[sflag:s16] =	ssyncset.done $0x0  }
0x95: {  	s18 =	sld [smem:$0x11];
	[sflag:s16] =	ssyncadd.s32 $0xFFFFFFFF  }
0x96: {  	s19 =	sld [smem:$0x12];
	(tm) =	ssettm $0x1  }
0x97: {  	s5 =	sld [smem:$0x3FFB];
	_ =	sdelay $0x3  }
0x98: {  	_ =	strace s5  }
0x99: {  	s5 =	sld [smem:$0x3FFC];
	_ =	sdelay $0x3  }
0x9a: {  	_ =	strace s5  }
0x9b: {  	s5 =	sld [smem:$0x3FFD];
	_ =	sdelay $0x3  }
0x9c: {  	_ =	strace s5  }
0x9d: {  	_ =	strace $0x8FFFFFFF  }
0x9e: {  	s20 =	sld [smem:$0x3FDB];
	_ =	sdelay $0x1  }
0x9f: {  	s6 =	simm.s32 $_scs_section_size  }
0xa0: {  	s7 =	simm.s32 $_size__tile_overlayer_lowered;
	s8 =	simm.s32 $_tile_overlayer_lowered  }
0xa1: {  	s23 =	simm.s32 $0x1BFF;
	s22 =	sshll.u32 s8, $0x1;
	s5 =	sadd.s32 s6, s20  }
0xa2: {  	s9 =	simm.s32 $0x0;
	s21 =	sshll.u32 s7, $0x1;
	s7 =	sadd.s32 s22, s5  }
0xa3: {  	[timem:s9], [sflag:s23] =	dma.local [hbm:s7], s21  }
0xa4: {  	_ =	swait.ge [sflag:s23], s21  }
0xa5: {  	s6 =	ssub.s32 $0x0, s21;
	[sflag:s23] =	ssyncset.done $0x0  }
0xa6: {  	[sflag:s23] =	ssyncadd.s32 s6;
	_ =	sdelay $0x1  }
0xa7: {  	s24 =	simm.s32 $0x1B8B  }
0xa8: {  	_ =	swait.ge [sflag:s24], $0x1  }
0xa9: {  	[sflag:s24] =	ssyncset.done $0x0  }
0xaa: {  	s25 =	simm.s32 $0x1B8E;
	[sflag:s24] =	ssyncadd.s32 $0xFFFFFFFF  }
0xab: {  	s26 =	simm.s32 $execute0_lowered;
	[smem:$0x3FD2] =	sst s25  }
0xac: {  	s6 =	sshll.u32 s26, $0x1;
	_ =	strace $0x80000046;
	[dreg:$0x1] =	wrdreg $0xFFFFFFFF  }
0xad: {  	s28 =	simm.s32 $_size_execute0_lowered;
	s5 =	sadd.s32 s5, s6;
	[dreg:$0x0] =	wrdreg $0x0  }
0xae: {  	s6 =	sshll.u32 s28, $0x1;
	[dreg:$0x2] =	wrdreg s5  }
0xaf: {  	[dreg:$0x3] =	wrdreg s6  }
0xb0: {  	[dreg:$0x4] =	wrdreg $0xC0  }
0xb1: {  	_ =	task [dreg:s9], $0x5FFFF  }
0xb2: {  	[dreg:$0x1] =	wrdreg $0xFFFFFFFF  }
0xb3: {  	[dreg:$0x0] =	wrdreg $0x60  }
0xb4: {  	[dreg:$0x2] =	wrdreg s18  }
0xb5: {  	[dreg:$0x3] =	wrdreg s17  }
0xb6: {  	[dreg:$0x4] =	wrdreg s19  }
0xb7: {  	[dreg:$0x5] =	wrdreg $0x53000  }
0xb8: {  	[dreg:$0x6] =	wrdreg $0x55800  }
0xb9: {  	[dreg:$0x7] =	wrdreg $0x9  }
0xba: {  	_ =	task.clear_ibuf [dreg:s9], $0x8FFFF;
	_ =	strace $0x90000046  }
0xbb: {  	s29 =	simm.s32 $0x9;
	_ =	strace $0x80000048  }
0xbc: {  	_ =	swait.ge [sflag:s29], $0x1  }
0xbd: {  	[sflag:s29] =	ssyncadd.s32 $0xFFFFFFFF  }
0xbe: {  	_ =	strace $0x90000048  }
0xbf: {  	_ =	sfence  }
0xc0: {  	s30 =	sld [smem:$0x0];
	_ =	sdelay $0x2  }
0xc1: {  	s31 =	sshll.u32 s1, $0xD;
	s1 =	sshrl.u32 s1, $0x2  }
0xc2: {  	s3 =	sand.u32 $0x4000, s31;
	s1 =	sadd.s32 s1, s30  }
0xc3: {  	s0 =	sor.u32 s3, s0;
	s1 =	sshll.u32 s1, $0x11  }
0xc4: {  	s0 =	sor.u32 s1, s0  }
0xc5: {  	s0 =	sadd.s32 $0x8F2B, s0  }
0xc6: {  	[sflag:s0] =	ssyncadd.remote.s32 $0x1  }
0xc7: {  	_ =	sfence.sel $0xFFFF  }
0xc8: {  	[dreg:$0x0] =	wrdreg $0xFFFFFFFF;
	(pc) =	sbr.abs _section_cstart, $3  }
0xc9: {  	[dreg:$0x1] =	wrdreg $0xFFFFFFFF  }
0xca: {  	_ =	task.clear_ibuf [dreg:s9], $0x2FFFF;
	_ =	strace $0x9FFFFFFF  }
0xcb: {  	(tm) =	ssettm $0x7FFFFFFF  }
tec
execute0_lowered:
.L_overlay_start_1:
0x0: {  	(tag) =	ssettag $0x1  }
0x1: {  	s5 =	rddreg [dreg:$0x0]  }
0x2: {  	s6 =	rddreg [dreg:$0x1]  }
0x3: {  	s9 =	rddreg [dreg:$0x2]  }
0x4: {  	s1 =	rddreg [dreg:$0x3]  }
0x5: {  	s2 =	rddreg [dreg:$0x4]  }
0x6: {  	s0 =	rddreg [dreg:$0x5];
	s4 =	simm.s32 $0x0  }
0x7: {  	s3 =	srdreg.scid;
	s14 =	simm.s32 $0x5080;
	s15 =	simm.s32 $0x80  }
0x8: {  	s16 =	simm.s32 $0x5000;
	s17 =	simm.s32 $0x1;
	s18 =	simm.s32 $0x2  }
0x9: {  	s21 =	simm.s32 $0x20;
	s22 =	simm.s32 $0x10;
	s7 =	sand.u32 $0x1, s3  }
0xa: {  	s23 =	simm.s32 $0x0;
	s3 =	stileid.u32;
	s10 =	smul.u32 $0x5000, s7  }
0xb: {  	[smem:$0x7FF] =	sst s4;
	s8 =	sshll.u32 s7, $0x4;
	s11 =	smul.u32 $0x500, s3  }
0xc: {  	s7 =	ssub.s32 $0x2, s7;
	_ =	strace $0x80000047;
	s13 =	smul.u32 $0x280, s3  }
0xd: {  	s19 =	sshll.u32 s3, $0x6;
	s8 =	sor.u32 s3, s8;
	s12 =	sshrl.u32 s7, $0x1  }
0xe: {  	s19 =	sor.u32 $0x1C03, s19;
	s8 =	smul.u32 $0x500, s8;
	s31 =	sadd.s32 s11, s10  }
0xf: {  	s12 =	ssub.s32 s7, s12;
	s7 =	sadd.s32 s13, s1;
	s10 =	sshrl.u32 s31, $0x3  }
0x10: {  	s11 =	smax.u32 s12, $0x1;
	s12 =	simm.s32 $0x3;
	s20 =	sshrl.u32 s7, $0x3  }
0x11: {  	s5 =	sadd.s32 s5, s8;
	s6 =	sadd.s32 s6, s8;
	s9 =	sadd.s32 s9, s10  }
0x12: {  	v0 =	vimm.f32 $1.000000000e+00;
	v1 =	vimm.f32 $0.0e+00;
	s8 =	sadd.s32 s13, s2;
	s13 =	simm.s32 $0x2800;
	s10 =	sadd.s32 $0x10, s9  }
.LBB2_1:
0x13: {  	[tilespmem:s4], [sflag:$0x3] =	stream.linear.gather [hbm4b:s5+s4], $0x2800, $0x38;
	[tilespmem:$0x5800] =	vst v63  }
0x14: {  	_ =	swait.ge [sflag:s12], $0x2800  }
0x15: {  	[sflag:s12] =	ssyncset.done $0x0  }
0x16: {  	[sflag:s12] =	ssyncadd.s32 $0xFFFFD800  }
0x17: {  	[tilespmem:s13], [sflag:$0x3] =	stream.linear.gather [hbm4b:s6+s4], $0x2800, $0x38;
	[tilespmem:$0x5800] =	vst v63  }
0x18: {  	_ =	swait.ge [sflag:s12], $0x2800  }
0x19: {  	[sflag:s12] =	ssyncset.done $0x0  }
0x1a: {  	[sflag:s12] =	ssyncadd.s32 $0xFFFFD800  }
0x1b: {  	[tilespmem:$0x5000] =	vst v0  }
0x1c: {  	[tilespmem:$0x5010] =	vst v0  }
0x1d: {  	[tilespmem:$0x5020] =	vst v0  }
0x1e: {  	[tilespmem:$0x5030] =	vst v0  }
0x1f: {  	[tilespmem:$0x5040] =	vst v0  }
0x20: {  	[tilespmem:$0x5050] =	vst v0  }
0x21: {  	[tilespmem:$0x5060] =	vst v0  }
0x22: {  	[tilespmem:$0x5070] =	vst v0  }
0x23: {  	[tilespmem:$0x5080] =	vst v1  }
0x24: {  	[tilespmem:$0x5090] =	vst v1  }
0x25: {  	[tilespmem:$0x50A0] =	vst v1  }
0x26: {  	[tilespmem:$0x50B0] =	vst v1  }
0x27: {  	[tilespmem:$0x50C0] =	vst v1  }
0x28: {  	[tilespmem:$0x50D0] =	vst v1  }
0x29: {  	[tilespmem:$0x50E0] =	vst v1  }
0x2a: {  	[tilespmem:$0x50F0] =	vst v1  }
0x2b: {  	[tilespmem:$0x5100] =	vst v1  }
0x2c: {  	[tilespmem:$0x5110] =	vst v1  }
0x2d: {  	[tilespmem:$0x5120] =	vst v1  }
0x2e: {  	[tilespmem:$0x5130] =	vst v1  }
0x2f: {  	[tilespmem:$0x5140] =	vst v1  }
0x30: {  	[tilespmem:$0x5150] =	vst v1  }
0x31: {  	[tilespmem:$0x5160] =	vst v1  }
0x32: {  	[tilespmem:$0x5170] =	vst v1  }
0x33: {  	[tilespmem:$0x5180] =	vst v1  }
0x34: {  	[tilespmem:$0x5190] =	vst v1  }
0x35: {  	[tilespmem:$0x51A0] =	vst v1  }
0x36: {  	[tilespmem:$0x51B0] =	vst v1  }
0x37: {  	[tilespmem:$0x51C0] =	vst v1  }
0x38: {  	[tilespmem:$0x51D0] =	vst v1  }
0x39: {  	[tilespmem:$0x51E0] =	vst v1  }
0x3a: {  	[tilespmem:$0x51F0] =	vst v1  }
0x3b: {  	[tilespmem:$0x5200] =	vst v1  }
0x3c: {  	[tilespmem:$0x5210] =	vst v1  }
0x3d: {  	[tilespmem:$0x5220] =	vst v1  }
0x3e: {  	[tilespmem:$0x5230] =	vst v1  }
0x3f: {  	[tilespmem:$0x5240] =	vst v1  }
0x40: {  	[tilespmem:$0x5250] =	vst v1  }
0x41: {  	[tilespmem:$0x5260] =	vst v1  }
0x42: {  	[tilespmem:$0x5270] =	vst v1  }
0x43: {  	[tilespmem:$0x5280] =	vst v1  }
0x44: {  	[tilespmem:$0x5290] =	vst v1  }
0x45: {  	[tilespmem:$0x52A0] =	vst v1  }
0x46: {  	[tilespmem:$0x52B0] =	vst v1  }
0x47: {  	[tilespmem:$0x52C0] =	vst v1  }
0x48: {  	[tilespmem:$0x52D0] =	vst v1  }
0x49: {  	[tilespmem:$0x52E0] =	vst v1  }
0x4a: {  	[tilespmem:$0x52F0] =	vst v1  }
0x4b: {  	[spmem:s7] =	stream.linear.scatter [tilespmem:s14], [sflag:$0x3], $0x280, $0x38;
	[tilespmem:$0x5800] =	vst v63  }
0x4c: {  	_ =	swait.ge [sflag:s12], $0x280  }
0x4d: {  	[sflag:s12] =	ssyncset.done $0x0  }
0x4e: {  	[sflag:s12] =	ssyncadd.s32 $0xFFFFFD80  }
0x4f: {  	[spmem:s8] =	stream.linear.scatter [tilespmem:s14], [sflag:$0x3], $0x280, $0x38;
	[tilespmem:$0x5800] =	vst v63  }
0x50: {  	_ =	swait.ge [sflag:s12], $0x280  }
0x51: {  	[sflag:s12] =	ssyncset.done $0x0  }
0x52: {  	[sflag:s12] =	ssyncadd.s32 $0xFFFFFD80  }
0x53: {  	s24 =	simm.s32 $0x0;
	[bflag:$0x0] =	sbarrier.arrive $0xFFFF  }
0x54: {  	[spmem:s1] =	stream.indirect.scatter.add.f32 [tilespmem:s16], [sflag:$0x1], $0x1, s24, s15, $0xb8;
	[tilespmem:$0x5800] =	vst v63  }
0x55: {  	s25 =	simm.s32 $0x2800;
	s24 =	simm.s32 $0x200  }
.LBB2_2:
0x56: {  	[spmem:s2] =	stream.indirect.scatter.add.f32 [tilespmem:s16], [sflag:$0x2], $0x1, s25, s15, $0xb8;
	[tilespmem:$0x5800] =	vst v63  }
0x57: {  	s25 =	smov.u32 s24;
	p0 =	sne.s32 s24, $0x9E00  }
.Ltmp0:
0x58: {  	s24 =	sadd.s32 $0x200, s24;
	(pc) =	sbr.rel @p0 .LBB2_2-.Ltmp0, $4  }
0x59: {  	_ = 	snop  }
0x5a: {  	s25 =	sshra.s32 s25, $0x2  }
0x5b: {  	[spmem:s1] =	stream.indirect.scatter.add.f32 [tilespmem:s16], [sflag:$0x1], $0x1, s25, s15, $0xb8;
	[tilespmem:$0x5800] =	vst v63  }
0x5c: {  	s25 =	sadd.s32 $0x2800, s25  }
0x5d: {  	[spmem:s2] =	stream.indirect.scatter.add.f32 [tilespmem:s16], [sflag:$0x2], $0x1, s25, s15, $0xb8;
	[tilespmem:$0x5800] =	vst v63  }
0x5e: {  	_ =	swait.ge [sflag:s17], $0x80  }
0x5f: {  	[sflag:s17] =	ssyncset.done $0x0  }
0x60: {  	[sflag:s17] =	ssyncadd.s32 $0xFFFFFF80  }
0x61: {  	_ =	swait.ge [sflag:s18], $0x80  }
0x62: {  	s24 =	simm.s32 $0x4F;
	[sflag:s18] =	ssyncset.done $0x0  }
.LBB2_4:
0x63: {  	p0 =	sne.s32 s24, $0x1;
	s24 =	sadd.s32 $0xFFFFFFFF, s24;
	[sflag:s18] =	ssyncadd.s32 $0xFFFFFF80  }
.Ltmp1:
0x64: {  	_ =	swait.ge [sflag:s17], $0x80;
	(pc) =	sbr.rel @p0 .LBB2_4-.Ltmp1, $4  }
0x65: {  	[sflag:s17] =	ssyncset.done $0x0  }
0x66: {  	[sflag:s17] =	ssyncadd.s32 $0xFFFFFF80  }
0x67: {  	_ =	swait.ge [sflag:s18], $0x80  }
0x68: {  	[sflag:s18] =	ssyncset.done $0x0  }
0x69: {  	[sflag:s18] =	ssyncadd.s32 $0xFFFFFF80  }
0x6a: {  	[bflag:$0x0] =	sbarrier.arrive $0xFFFF  }
0x6b: {  	[hbm:s9@s21], [sflag:s19] =	dma.strided [spmem:s20@s22], $0x50, s17, $0x10   }
0x6c: {  	s23 =	sadd.s32 $0x1, s23;
	_ =	swait.ge [sflag:s12], $0x50  }
0x6d: {  	p0 =	sne.s32 s23, s11;
	[sflag:s12] =	ssyncset.done $0x0  }
.Ltmp2:
0x6e: {  	s24 =	sshrl.u32 s8, $0x3;
	[sflag:s12] =	ssyncadd.s32 $0xFFFFFFB0;
	(pc) =	sbr.rel @p0 .LBB2_1-.Ltmp2, $4  }
0x6f: {  	[hbm:s10@s21], [sflag:s19] =	dma.strided [spmem:s24@s22], $0x50, s17, $0x10   }
0x70: {  	_ =	swait.ge [sflag:s12], $0x50  }
0x71: {  	[sflag:s12] =	ssyncset.done $0x0  }
0x72: {  	[sflag:s12] =	ssyncadd.s32 $0xFFFFFFB0  }
0x73: {  	_ =	sfence.sel $0x180000  }
0x74: {  	[bflag:$0x0] =	sbarrier.arrive $0xFFFF  }
0x75: {  	p0 =	sne.s32 s3, $0x0;
	_ =	strace $0x90000047  }
0x76: {  	s0 =	sadd.s32 @!p0 $0x100000, s0;
	[bflag:$0x2] =	sbarrier.arrive $0xFFFF  }
0x77: {  	[sflag:s0] =	ssyncadd.tile.s32 @!p0 $0x1;
	_ =	shalt  }
.Lfunc_end2:
_tile_overlayer_lowered:
.L_overlay_start_2:
0x78: {  	(tag) =	ssettag $0x2  }
0x79: {  	s0 =	rddreg [dreg:$0x0];
	s2 =	stileid.u32  }
0x7a: {  	s1 =	rddreg [dreg:$0x1];
	p0 =	sne.s32 s2, $0x0  }
0x7b: {  	s3 =	rddreg [dreg:$0x2];
	[bflag:$0x3] =	sbarrier.arrive $0xFFFF;
	s2 =	simm.s32 @!p0 $0x1C03  }
0x7c: {  	[timem:s3], [sflag:s2] =	dma.local @!p0 [hbm:s0], s1  }
0x7d: {  	s0 =	simm.s32 @!p0 $0x3  }
0x7e: {  	_ =	swait.ge @!p0 [sflag:s0], s1  }
0x7f: {  	s1 =	ssub.s32 @!p0 $0x0, s1;
	[sflag:s0] =	ssyncset.done @!p0 $0x0  }
0x80: {  	[sflag:s0] =	ssyncadd.s32 @!p0 s1  }
0x81: {  	[bflag:$0x3] =	sbarrier.arrive $0xFFFF  }
0x82: {  	_ =	shalt  }

// kernel: kernel.13.cloned.1.call-start
scs
__scs_entry_jumppad:
0x0: {  	(pc) =	sbr.rel $0x88, $3  }
0x1: {  	(tag) =	ssettag $0x0;
	lr =	simm.s32 $0x1  }
0x2: {  	[smem:$0x3F99] =	sst lr;
	_ =	strace $0xD0000000  }
0x3: {  	_ = 	snop  }
0x4: {  	_ = 	snop  }
0x5: {  	_ = 	snop  }
0x6: {  	_ = 	snop  }
0x7: {  	_ = 	snop  }
__scs_overlays_trampoline_lowered:
0x8: {  	[smem:$0x3FA8] =	sst s0  }
0x9: {  	[smem:$0x3FA9] =	sst s1  }
0xa: {  	[smem:$0x3FAA] =	sst s2  }
0xb: {  	[smem:$0x3FAB] =	sst s3  }
0xc: {  	[smem:$0x3FAC] =	sst s4  }
0xd: {  	[smem:$0x3FAD] =	sst s5  }
0xe: {  	[smem:$0x3FAE] =	sst s6  }
0xf: {  	[smem:$0x3FAF] =	sst s7  }
0x10: {  	[smem:$0x3FB0] =	sst s8  }
0x11: {  	[smem:$0x3FB1] =	sst s9;
	s0 =	simm.s32 @!p0 $0x0  }
0x12: {  	s1 =	sld [smem:$0x3F97];
	s0 =	simm.s32 @p0 $0x1  }
0x13: {  	[smem:$0x3FB2] =	sst s0;
	s0 =	simm.s32 @!p1 $0x0  }
0x14: {  	s2 =	sld [smem:$0x3F96];
	s0 =	simm.s32 @p1 $0x1  }
0x15: {  	[smem:$0x3FB3] =	sst s0;
	s0 =	simm.s32 @!p2 $0x0  }
0x16: {  	s3 =	sld [smem:$0x3FDB];
	s0 =	simm.s32 @p2 $0x1  }
0x17: {  	s4 =	simm.s32 $0x1BF5;
	[smem:$0x3FB5] =	sst s0  }
0x18: {  	s0 =	sld [smem:$0x3F98];
	_ =	swait.ge [sflag:s4], $0x0  }
0x19: {  	s7 =	sld [smem:$0x3F99]  }
0x1a: {  	s8 =	sadd.s32 $0xFFFFE003, lr  }
0x1b: {  	s9 =	sadd.s32 $0xFFFFFEF7, lr;
	s5 =	simm.s32 $0xFFFFFFFF;
	p2 =	slt.u32 s8, $0xFFFFF086  }
0x1c: {  	p1 =	slt.u32 s9, $0xF7A;
	s5 =	simm.s32 @!p2 $0x0  }
0x1d: {  	s5 =	simm.s32 @p1 $0x1;
	p0 =	seq.s32 s7, s2  }
0x1e: {  	s7 =	smul.u32 @!p0 $0xF7A, s2;
	p2 =	seq.s32 @!p0 s5, $0x0  }
0x1f: {  	s9 =	smul.u32 $0xF7A, s1;
	s8 =	simm.s32 @!p0 $0x1BF5;
	p2 =	por !p2, p0  }
0x20: {  	[sflag:s8] =	ssyncset.s32 @!p0 $0xFFFFF086;
	s6 =	sadd.s32 @!p0 s3, s7;
	s7 =	simm.s32 @!p0 $0x108  }
0x21: {  	s3 =	sadd.s32 s3, s9;
	s6 =	sadd.s32 @!p0 $0x88, s6;
	s7 =	simm.s32 @p2 $0x1082  }
0x22: {  	[simem:s7], [sflag:s8] =	dma.local @!p0 [hbm:s6], $0xF7A  }
0x23: {  	s9 =	sor.u32 $0xD0000000, s2;
	s6 =	simm.s32 $0x108;
	_ =	swait.ge @!p0 [sflag:s8], $0x0  }
0x24: {  	s3 =	sadd.s32 $0x88, s3;
	s6 =	simm.s32 @!p1 $0x1082;
	[sflag:s4] =	ssyncset.s32 $0xFFFFF086  }
0x25: {  	[simem:s6], [sflag:s4] =	dma.local [hbm:s3], $0xF7A  }
0x26: {  	[smem:$0x3F99] =	sst s1;
	(tag) =	ssettag s2;
	_ =	strace s9  }
0x27: {  	s1 =	sld [smem:$0x3FA9]  }
0x28: {  	s2 =	sld [smem:$0x3FAA]  }
0x29: {  	s4 =	sld [smem:$0x3FAC]  }
0x2a: {  	p0 =	seq.s32 s5, $0x0;
	s5 =	sld [smem:$0x3FAD]  }
0x2b: {  	s6 =	sld [smem:$0x3FAE]  }
0x2c: {  	s7 =	sld [smem:$0x3FAF]  }
0x2d: {  	s3 =	simm.s32 $0x108;
	s8 =	sld [smem:$0x3FB0]  }
0x2e: {  	s3 =	simm.s32 @!p0 $0x1082;
	s9 =	sld [smem:$0x3FB1]  }
0x2f: {  	lr =	sadd.s32 s0, s3;
	s0 =	sld [smem:$0x3FA8]  }
0x30: {  	s3 =	sld [smem:$0x3FAB]  }
0x31: {  	[smem:$0x3FB4] =	sst s10  }
0x32: {  	s10 =	sld [smem:$0x3FB2];
	_ =	sdelay $0x3  }
0x33: {  	p0 =	seq.s32 s10, $0x1;
	s10 =	sld [smem:$0x3FB4];
	_ =	sdelay $0x3  }
0x34: {  	[smem:$0x3FB4] =	sst s10  }
0x35: {  	s10 =	sld [smem:$0x3FB3];
	_ =	sdelay $0x3  }
0x36: {  	p1 =	seq.s32 s10, $0x1;
	s10 =	sld [smem:$0x3FB4];
	_ =	sdelay $0x3  }
0x37: {  	[smem:$0x3FB4] =	sst s10  }
0x38: {  	s10 =	sld [smem:$0x3FB5]  }
0x39: {  	_ = 	snop;
	(pc) =	sbr.ind lr, $3  }
0x3a: {  	_ = 	snop  }
0x3b: {  	_ = 	snop  }
0x3c: {  	p2 =	seq.s32 s10, $0x1;
	s10 =	sld [smem:$0x3FB4]  }
0x3d: {  	_ =	shalt  }
0x3e: {  	_ =	shalt  }
0x3f: {  	_ =	shalt  }
0x40: {  	_ =	shalt  }
0x41: {  	_ =	shalt  }
0x42: {  	_ =	shalt  }
0x43: {  	_ =	shalt  }
0x44: {  	_ =	shalt  }
0x45: {  	_ =	shalt  }
0x46: {  	_ =	shalt  }
0x47: {  	_ =	shalt  }
0x48: {  	_ =	shalt  }
0x49: {  	_ =	shalt  }
0x4a: {  	_ =	shalt  }
0x4b: {  	_ =	shalt  }
0x4c: {  	_ =	shalt  }
0x4d: {  	_ =	shalt  }
0x4e: {  	_ =	shalt  }
0x4f: {  	_ =	shalt  }
0x50: {  	_ =	shalt  }
0x51: {  	_ =	shalt  }
0x52: {  	_ =	shalt  }
0x53: {  	_ =	shalt  }
0x54: {  	_ =	shalt  }
0x55: {  	_ =	shalt  }
0x56: {  	_ =	shalt  }
0x57: {  	_ =	shalt  }
0x58: {  	_ =	shalt  }
0x59: {  	_ =	shalt  }
0x5a: {  	_ =	shalt  }
0x5b: {  	_ =	shalt  }
0x5c: {  	_ =	shalt  }
0x5d: {  	_ =	shalt  }
0x5e: {  	_ =	shalt  }
0x5f: {  	_ =	shalt  }
0x60: {  	_ =	shalt  }
0x61: {  	_ =	shalt  }
0x62: {  	_ =	shalt  }
0x63: {  	_ =	shalt  }
0x64: {  	_ =	shalt  }
0x65: {  	_ =	shalt  }
0x66: {  	_ =	shalt  }
0x67: {  	_ =	shalt  }
0x68: {  	_ =	shalt  }
0x69: {  	_ =	shalt  }
0x6a: {  	_ =	shalt  }
0x6b: {  	_ =	shalt  }
0x6c: {  	_ =	shalt  }
0x6d: {  	_ =	shalt  }
0x6e: {  	_ =	shalt  }
0x6f: {  	_ =	shalt  }
0x70: {  	_ =	shalt  }
0x71: {  	_ =	shalt  }
0x72: {  	_ =	shalt  }
0x73: {  	_ =	shalt  }
0x74: {  	_ =	shalt  }
0x75: {  	_ =	shalt  }
0x76: {  	_ =	shalt  }
0x77: {  	_ =	shalt  }
0x78: {  	_ =	shalt  }
0x79: {  	_ =	shalt  }
0x7a: {  	_ =	shalt  }
0x7b: {  	_ =	shalt  }
0x7c: {  	_ =	shalt  }
0x7d: {  	_ =	shalt  }
0x7e: {  	_ =	shalt  }
0x7f: {  	_ =	shalt  }
0x80: {  	_ =	shalt  }
0x81: {  	_ =	shalt  }
0x82: {  	_ =	shalt  }
0x83: {  	_ =	shalt  }
0x84: {  	_ =	shalt  }
0x85: {  	_ =	shalt  }
0x86: {  	_ =	shalt  }
0x87: {  	_ =	shalt  }
.Lfunc_end0:
.L_simem_size_0:
called_computation.1_lowered:
.L_overlay_start_0:
0x88: {  	s2 =	sld [smem:$0x3FD9]  }
0x89: {  	s3 =	sld [smem:$0x3FFE];
	_ =	sdelay $0x1  }
0x8a: {  	s1 =	srdreg.scid  }
0x8b: {  	s0 =	sand.u32 $0x1, s1  }
0x8c: {  	s14 =	sshll.u32 s0, $0xA;
	s2 =	sadd.s32 s3, s2  }
0x8d: {  	s2 =	sadd.s32 s2, s14  }
0x8e: {  	[smem:$0x3FC0] =	sst s2  }
0x8f: {  	_ = 	snop  }
0x90: {  	s2 =	sld [smem:$0x3FD0];
	_ =	sdelay $0x2  }
0x91: {  	s15 =	simm.s32 $0xA;
	s4 =	simm.s32 $0x10  }
0x92: {  	[smem:s4], [sflag:s15] =	dma.local [hbm:s2], $0x1  }
0x93: {  	_ =	swait.eq [sflag:s15], $0x1  }
0x94: {  	[sflag:s15] =	ssyncset.done $0x0  }
0x95: {  	s16 =	sld [smem:$0x10];
	[sflag:s15] =	ssyncadd.s32 $0xFFFFFFFF  }
0x96: {  	s17 =	sld [smem:$0x11];
	(tm) =	ssettm $0x1  }
0x97: {  	s18 =	sld [smem:$0x3FFB];
	_ =	sdelay $0x3  }
0x98: {  	_ =	strace s18  }
0x99: {  	s4 =	sld [smem:$0x3FFC];
	_ =	sdelay $0x3  }
0x9a: {  	_ =	strace s4  }
0x9b: {  	s4 =	sld [smem:$0x3FFD];
	_ =	sdelay $0x3  }
0x9c: {  	_ =	strace s4  }
0x9d: {  	_ =	strace $0x8FFFFFFF  }
0x9e: {  	s19 =	sld [smem:$0x3FDB];
	_ =	sdelay $0x1  }
0x9f: {  	s5 =	simm.s32 $_scs_section_size  }
0xa0: {  	s6 =	simm.s32 $_size__tile_overlayer_lowered;
	s7 =	simm.s32 $_tile_overlayer_lowered  }
0xa1: {  	s22 =	simm.s32 $0x1BFF;
	s21 =	sshll.u32 s7, $0x1;
	s4 =	sadd.s32 s5, s19  }
0xa2: {  	s8 =	simm.s32 $0x0;
	s20 =	sshll.u32 s6, $0x1;
	s6 =	sadd.s32 s21, s4  }
0xa3: {  	[timem:s8], [sflag:s22] =	dma.local [hbm:s6], s20  }
0xa4: {  	_ =	swait.ge [sflag:s22], s20  }
0xa5: {  	s5 =	ssub.s32 $0x0, s20;
	[sflag:s22] =	ssyncset.done $0x0  }
0xa6: {  	[sflag:s22] =	ssyncadd.s32 s5;
	_ =	sdelay $0x1  }
0xa7: {  	s23 =	simm.s32 $0x1B8B  }
0xa8: {  	_ =	swait.ge [sflag:s23], $0x1  }
0xa9: {  	[sflag:s23] =	ssyncset.done $0x0  }
0xaa: {  	s25 =	simm.s32 $0x1B8E;
	s24 =	sld [smem:$0x3FFE];
	[sflag:s23] =	ssyncadd.s32 $0xFFFFFFFF  }
0xab: {  	s26 =	simm.s32 $execute0_lowered;
	[smem:$0x3FD2] =	sst s25  }
0xac: {  	s6 =	sshll.u32 s26, $0x1;
	_ =	strace $0x80000049;
	[dreg:$0x1] =	wrdreg $0xFFFFFFFF  }
0xad: {  	s28 =	simm.s32 $_size_execute0_lowered;
	s4 =	sadd.s32 s4, s6;
	[dreg:$0x0] =	wrdreg $0x0  }
0xae: {  	s6 =	sshll.u32 s28, $0x1;
	[dreg:$0x2] =	wrdreg s4  }
0xaf: {  	[dreg:$0x3] =	wrdreg s6  }
0xb0: {  	[dreg:$0x4] =	wrdreg $0xC0  }
0xb1: {  	_ =	task [dreg:s8], $0x5FFFF  }
0xb2: {  	[dreg:$0x1] =	wrdreg $0xFFFFFFFF  }
0xb3: {  	[dreg:$0x0] =	wrdreg $0x60  }
0xb4: {  	[dreg:$0x2] =	wrdreg s17  }
0xb5: {  	[dreg:$0x3] =	wrdreg s16  }
0xb6: {  	[dreg:$0x4] =	wrdreg s24  }
0xb7: {  	[dreg:$0x5] =	wrdreg $0x82000  }
0xb8: {  	[dreg:$0x6] =	wrdreg $0x9  }
0xb9: {  	_ =	task.clear_ibuf [dreg:s8], $0x7FFFF;
	_ =	strace $0x90000049  }
0xba: {  	s29 =	simm.s32 $0x9;
	_ =	strace $0x8000004B  }
0xbb: {  	_ =	swait.ge [sflag:s29], $0x1  }
0xbc: {  	[sflag:s29] =	ssyncadd.s32 $0xFFFFFFFF  }
0xbd: {  	_ =	strace $0x9000004B  }
0xbe: {  	_ =	sfence  }
0xbf: {  	s30 =	sld [smem:$0x0];
	_ =	sdelay $0x2  }
0xc0: {  	s31 =	sshll.u32 s1, $0xD;
	s1 =	sshrl.u32 s1, $0x2  }
0xc1: {  	s3 =	sand.u32 $0x4000, s31;
	s1 =	sadd.s32 s1, s30  }
0xc2: {  	s0 =	sor.u32 s3, s0;
	s1 =	sshll.u32 s1, $0x11  }
0xc3: {  	s0 =	sor.u32 s1, s0  }
0xc4: {  	s0 =	sadd.s32 $0x8F2B, s0  }
0xc5: {  	[sflag:s0] =	ssyncadd.remote.s32 $0x1  }
0xc6: {  	_ =	sfence.sel $0xFFFF  }
0xc7: {  	[dreg:$0x0] =	wrdreg $0xFFFFFFFF;
	(pc) =	sbr.abs _section_cstart, $3  }
0xc8: {  	[dreg:$0x1] =	wrdreg $0xFFFFFFFF  }
0xc9: {  	_ =	task.clear_ibuf [dreg:s8], $0x2FFFF;
	_ =	strace $0x9FFFFFFF  }
0xca: {  	(tm) =	ssettm $0x7FFFFFFF  }
0xcb: {  	_ =	shalt  }
tec
execute0_lowered:
.L_overlay_start_1:
0x0: {  	(tag) =	ssettag $0x1  }
0x1: {  	s1 =	rddreg [dreg:$0x0]  }
0x2: {  	s2 =	rddreg [dreg:$0x1]  }
0x3: {  	s8 =	rddreg [dreg:$0x2]  }
0x4: {  	s4 =	rddreg [dreg:$0x3]  }
0x5: {  	s3 =	srdreg.scid;
	s0 =	stileid.u32  }
0x6: {  	s5 =	simm.s32 $0x0;
	s19 =	simm.s32 $0x5;
	s21 =	simm.s32 $0x80  }
0x7: {  	s23 =	simm.s32 $0x180;
	s24 =	simm.s32 $0x200;
	s7 =	smul.u32 $0x14000, s0  }
0x8: {  	s25 =	simm.s32 $0x4;
	s9 =	sand.u32 $0x1, s3;
	s13 =	smul.u32 $0x50000, s0  }
0x9: {  	s28 =	simm.s32 $0x0;
	[smem:$0x7FF] =	sst s5;
	s6 =	smul.u32 $0x140000, s9  }
0xa: {  	s10 =	sshll.u32 s9, $0x4;
	_ =	strace $0x8000004A;
	s9 =	ssub.s32 $0x2, s9  }
0xb: {  	s10 =	sor.u32 s0, s10;
	s29 =	sshrl.u32 s9, $0x1;
	s31 =	sshrl.u32 s13, $0x2  }
0xc: {  	s11 =	sadd.s32 s7, s6;
	s6 =	smul.u32 $0x2800, s10;
	s18 =	ssub.s32 s9, s29  }
0xd: {  	s7 =	sadd.s32 $0x2E00, s8;
	s26 =	sshrl.u32 s11, $0x3;
	s18 =	smax.u32 s18, $0x1  }
.Ltmp0:
0xe: {  	s12 =	sshrl.u32 s6, $0x3;
	s17 =	sadd.s32 s26, s8;
	(pc) =	sbr.rel .LBB2_1-.Ltmp0, $4  }
0xf: {  	s26 =	simm.s32 $0x1;
	s8 =	sadd.s32 s1, s12;
	s9 =	sadd.s32 s2, s12  }
0x10: {  	s30 =	sor.u32 $0x10, s12;
	s12 =	sadd.s32 s31, s4;
	s17 =	sadd.s32 $0x2AE00, s17  }
0x11: {  	s10 =	sadd.s32 s1, s30;
	s11 =	sadd.s32 s2, s30;
	s13 =	sadd.s32 $0x4000, s12  }
0x12: {  	v0 =	vimm.f32 $0.0e+00;
	s14 =	sadd.s32 $0x8000, s12;
	s15 =	sadd.s32 $0xC000, s12;
	s16 =	sadd.s32 $0x10000, s12  }
.LBB2_6:
0x13: {  	s0 =	stileid.u32;
	s28 =	sadd.s32 $0x1, s28  }
0x14: {  	[bflag:$0x0] =	sbarrier.arrive $0xFFFF;
	s0 =	sshll.u32 s0, $0x6;
	p0 =	sne.s32 s28, s18  }
.Ltmp1:
0x15: {  	s3 =	sshrl.u32 s12, $0x3;
	s0 =	sor.u32 $0x1C05, s0;
	(pc) =	sbr.rel @!p0 .LBB2_7-.Ltmp1, $4  }
0x16: {  	[hbm:s17], [sflag:s0] =	dma.local [spmem:s3], $0x2800  }
0x17: {  	_ =	swait.ge [sflag:s19], $0x2800  }
0x18: {  	[sflag:s19] =	ssyncset.done $0x0  }
0x19: {  	[sflag:s19] =	ssyncadd.s32 $0xFFFFD800  }
.LBB2_1:
0x1a: {  	[tilespmem:s5], [sflag:$0x5] =	stream.linear.gather [hbm4b:s8+s5], $0x80, $0x38;
	[tilespmem:$0x1C200] =	vst v63  }
0x1b: {  	_ =	swait.ge [sflag:s19], $0x80  }
0x1c: {  	[sflag:s19] =	ssyncset.done $0x0  }
0x1d: {  	s0 =	simm.s32 $0x100;
	[sflag:s19] =	ssyncadd.s32 $0xFFFFFF80  }
0x1e: {  	[tilespmem:s0], [sflag:$0x5] =	stream.linear.gather [hbm4b:s9+s5], $0x80, $0x38;
	[tilespmem:$0x1C200] =	vst v63  }
0x1f: {  	_ =	swait.ge [sflag:s19], $0x80  }
0x20: {  	[sflag:s19] =	ssyncset.done $0x0  }
0x21: {  	s31 =	simm.s32 $0x4200;
	[sflag:s19] =	ssyncadd.s32 $0xFFFFFF80  }
0x22: {  	[tilespmem:s31], [sflag:$0x1] =	stream.indirect.gather [hbm4b:s7+s21], $0x80, s5, s21, $0xb8;
	[tilespmem:$0x1C200] =	vst v63  }
0x23: {  	_ = 	snop  }
0x24: {  	[tilespmem:s21], [sflag:$0x4] =	stream.linear.gather [hbm4b:s10+s5], $0x80, $0x38;
	[tilespmem:$0x1C200] =	vst v63  }
0x25: {  	s29 =	simm.s32 $0x0;
	s30 =	simm.s32 $0x200  }
0x26: {  	[tilespmem:s23], [sflag:$0x4] =	stream.linear.gather [hbm4b:s11+s5], $0x80, $0x38;
	[tilespmem:$0x1C200] =	vst v63  }
.LBB2_2:
0x27: {  	p0 =	sne.s32 s30, $0xFE00;
	[tilespmem:s29+$0x270] =	vst v0  }
0x28: {  	[tilespmem:s29+$0x200] =	vst v0  }
0x29: {  	[tilespmem:s29+$0x210] =	vst v0  }
.Ltmp2:
0x2a: {  	[tilespmem:s29+$0x220] =	vst v0;
	(pc) =	sbr.rel @p0 .LBB2_2-.Ltmp2, $4  }
0x2b: {  	[tilespmem:s29+$0x230] =	vst v0  }
0x2c: {  	[tilespmem:s29+$0x240] =	vst v0  }
0x2d: {  	[tilespmem:s29+$0x250] =	vst v0  }
0x2e: {  	[tilespmem:s29+$0x260] =	vst v0;
	s29 =	sshra.s32 s30, $0x2;
	s30 =	sadd.s32 $0x200, s30  }
0x2f: {  	[tilespmem:s29+$0x270] =	vst v0  }
0x30: {  	[tilespmem:s29+$0x200] =	vst v0  }
0x31: {  	[tilespmem:s29+$0x210] =	vst v0  }
0x32: {  	[tilespmem:s29+$0x220] =	vst v0  }
0x33: {  	[tilespmem:s29+$0x230] =	vst v0  }
0x34: {  	[tilespmem:s29+$0x240] =	vst v0  }
0x35: {  	[tilespmem:s29+$0x250] =	vst v0  }
0x36: {  	[tilespmem:s29+$0x260] =	vst v0  }
0x37: {  	[spmem:s12] =	stream.linear.scatter [tilespmem:s24], [sflag:$0x5], $0x4000, $0x38;
	[tilespmem:$0x1C200] =	vst v63  }
0x38: {  	_ =	swait.ge [sflag:s19], $0x4000  }
0x39: {  	[sflag:s19] =	ssyncset.done $0x0  }
0x3a: {  	[sflag:s19] =	ssyncadd.s32 $0xFFFFC000  }
0x3b: {  	[spmem:s13] =	stream.linear.scatter [tilespmem:s24], [sflag:$0x5], $0x4000, $0x38;
	[tilespmem:$0x1C200] =	vst v63  }
0x3c: {  	_ =	swait.ge [sflag:s19], $0x4000  }
0x3d: {  	[sflag:s19] =	ssyncset.done $0x0  }
0x3e: {  	[sflag:s19] =	ssyncadd.s32 $0xFFFFC000  }
0x3f: {  	[spmem:s14] =	stream.linear.scatter [tilespmem:s24], [sflag:$0x5], $0x4000, $0x38;
	[tilespmem:$0x1C200] =	vst v63  }
0x40: {  	_ =	swait.ge [sflag:s19], $0x4000  }
0x41: {  	[sflag:s19] =	ssyncset.done $0x0  }
0x42: {  	[sflag:s19] =	ssyncadd.s32 $0xFFFFC000  }
0x43: {  	[spmem:s15] =	stream.linear.scatter [tilespmem:s24], [sflag:$0x5], $0x4000, $0x38;
	[tilespmem:$0x1C200] =	vst v63  }
0x44: {  	_ =	swait.ge [sflag:s19], $0x4000  }
0x45: {  	[sflag:s19] =	ssyncset.done $0x0  }
0x46: {  	[sflag:s19] =	ssyncadd.s32 $0xFFFFC000  }
0x47: {  	[spmem:s16] =	stream.linear.scatter [tilespmem:s24], [sflag:$0x5], $0x4000, $0x38;
	[tilespmem:$0x1C200] =	vst v63  }
0x48: {  	_ =	swait.ge [sflag:s19], $0x4000  }
0x49: {  	[sflag:s19] =	ssyncset.done $0x0  }
0x4a: {  	[sflag:s19] =	ssyncadd.s32 $0xFFFFC000  }
0x4b: {  	s29 =	simm.s32 $0x180;
	[bflag:$0x0] =	sbarrier.arrive $0xFFFF  }
.LBB2_4:
0x4c: {  	_ =	swait.ge [sflag:s25], $0x80  }
0x4d: {  	[sflag:s25] =	ssyncset.done $0x0  }
0x4e: {  	[sflag:s25] =	ssyncadd.s32 $0xFFFFFF80  }
0x4f: {  	_ =	swait.ge [sflag:s25], $0x80  }
0x50: {  	[sflag:s25] =	ssyncset.done $0x0  }
0x51: {  	[sflag:s25] =	ssyncadd.s32 $0xFFFFFF80  }
0x52: {  	_ =	swait.ge [sflag:s26], $0x4000  }
0x53: {  	[sflag:s26] =	ssyncset.done $0x0  }
0x54: {  	p0 =	seq.s32 s29, $0x2880;
	[sflag:s26] =	ssyncadd.s32 $0xFFFFC000  }
0x55: {  	[tilespmem:s24], [sflag:$0x2] =	stream.indirect.gather [hbm4b:s7+s21], $0x80, s21, s21, $0xb8;
	[tilespmem:$0x1C200] =	vst v63  }
0x56: {  	s30 =	simm.s32 @p0 $0x80;
	s31 =	simm.s32 @p0 $0x100;
	s0 =	simm.s32 @p0 $0x4200  }
0x57: {  	[spmem:s4] =	stream.indirect.scatter.add.f32 @p0 [tilespmem:s0], [sflag:$0x5], $0x80, s31, s30, $0xb8;
	[tilespmem:$0x1C200] =	vst v63  }
0x58: {  	s0 =	simm.s32 @p0 $0x5  }
0x59: {  	_ =	swait.ge @p0 [sflag:s0], $0x4000  }
0x5a: {  	s30 =	sadd.s32 @!p0 $0xFFFFFF80, s29;
	[sflag:s0] =	ssyncset.done @p0 $0x0  }
0x5b: {  	[sflag:s0] =	ssyncadd.s32 @p0 $0xFFFFC000;
	s0 =	sand.u32 @!p0 $0x7C00, s30  }
0x5c: {  	s31 =	simm.s32 @p0 $0x2;
	s30 =	sand.u32 @!p0 $0x300, s30;
	s0 =	sadd.s32 @!p0 s6, s0  }
0x5d: {  	_ =	swait.ge @p0 [sflag:s31], $0x4000;
	s0 =	sor.u32 @!p0 s30, s0  }
0x5e: {  	s3 =	simm.s32 @!p0 $0x100;
	[sflag:s31] =	ssyncset.done @p0 $0x0;
	s0 =	sshrl.u32 @!p0 s0, $0x3  }
0x5f: {  	[sflag:s31] =	ssyncadd.s32 @p0 $0xFFFFC000;
	s31 =	simm.s32 @!p0 $0x0;
	s30 =	sadd.s32 @!p0 s1, s0  }
0x60: {  	[tilespmem:s31], [sflag:$0x3] =	stream.linear.gather @!p0 [hbm4b:s30+s31], $0x80, $0x38;
	[tilespmem:$0x1C200] =	vst v63  }
0x61: {  	s20 =	simm.s32 @!p0 $0x4200;
	s22 =	simm.s32 @!p0 $0x5;
	s30 =	simm.s32 @!p0 $0x80  }
0x62: {  	[spmem:s4] =	stream.indirect.scatter.add.f32 @!p0 [tilespmem:s20], [sflag:$0x5], $0x80, s3, s30, $0xb8;
	[tilespmem:$0x1C200] =	vst v63  }
0x63: {  	_ =	swait.ge @!p0 [sflag:s22], $0x4000  }
0x64: {  	[sflag:s22] =	ssyncset.done @!p0 $0x0  }
0x65: {  	s0 =	sadd.s32 @!p0 s2, s0;
	[sflag:s22] =	ssyncadd.s32 @!p0 $0xFFFFC000  }
0x66: {  	[tilespmem:s3], [sflag:$0x3] =	stream.linear.gather @!p0 [hbm4b:s0+s31], $0x80, $0x38;
	[tilespmem:$0x1C200] =	vst v63  }
0x67: {  	s0 =	simm.s32 @!p0 $0x3  }
0x68: {  	_ =	swait.ge @!p0 [sflag:s0], $0x80  }
0x69: {  	[sflag:s0] =	ssyncset.done @!p0 $0x0  }
0x6a: {  	[sflag:s0] =	ssyncadd.s32 @!p0 $0xFFFFFF80  }
0x6b: {  	_ =	swait.ge @!p0 [sflag:s0], $0x80  }
0x6c: {  	[sflag:s0] =	ssyncset.done @!p0 $0x0  }
0x6d: {  	[sflag:s0] =	ssyncadd.s32 @!p0 $0xFFFFFF80;
	s0 =	simm.s32 @!p0 $0x2  }
0x6e: {  	_ =	swait.ge @!p0 [sflag:s0], $0x4000  }
0x6f: {  	[sflag:s0] =	ssyncset.done @!p0 $0x0  }
0x70: {  	[sflag:s0] =	ssyncadd.s32 @!p0 $0xFFFFC000;
	s0 =	sand.u32 @!p0 $0x7C00, s29  }
0x71: {  	[tilespmem:s20], [sflag:$0x1] =	stream.indirect.gather @!p0 [hbm4b:s7+s30], $0x80, s31, s30, $0xb8;
	[tilespmem:$0x1C200] =	vst v63  }
0x72: {  	s3 =	sand.u32 @!p0 $0x380, s29;
	s0 =	sadd.s32 @!p0 s6, s0  }
0x73: {  	s0 =	sor.u32 @!p0 s3, s0  }
0x74: {  	s0 =	sshrl.u32 @!p0 s0, $0x3  }
0x75: {  	s0 =	sadd.s32 @!p0 s1, s0  }
0x76: {  	[tilespmem:s30], [sflag:$0x4] =	stream.linear.gather @!p0 [hbm4b:s0+s31], $0x80, $0x38;
	[tilespmem:$0x1C200] =	vst v63  }
.Ltmp3:
0x77: {  	_ = 	snop;
	(pc) =	sbr.rel @p0 .LBB2_6-.Ltmp3, $4  }
0x78: {  	[spmem:s4] =	stream.indirect.scatter.add.f32 [tilespmem:s24], [sflag:$0x5], $0x80, s23, s21, $0xb8;
	[tilespmem:$0x1C200] =	vst v63  }
0x79: {  	_ =	swait.ge [sflag:s19], $0x4000  }
0x7a: {  	[sflag:s19] =	ssyncset.done $0x0  }
0x7b: {  	[sflag:s19] =	ssyncadd.s32 $0xFFFFC000  }
0x7c: {  	s0 =	sand.u32 $0x7C00, s29  }
.Ltmp4:
0x7d: {  	s3 =	sand.u32 $0x380, s29;
	s0 =	sadd.s32 s6, s0;
	(pc) =	sbr.rel .LBB2_4-.Ltmp4, $4  }
0x7e: {  	s0 =	sor.u32 s3, s0  }
0x7f: {  	s0 =	sshrl.u32 s0, $0x3  }
0x80: {  	s29 =	sadd.s32 $0x100, s29;
	s0 =	sadd.s32 s2, s0  }
0x81: {  	[tilespmem:s23], [sflag:$0x4] =	stream.linear.gather [hbm4b:s0+s5], $0x80, $0x38;
	[tilespmem:$0x1C200] =	vst v63  }
.LBB2_7:
0x82: {  	_ =	sfence.sel $0x180000  }
0x83: {  	[bflag:$0x0] =	sbarrier.arrive $0xFFFF  }
0x84: {  	_ =	strace $0x9000004A  }
0x85: {  	s0 =	stileid.u32;
	[bflag:$0x2] =	sbarrier.arrive $0xFFFF  }
0x86: {  	p0 =	sne.s32 s0, $0x0;
	s0 =	rddreg [dreg:$0x4]  }
0x87: {  	s0 =	sadd.s32 @!p0 $0x100000, s0  }
0x88: {  	[sflag:s0] =	ssyncadd.tile.s32 @!p0 $0x1;
	_ =	shalt  }
.Lfunc_end2:
_tile_overlayer_lowered:
.L_overlay_start_2:
0x89: {  	(tag) =	ssettag $0x2  }
0x8a: {  	s0 =	rddreg [dreg:$0x0];
	s2 =	stileid.u32  }
0x8b: {  	s1 =	rddreg [dreg:$0x1];
	p0 =	sne.s32 s2, $0x0  }
0x8c: {  	s3 =	rddreg [dreg:$0x2];
	[bflag:$0x3] =	sbarrier.arrive $0xFFFF;
	s2 =	simm.s32 @!p0 $0x1C05  }
0x8d: {  	[timem:s3], [sflag:s2] =	dma.local @!p0 [hbm:s0], s1  }
0x8e: {  	s0 =	simm.s32 @!p0 $0x5  }
0x8f: {  	_ =	swait.ge @!p0 [sflag:s0], s1  }
0x90: {  	s1 =	ssub.s32 @!p0 $0x0, s1;
	[sflag:s0] =	ssyncset.done @!p0 $0x0  }
0x91: {  	[sflag:s0] =	ssyncadd.s32 @!p0 s1  }
0x92: {  	[bflag:$0x3] =	sbarrier.arrive $0xFFFF  }
0x93: {  	_ =	shalt  }

// kernel: kernel.16.cloned.1.call-start
scs
__scs_entry_jumppad:
0x0: {  	(pc) =	sbr.rel $0x88, $3  }
0x1: {  	(tag) =	ssettag $0x0;
	lr =	simm.s32 $0x1  }
0x2: {  	[smem:$0x3F99] =	sst lr;
	_ =	strace $0xD0000000  }
0x3: {  	_ = 	snop  }
0x4: {  	_ = 	snop  }
0x5: {  	_ = 	snop  }
0x6: {  	_ = 	snop  }
0x7: {  	_ = 	snop  }
__scs_overlays_trampoline_lowered:
0x8: {  	[smem:$0x3FA8] =	sst s0  }
0x9: {  	[smem:$0x3FA9] =	sst s1  }
0xa: {  	[smem:$0x3FAA] =	sst s2  }
0xb: {  	[smem:$0x3FAB] =	sst s3  }
0xc: {  	[smem:$0x3FAC] =	sst s4  }
0xd: {  	[smem:$0x3FAD] =	sst s5  }
0xe: {  	[smem:$0x3FAE] =	sst s6  }
0xf: {  	[smem:$0x3FAF] =	sst s7  }
0x10: {  	[smem:$0x3FB0] =	sst s8  }
0x11: {  	[smem:$0x3FB1] =	sst s9;
	s0 =	simm.s32 @!p0 $0x0  }
0x12: {  	s1 =	sld [smem:$0x3F97];
	s0 =	simm.s32 @p0 $0x1  }
0x13: {  	[smem:$0x3FB2] =	sst s0;
	s0 =	simm.s32 @!p1 $0x0  }
0x14: {  	s2 =	sld [smem:$0x3F96];
	s0 =	simm.s32 @p1 $0x1  }
0x15: {  	[smem:$0x3FB3] =	sst s0;
	s0 =	simm.s32 @!p2 $0x0  }
0x16: {  	s3 =	sld [smem:$0x3FDB];
	s0 =	simm.s32 @p2 $0x1  }
0x17: {  	s4 =	simm.s32 $0x1BF5;
	[smem:$0x3FB5] =	sst s0  }
0x18: {  	s0 =	sld [smem:$0x3F98];
	_ =	swait.ge [sflag:s4], $0x0  }
0x19: {  	s7 =	sld [smem:$0x3F99]  }
0x1a: {  	s8 =	sadd.s32 $0xFFFFE003, lr  }
0x1b: {  	s9 =	sadd.s32 $0xFFFFFEF7, lr;
	s5 =	simm.s32 $0xFFFFFFFF;
	p2 =	slt.u32 s8, $0xFFFFF086  }
0x1c: {  	p1 =	slt.u32 s9, $0xF7A;
	s5 =	simm.s32 @!p2 $0x0  }
0x1d: {  	s5 =	simm.s32 @p1 $0x1;
	p0 =	seq.s32 s7, s2  }
0x1e: {  	s7 =	smul.u32 @!p0 $0xF7A, s2;
	p2 =	seq.s32 @!p0 s5, $0x0  }
0x1f: {  	s9 =	smul.u32 $0xF7A, s1;
	s8 =	simm.s32 @!p0 $0x1BF5;
	p2 =	por !p2, p0  }
0x20: {  	[sflag:s8] =	ssyncset.s32 @!p0 $0xFFFFF086;
	s6 =	sadd.s32 @!p0 s3, s7;
	s7 =	simm.s32 @!p0 $0x108  }
0x21: {  	s3 =	sadd.s32 s3, s9;
	s6 =	sadd.s32 @!p0 $0x88, s6;
	s7 =	simm.s32 @p2 $0x1082  }
0x22: {  	[simem:s7], [sflag:s8] =	dma.local @!p0 [hbm:s6], $0xF7A  }
0x23: {  	s9 =	sor.u32 $0xD0000000, s2;
	s6 =	simm.s32 $0x108;
	_ =	swait.ge @!p0 [sflag:s8], $0x0  }
0x24: {  	s3 =	sadd.s32 $0x88, s3;
	s6 =	simm.s32 @!p1 $0x1082;
	[sflag:s4] =	ssyncset.s32 $0xFFFFF086  }
0x25: {  	[simem:s6], [sflag:s4] =	dma.local [hbm:s3], $0xF7A  }
0x26: {  	[smem:$0x3F99] =	sst s1;
	(tag) =	ssettag s2;
	_ =	strace s9  }
0x27: {  	s1 =	sld [smem:$0x3FA9]  }
0x28: {  	s2 =	sld [smem:$0x3FAA]  }
0x29: {  	s4 =	sld [smem:$0x3FAC]  }
0x2a: {  	p0 =	seq.s32 s5, $0x0;
	s5 =	sld [smem:$0x3FAD]  }
0x2b: {  	s6 =	sld [smem:$0x3FAE]  }
0x2c: {  	s7 =	sld [smem:$0x3FAF]  }
0x2d: {  	s3 =	simm.s32 $0x108;
	s8 =	sld [smem:$0x3FB0]  }
0x2e: {  	s3 =	simm.s32 @!p0 $0x1082;
	s9 =	sld [smem:$0x3FB1]  }
0x2f: {  	lr =	sadd.s32 s0, s3;
	s0 =	sld [smem:$0x3FA8]  }
0x30: {  	s3 =	sld [smem:$0x3FAB]  }
0x31: {  	[smem:$0x3FB4] =	sst s10  }
0x32: {  	s10 =	sld [smem:$0x3FB2];
	_ =	sdelay $0x3  }
0x33: {  	p0 =	seq.s32 s10, $0x1;
	s10 =	sld [smem:$0x3FB4];
	_ =	sdelay $0x3  }
0x34: {  	[smem:$0x3FB4] =	sst s10  }
0x35: {  	s10 =	sld [smem:$0x3FB3];
	_ =	sdelay $0x3  }
0x36: {  	p1 =	seq.s32 s10, $0x1;
	s10 =	sld [smem:$0x3FB4];
	_ =	sdelay $0x3  }
0x37: {  	[smem:$0x3FB4] =	sst s10  }
0x38: {  	s10 =	sld [smem:$0x3FB5]  }
0x39: {  	_ = 	snop;
	(pc) =	sbr.ind lr, $3  }
0x3a: {  	_ = 	snop  }
0x3b: {  	_ = 	snop  }
0x3c: {  	p2 =	seq.s32 s10, $0x1;
	s10 =	sld [smem:$0x3FB4]  }
0x3d: {  	_ =	shalt  }
0x3e: {  	_ =	shalt  }
0x3f: {  	_ =	shalt  }
0x40: {  	_ =	shalt  }
0x41: {  	_ =	shalt  }
0x42: {  	_ =	shalt  }
0x43: {  	_ =	shalt  }
0x44: {  	_ =	shalt  }
0x45: {  	_ =	shalt  }
0x46: {  	_ =	shalt  }
0x47: {  	_ =	shalt  }
0x48: {  	_ =	shalt  }
0x49: {  	_ =	shalt  }
0x4a: {  	_ =	shalt  }
0x4b: {  	_ =	shalt  }
0x4c: {  	_ =	shalt  }
0x4d: {  	_ =	shalt  }
0x4e: {  	_ =	shalt  }
0x4f: {  	_ =	shalt  }
0x50: {  	_ =	shalt  }
0x51: {  	_ =	shalt  }
0x52: {  	_ =	shalt  }
0x53: {  	_ =	shalt  }
0x54: {  	_ =	shalt  }
0x55: {  	_ =	shalt  }
0x56: {  	_ =	shalt  }
0x57: {  	_ =	shalt  }
0x58: {  	_ =	shalt  }
0x59: {  	_ =	shalt  }
0x5a: {  	_ =	shalt  }
0x5b: {  	_ =	shalt  }
0x5c: {  	_ =	shalt  }
0x5d: {  	_ =	shalt  }
0x5e: {  	_ =	shalt  }
0x5f: {  	_ =	shalt  }
0x60: {  	_ =	shalt  }
0x61: {  	_ =	shalt  }
0x62: {  	_ =	shalt  }
0x63: {  	_ =	shalt  }
0x64: {  	_ =	shalt  }
0x65: {  	_ =	shalt  }
0x66: {  	_ =	shalt  }
0x67: {  	_ =	shalt  }
0x68: {  	_ =	shalt  }
0x69: {  	_ =	shalt  }
0x6a: {  	_ =	shalt  }
0x6b: {  	_ =	shalt  }
0x6c: {  	_ =	shalt  }
0x6d: {  	_ =	shalt  }
0x6e: {  	_ =	shalt  }
0x6f: {  	_ =	shalt  }
0x70: {  	_ =	shalt  }
0x71: {  	_ =	shalt  }
0x72: {  	_ =	shalt  }
0x73: {  	_ =	shalt  }
0x74: {  	_ =	shalt  }
0x75: {  	_ =	shalt  }
0x76: {  	_ =	shalt  }
0x77: {  	_ =	shalt  }
0x78: {  	_ =	shalt  }
0x79: {  	_ =	shalt  }
0x7a: {  	_ =	shalt  }
0x7b: {  	_ =	shalt  }
0x7c: {  	_ =	shalt  }
0x7d: {  	_ =	shalt  }
0x7e: {  	_ =	shalt  }
0x7f: {  	_ =	shalt  }
0x80: {  	_ =	shalt  }
0x81: {  	_ =	shalt  }
0x82: {  	_ =	shalt  }
0x83: {  	_ =	shalt  }
0x84: {  	_ =	shalt  }
0x85: {  	_ =	shalt  }
0x86: {  	_ =	shalt  }
0x87: {  	_ =	shalt  }
.Lfunc_end0:
.L_simem_size_0:
called_computation.2_lowered:
.L_overlay_start_0:
0x88: {  	s2 =	sld [smem:$0x3FD9]  }
0x89: {  	s3 =	sld [smem:$0x3FFE];
	_ =	sdelay $0x1  }
0x8a: {  	s1 =	srdreg.scid  }
0x8b: {  	s0 =	sand.u32 $0x1, s1  }
0x8c: {  	s14 =	sshll.u32 s0, $0xA;
	s2 =	sadd.s32 s3, s2  }
0x8d: {  	s2 =	sadd.s32 s2, s14  }
0x8e: {  	[smem:$0x3FC0] =	sst s2  }
0x8f: {  	_ = 	snop  }
0x90: {  	s2 =	sld [smem:$0x3FD0];
	_ =	sdelay $0x2  }
0x91: {  	s15 =	simm.s32 $0xA;
	s4 =	simm.s32 $0x10  }
0x92: {  	[smem:s4], [sflag:s15] =	dma.local [hbm:s2], $0x1  }
0x93: {  	_ =	swait.eq [sflag:s15], $0x1  }
0x94: {  	[sflag:s15] =	ssyncset.done $0x0  }
0x95: {  	s16 =	sld [smem:$0x10];
	[sflag:s15] =	ssyncadd.s32 $0xFFFFFFFF  }
0x96: {  	s17 =	sld [smem:$0x11];
	(tm) =	ssettm $0x1  }
0x97: {  	s18 =	sld [smem:$0x3FFB];
	_ =	sdelay $0x3  }
0x98: {  	_ =	strace s18  }
0x99: {  	s4 =	sld [smem:$0x3FFC];
	_ =	sdelay $0x3  }
0x9a: {  	_ =	strace s4  }
0x9b: {  	s4 =	sld [smem:$0x3FFD];
	_ =	sdelay $0x3  }
0x9c: {  	_ =	strace s4  }
0x9d: {  	_ =	strace $0x8FFFFFFF  }
0x9e: {  	s19 =	sld [smem:$0x3FDB];
	_ =	sdelay $0x1  }
0x9f: {  	s5 =	simm.s32 $_scs_section_size  }
0xa0: {  	s6 =	simm.s32 $_size__tile_overlayer_lowered;
	s7 =	simm.s32 $_tile_overlayer_lowered  }
0xa1: {  	s22 =	simm.s32 $0x1BFF;
	s21 =	sshll.u32 s7, $0x1;
	s4 =	sadd.s32 s5, s19  }
0xa2: {  	s8 =	simm.s32 $0x0;
	s20 =	sshll.u32 s6, $0x1;
	s6 =	sadd.s32 s21, s4  }
0xa3: {  	[timem:s8], [sflag:s22] =	dma.local [hbm:s6], s20  }
0xa4: {  	_ =	swait.ge [sflag:s22], s20  }
0xa5: {  	s5 =	ssub.s32 $0x0, s20;
	[sflag:s22] =	ssyncset.done $0x0  }
0xa6: {  	[sflag:s22] =	ssyncadd.s32 s5;
	_ =	sdelay $0x1  }
0xa7: {  	s23 =	simm.s32 $0x1B8B  }
0xa8: {  	_ =	swait.ge [sflag:s23], $0x1  }
0xa9: {  	[sflag:s23] =	ssyncset.done $0x0  }
0xaa: {  	s25 =	simm.s32 $0x1B8E;
	s24 =	sld [smem:$0x3FFE];
	[sflag:s23] =	ssyncadd.s32 $0xFFFFFFFF  }
0xab: {  	s26 =	simm.s32 $execute0_lowered;
	[smem:$0x3FD2] =	sst s25  }
0xac: {  	s6 =	sshll.u32 s26, $0x1;
	_ =	strace $0x8000004C;
	[dreg:$0x1] =	wrdreg $0xFFFFFFFF  }
0xad: {  	s28 =	simm.s32 $_size_execute0_lowered;
	s4 =	sadd.s32 s4, s6;
	[dreg:$0x0] =	wrdreg $0x0  }
0xae: {  	s6 =	sshll.u32 s28, $0x1;
	[dreg:$0x2] =	wrdreg s4  }
0xaf: {  	[dreg:$0x3] =	wrdreg s6  }
0xb0: {  	[dreg:$0x4] =	wrdreg $0xC0  }
0xb1: {  	_ =	task [dreg:s8], $0x5FFFF  }
0xb2: {  	[dreg:$0x1] =	wrdreg $0xFFFFFFFF  }
0xb3: {  	[dreg:$0x0] =	wrdreg $0x60  }
0xb4: {  	[dreg:$0x2] =	wrdreg s17  }
0xb5: {  	[dreg:$0x3] =	wrdreg s16  }
0xb6: {  	[dreg:$0x4] =	wrdreg s24  }
0xb7: {  	[dreg:$0x5] =	wrdreg $0x82000  }
0xb8: {  	[dreg:$0x6] =	wrdreg $0x9  }
0xb9: {  	_ =	task.clear_ibuf [dreg:s8], $0x7FFFF;
	_ =	strace $0x9000004C  }
0xba: {  	s29 =	simm.s32 $0x9;
	_ =	strace $0x8000004E  }
0xbb: {  	_ =	swait.ge [sflag:s29], $0x1  }
0xbc: {  	[sflag:s29] =	ssyncadd.s32 $0xFFFFFFFF  }
0xbd: {  	_ =	strace $0x9000004E  }
0xbe: {  	_ =	sfence  }
0xbf: {  	s30 =	sld [smem:$0x0];
	_ =	sdelay $0x2  }
0xc0: {  	s31 =	sshll.u32 s1, $0xD;
	s1 =	sshrl.u32 s1, $0x2  }
0xc1: {  	s3 =	sand.u32 $0x4000, s31;
	s1 =	sadd.s32 s1, s30  }
0xc2: {  	s0 =	sor.u32 s3, s0;
	s1 =	sshll.u32 s1, $0x11  }
0xc3: {  	s0 =	sor.u32 s1, s0  }
0xc4: {  	s0 =	sadd.s32 $0x8F2B, s0  }
0xc5: {  	[sflag:s0] =	ssyncadd.remote.s32 $0x1  }
0xc6: {  	_ =	sfence.sel $0xFFFF  }
0xc7: {  	[dreg:$0x0] =	wrdreg $0xFFFFFFFF;
	(pc) =	sbr.abs _section_cstart, $3  }
0xc8: {  	[dreg:$0x1] =	wrdreg $0xFFFFFFFF  }
0xc9: {  	_ =	task.clear_ibuf [dreg:s8], $0x2FFFF;
	_ =	strace $0x9FFFFFFF  }
0xca: {  	(tm) =	ssettm $0x7FFFFFFF  }
0xcb: {  	_ =	shalt  }
tec
execute0_lowered:
.L_overlay_start_1:
0x0: {  	(tag) =	ssettag $0x1  }
0x1: {  	s1 =	rddreg [dreg:$0x0]  }
0x2: {  	s2 =	rddreg [dreg:$0x1]  }
0x3: {  	s8 =	rddreg [dreg:$0x2]  }
0x4: {  	s4 =	rddreg [dreg:$0x3]  }
0x5: {  	s3 =	srdreg.scid;
	s0 =	stileid.u32  }
0x6: {  	s5 =	simm.s32 $0x0;
	s19 =	simm.s32 $0x5;
	s21 =	simm.s32 $0x80  }
0x7: {  	s23 =	simm.s32 $0x180;
	s24 =	simm.s32 $0x200;
	s7 =	smul.u32 $0x14000, s0  }
0x8: {  	s25 =	simm.s32 $0x4;
	s9 =	sand.u32 $0x1, s3;
	s13 =	smul.u32 $0x50000, s0  }
0x9: {  	s28 =	simm.s32 $0x0;
	[smem:$0x7FF] =	sst s5;
	s6 =	smul.u32 $0x140000, s9  }
0xa: {  	s10 =	sshll.u32 s9, $0x4;
	_ =	strace $0x8000004D;
	s9 =	ssub.s32 $0x2, s9  }
0xb: {  	s10 =	sor.u32 s0, s10;
	s29 =	sshrl.u32 s9, $0x1;
	s31 =	sshrl.u32 s13, $0x2  }
0xc: {  	s11 =	sadd.s32 s7, s6;
	s6 =	smul.u32 $0x2800, s10;
	s18 =	ssub.s32 s9, s29  }
0xd: {  	s7 =	sadd.s32 $0x2E00, s8;
	s26 =	sshrl.u32 s11, $0x3;
	s18 =	smax.u32 s18, $0x1  }
.Ltmp0:
0xe: {  	s12 =	sshrl.u32 s6, $0x3;
	s17 =	sadd.s32 s26, s8;
	(pc) =	sbr.rel .LBB2_1-.Ltmp0, $4  }
0xf: {  	s26 =	simm.s32 $0x1;
	s8 =	sadd.s32 s1, s12;
	s9 =	sadd.s32 s2, s12  }
0x10: {  	s30 =	sor.u32 $0x10, s12;
	s12 =	sadd.s32 s31, s4;
	s17 =	sadd.s32 $0x2AE00, s17  }
0x11: {  	s10 =	sadd.s32 s1, s30;
	s11 =	sadd.s32 s2, s30;
	s13 =	sadd.s32 $0x4000, s12  }
0x12: {  	v0 =	vimm.f32 $0.0e+00;
	s14 =	sadd.s32 $0x8000, s12;
	s15 =	sadd.s32 $0xC000, s12;
	s16 =	sadd.s32 $0x10000, s12  }
.LBB2_6:
0x13: {  	s0 =	stileid.u32;
	s28 =	sadd.s32 $0x1, s28  }
0x14: {  	[bflag:$0x0] =	sbarrier.arrive $0xFFFF;
	s0 =	sshll.u32 s0, $0x6;
	p0 =	sne.s32 s28, s18  }
.Ltmp1:
0x15: {  	s3 =	sshrl.u32 s12, $0x3;
	s0 =	sor.u32 $0x1C05, s0;
	(pc) =	sbr.rel @!p0 .LBB2_7-.Ltmp1, $4  }
0x16: {  	[hbm:s17], [sflag:s0] =	dma.local [spmem:s3], $0x2800  }
0x17: {  	_ =	swait.ge [sflag:s19], $0x2800  }
0x18: {  	[sflag:s19] =	ssyncset.done $0x0  }
0x19: {  	[sflag:s19] =	ssyncadd.s32 $0xFFFFD800  }
.LBB2_1:
0x1a: {  	[tilespmem:s5], [sflag:$0x5] =	stream.linear.gather [hbm4b:s8+s5], $0x80, $0x38;
	[tilespmem:$0x1C200] =	vst v63  }
0x1b: {  	_ =	swait.ge [sflag:s19], $0x80  }
0x1c: {  	[sflag:s19] =	ssyncset.done $0x0  }
0x1d: {  	s0 =	simm.s32 $0x100;
	[sflag:s19] =	ssyncadd.s32 $0xFFFFFF80  }
0x1e: {  	[tilespmem:s0], [sflag:$0x5] =	stream.linear.gather [hbm4b:s9+s5], $0x80, $0x38;
	[tilespmem:$0x1C200] =	vst v63  }
0x1f: {  	_ =	swait.ge [sflag:s19], $0x80  }
0x20: {  	[sflag:s19] =	ssyncset.done $0x0  }
0x21: {  	s31 =	simm.s32 $0x4200;
	[sflag:s19] =	ssyncadd.s32 $0xFFFFFF80  }
0x22: {  	[tilespmem:s31], [sflag:$0x1] =	stream.indirect.gather [hbm4b:s7+s21], $0x80, s5, s21, $0xb8;
	[tilespmem:$0x1C200] =	vst v63  }
0x23: {  	_ = 	snop  }
0x24: {  	[tilespmem:s21], [sflag:$0x4] =	stream.linear.gather [hbm4b:s10+s5], $0x80, $0x38;
	[tilespmem:$0x1C200] =	vst v63  }
0x25: {  	s29 =	simm.s32 $0x0;
	s30 =	simm.s32 $0x200  }
0x26: {  	[tilespmem:s23], [sflag:$0x4] =	stream.linear.gather [hbm4b:s11+s5], $0x80, $0x38;
	[tilespmem:$0x1C200] =	vst v63  }
.LBB2_2:
0x27: {  	p0 =	sne.s32 s30, $0xFE00;
	[tilespmem:s29+$0x270] =	vst v0  }
0x28: {  	[tilespmem:s29+$0x200] =	vst v0  }
0x29: {  	[tilespmem:s29+$0x210] =	vst v0  }
.Ltmp2:
0x2a: {  	[tilespmem:s29+$0x220] =	vst v0;
	(pc) =	sbr.rel @p0 .LBB2_2-.Ltmp2, $4  }
0x2b: {  	[tilespmem:s29+$0x230] =	vst v0  }
0x2c: {  	[tilespmem:s29+$0x240] =	vst v0  }
0x2d: {  	[tilespmem:s29+$0x250] =	vst v0  }
0x2e: {  	[tilespmem:s29+$0x260] =	vst v0;
	s29 =	sshra.s32 s30, $0x2;
	s30 =	sadd.s32 $0x200, s30  }
0x2f: {  	[tilespmem:s29+$0x270] =	vst v0  }
0x30: {  	[tilespmem:s29+$0x200] =	vst v0  }
0x31: {  	[tilespmem:s29+$0x210] =	vst v0  }
0x32: {  	[tilespmem:s29+$0x220] =	vst v0  }
0x33: {  	[tilespmem:s29+$0x230] =	vst v0  }
0x34: {  	[tilespmem:s29+$0x240] =	vst v0  }
0x35: {  	[tilespmem:s29+$0x250] =	vst v0  }
0x36: {  	[tilespmem:s29+$0x260] =	vst v0  }
0x37: {  	[spmem:s12] =	stream.linear.scatter [tilespmem:s24], [sflag:$0x5], $0x4000, $0x38;
	[tilespmem:$0x1C200] =	vst v63  }
0x38: {  	_ =	swait.ge [sflag:s19], $0x4000  }
0x39: {  	[sflag:s19] =	ssyncset.done $0x0  }
0x3a: {  	[sflag:s19] =	ssyncadd.s32 $0xFFFFC000  }
0x3b: {  	[spmem:s13] =	stream.linear.scatter [tilespmem:s24], [sflag:$0x5], $0x4000, $0x38;
	[tilespmem:$0x1C200] =	vst v63  }
0x3c: {  	_ =	swait.ge [sflag:s19], $0x4000  }
0x3d: {  	[sflag:s19] =	ssyncset.done $0x0  }
0x3e: {  	[sflag:s19] =	ssyncadd.s32 $0xFFFFC000  }
0x3f: {  	[spmem:s14] =	stream.linear.scatter [tilespmem:s24], [sflag:$0x5], $0x4000, $0x38;
	[tilespmem:$0x1C200] =	vst v63  }
0x40: {  	_ =	swait.ge [sflag:s19], $0x4000  }
0x41: {  	[sflag:s19] =	ssyncset.done $0x0  }
0x42: {  	[sflag:s19] =	ssyncadd.s32 $0xFFFFC000  }
0x43: {  	[spmem:s15] =	stream.linear.scatter [tilespmem:s24], [sflag:$0x5], $0x4000, $0x38;
	[tilespmem:$0x1C200] =	vst v63  }
0x44: {  	_ =	swait.ge [sflag:s19], $0x4000  }
0x45: {  	[sflag:s19] =	ssyncset.done $0x0  }
0x46: {  	[sflag:s19] =	ssyncadd.s32 $0xFFFFC000  }
0x47: {  	[spmem:s16] =	stream.linear.scatter [tilespmem:s24], [sflag:$0x5], $0x4000, $0x38;
	[tilespmem:$0x1C200] =	vst v63  }
0x48: {  	_ =	swait.ge [sflag:s19], $0x4000  }
0x49: {  	[sflag:s19] =	ssyncset.done $0x0  }
0x4a: {  	[sflag:s19] =	ssyncadd.s32 $0xFFFFC000  }
0x4b: {  	s29 =	simm.s32 $0x180;
	[bflag:$0x0] =	sbarrier.arrive $0xFFFF  }
.LBB2_4:
0x4c: {  	_ =	swait.ge [sflag:s25], $0x80  }
0x4d: {  	[sflag:s25] =	ssyncset.done $0x0  }
0x4e: {  	[sflag:s25] =	ssyncadd.s32 $0xFFFFFF80  }
0x4f: {  	_ =	swait.ge [sflag:s25], $0x80  }
0x50: {  	[sflag:s25] =	ssyncset.done $0x0  }
0x51: {  	[sflag:s25] =	ssyncadd.s32 $0xFFFFFF80  }
0x52: {  	_ =	swait.ge [sflag:s26], $0x4000  }
0x53: {  	[sflag:s26] =	ssyncset.done $0x0  }
0x54: {  	p0 =	seq.s32 s29, $0x2880;
	[sflag:s26] =	ssyncadd.s32 $0xFFFFC000  }
0x55: {  	[tilespmem:s24], [sflag:$0x2] =	stream.indirect.gather [hbm4b:s7+s21], $0x80, s21, s21, $0xb8;
	[tilespmem:$0x1C200] =	vst v63  }
0x56: {  	s30 =	simm.s32 @p0 $0x80;
	s31 =	simm.s32 @p0 $0x100;
	s0 =	simm.s32 @p0 $0x4200  }
0x57: {  	[spmem:s4] =	stream.indirect.scatter.add.f32 @p0 [tilespmem:s0], [sflag:$0x5], $0x80, s31, s30, $0xb8;
	[tilespmem:$0x1C200] =	vst v63  }
0x58: {  	s0 =	simm.s32 @p0 $0x5  }
0x59: {  	_ =	swait.ge @p0 [sflag:s0], $0x4000  }
0x5a: {  	s30 =	sadd.s32 @!p0 $0xFFFFFF80, s29;
	[sflag:s0] =	ssyncset.done @p0 $0x0  }
0x5b: {  	[sflag:s0] =	ssyncadd.s32 @p0 $0xFFFFC000;
	s0 =	sand.u32 @!p0 $0x7C00, s30  }
0x5c: {  	s31 =	simm.s32 @p0 $0x2;
	s30 =	sand.u32 @!p0 $0x300, s30;
	s0 =	sadd.s32 @!p0 s6, s0  }
0x5d: {  	_ =	swait.ge @p0 [sflag:s31], $0x4000;
	s0 =	sor.u32 @!p0 s30, s0  }
0x5e: {  	s3 =	simm.s32 @!p0 $0x100;
	[sflag:s31] =	ssyncset.done @p0 $0x0;
	s0 =	sshrl.u32 @!p0 s0, $0x3  }
0x5f: {  	[sflag:s31] =	ssyncadd.s32 @p0 $0xFFFFC000;
	s31 =	simm.s32 @!p0 $0x0;
	s30 =	sadd.s32 @!p0 s1, s0  }
0x60: {  	[tilespmem:s31], [sflag:$0x3] =	stream.linear.gather @!p0 [hbm4b:s30+s31], $0x80, $0x38;
	[tilespmem:$0x1C200] =	vst v63  }
0x61: {  	s20 =	simm.s32 @!p0 $0x4200;
	s22 =	simm.s32 @!p0 $0x5;
	s30 =	simm.s32 @!p0 $0x80  }
0x62: {  	[spmem:s4] =	stream.indirect.scatter.add.f32 @!p0 [tilespmem:s20], [sflag:$0x5], $0x80, s3, s30, $0xb8;
	[tilespmem:$0x1C200] =	vst v63  }
0x63: {  	_ =	swait.ge @!p0 [sflag:s22], $0x4000  }
0x64: {  	[sflag:s22] =	ssyncset.done @!p0 $0x0  }
0x65: {  	s0 =	sadd.s32 @!p0 s2, s0;
	[sflag:s22] =	ssyncadd.s32 @!p0 $0xFFFFC000  }
0x66: {  	[tilespmem:s3], [sflag:$0x3] =	stream.linear.gather @!p0 [hbm4b:s0+s31], $0x80, $0x38;
	[tilespmem:$0x1C200] =	vst v63  }
0x67: {  	s0 =	simm.s32 @!p0 $0x3  }
0x68: {  	_ =	swait.ge @!p0 [sflag:s0], $0x80  }
0x69: {  	[sflag:s0] =	ssyncset.done @!p0 $0x0  }
0x6a: {  	[sflag:s0] =	ssyncadd.s32 @!p0 $0xFFFFFF80  }
0x6b: {  	_ =	swait.ge @!p0 [sflag:s0], $0x80  }
0x6c: {  	[sflag:s0] =	ssyncset.done @!p0 $0x0  }
0x6d: {  	[sflag:s0] =	ssyncadd.s32 @!p0 $0xFFFFFF80;
	s0 =	simm.s32 @!p0 $0x2  }
0x6e: {  	_ =	swait.ge @!p0 [sflag:s0], $0x4000  }
0x6f: {  	[sflag:s0] =	ssyncset.done @!p0 $0x0  }
0x70: {  	[sflag:s0] =	ssyncadd.s32 @!p0 $0xFFFFC000;
	s0 =	sand.u32 @!p0 $0x7C00, s29  }
0x71: {  	[tilespmem:s20], [sflag:$0x1] =	stream.indirect.gather @!p0 [hbm4b:s7+s30], $0x80, s31, s30, $0xb8;
	[tilespmem:$0x1C200] =	vst v63  }
0x72: {  	s3 =	sand.u32 @!p0 $0x380, s29;
	s0 =	sadd.s32 @!p0 s6, s0  }
0x73: {  	s0 =	sor.u32 @!p0 s3, s0  }
0x74: {  	s0 =	sshrl.u32 @!p0 s0, $0x3  }
0x75: {  	s0 =	sadd.s32 @!p0 s1, s0  }
0x76: {  	[tilespmem:s30], [sflag:$0x4] =	stream.linear.gather @!p0 [hbm4b:s0+s31], $0x80, $0x38;
	[tilespmem:$0x1C200] =	vst v63  }
.Ltmp3:
0x77: {  	_ = 	snop;
	(pc) =	sbr.rel @p0 .LBB2_6-.Ltmp3, $4  }
0x78: {  	[spmem:s4] =	stream.indirect.scatter.add.f32 [tilespmem:s24], [sflag:$0x5], $0x80, s23, s21, $0xb8;
	[tilespmem:$0x1C200] =	vst v63  }
0x79: {  	_ =	swait.ge [sflag:s19], $0x4000  }
0x7a: {  	[sflag:s19] =	ssyncset.done $0x0  }
0x7b: {  	[sflag:s19] =	ssyncadd.s32 $0xFFFFC000  }
0x7c: {  	s0 =	sand.u32 $0x7C00, s29  }
.Ltmp4:
0x7d: {  	s3 =	sand.u32 $0x380, s29;
	s0 =	sadd.s32 s6, s0;
	(pc) =	sbr.rel .LBB2_4-.Ltmp4, $4  }
0x7e: {  	s0 =	sor.u32 s3, s0  }
0x7f: {  	s0 =	sshrl.u32 s0, $0x3  }
0x80: {  	s29 =	sadd.s32 $0x100, s29;
	s0 =	sadd.s32 s2, s0  }
0x81: {  	[tilespmem:s23], [sflag:$0x4] =	stream.linear.gather [hbm4b:s0+s5], $0x80, $0x38;
	[tilespmem:$0x1C200] =	vst v63  }
.LBB2_7:
0x82: {  	_ =	sfence.sel $0x180000  }
0x83: {  	[bflag:$0x0] =	sbarrier.arrive $0xFFFF  }
0x84: {  	_ =	strace $0x9000004D  }
0x85: {  	s0 =	stileid.u32;
	[bflag:$0x2] =	sbarrier.arrive $0xFFFF  }
0x86: {  	p0 =	sne.s32 s0, $0x0;
	s0 =	rddreg [dreg:$0x4]  }
0x87: {  	s0 =	sadd.s32 @!p0 $0x100000, s0  }
0x88: {  	[sflag:s0] =	ssyncadd.tile.s32 @!p0 $0x1;
	_ =	shalt  }
.Lfunc_end2:
_tile_overlayer_lowered:
.L_overlay_start_2:
0x89: {  	(tag) =	ssettag $0x2  }
0x8a: {  	s0 =	rddreg [dreg:$0x0];
	s2 =	stileid.u32  }
0x8b: {  	s1 =	rddreg [dreg:$0x1];
	p0 =	sne.s32 s2, $0x0  }
0x8c: {  	s3 =	rddreg [dreg:$0x2];
	[bflag:$0x3] =	sbarrier.arrive $0xFFFF;
	s2 =	simm.s32 @!p0 $0x1C05  }
0x8d: {  	[timem:s3], [sflag:s2] =	dma.local @!p0 [hbm:s0], s1  }
0x8e: {  	s0 =	simm.s32 @!p0 $0x5  }
0x8f: {  	_ =	swait.ge @!p0 [sflag:s0], s1  }
0x90: {  	s1 =	ssub.s32 @!p0 $0x0, s1;
	[sflag:s0] =	ssyncset.done @!p0 $0x0  }
0x91: {  	[sflag:s0] =	ssyncadd.s32 @!p0 s1  }
0x92: {  	[bflag:$0x3] =	sbarrier.arrive $0xFFFF  }
0x93: {  	_ =	shalt  }

// kernel: kernel.19.cloned.1.call-start
scs
__scs_entry_jumppad:
0x0: {  	(pc) =	sbr.rel $0x88, $3  }
0x1: {  	(tag) =	ssettag $0x0;
	lr =	simm.s32 $0x1  }
0x2: {  	[smem:$0x3F99] =	sst lr;
	_ =	strace $0xD0000000  }
0x3: {  	_ = 	snop  }
0x4: {  	_ = 	snop  }
0x5: {  	_ = 	snop  }
0x6: {  	_ = 	snop  }
0x7: {  	_ = 	snop  }
__scs_overlays_trampoline_lowered:
0x8: {  	[smem:$0x3FA8] =	sst s0  }
0x9: {  	[smem:$0x3FA9] =	sst s1  }
0xa: {  	[smem:$0x3FAA] =	sst s2  }
0xb: {  	[smem:$0x3FAB] =	sst s3  }
0xc: {  	[smem:$0x3FAC] =	sst s4  }
0xd: {  	[smem:$0x3FAD] =	sst s5  }
0xe: {  	[smem:$0x3FAE] =	sst s6  }
0xf: {  	[smem:$0x3FAF] =	sst s7  }
0x10: {  	[smem:$0x3FB0] =	sst s8  }
0x11: {  	[smem:$0x3FB1] =	sst s9;
	s0 =	simm.s32 @!p0 $0x0  }
0x12: {  	s1 =	sld [smem:$0x3F97];
	s0 =	simm.s32 @p0 $0x1  }
0x13: {  	[smem:$0x3FB2] =	sst s0;
	s0 =	simm.s32 @!p1 $0x0  }
0x14: {  	s2 =	sld [smem:$0x3F96];
	s0 =	simm.s32 @p1 $0x1  }
0x15: {  	[smem:$0x3FB3] =	sst s0;
	s0 =	simm.s32 @!p2 $0x0  }
0x16: {  	s3 =	sld [smem:$0x3FDB];
	s0 =	simm.s32 @p2 $0x1  }
0x17: {  	s4 =	simm.s32 $0x1BF5;
	[smem:$0x3FB5] =	sst s0  }
0x18: {  	s0 =	sld [smem:$0x3F98];
	_ =	swait.ge [sflag:s4], $0x0  }
0x19: {  	s7 =	sld [smem:$0x3F99]  }
0x1a: {  	s8 =	sadd.s32 $0xFFFFE003, lr  }
0x1b: {  	s9 =	sadd.s32 $0xFFFFFEF7, lr;
	s5 =	simm.s32 $0xFFFFFFFF;
	p2 =	slt.u32 s8, $0xFFFFF086  }
0x1c: {  	p1 =	slt.u32 s9, $0xF7A;
	s5 =	simm.s32 @!p2 $0x0  }
0x1d: {  	s5 =	simm.s32 @p1 $0x1;
	p0 =	seq.s32 s7, s2  }
0x1e: {  	s7 =	smul.u32 @!p0 $0xF7A, s2;
	p2 =	seq.s32 @!p0 s5, $0x0  }
0x1f: {  	s9 =	smul.u32 $0xF7A, s1;
	s8 =	simm.s32 @!p0 $0x1BF5;
	p2 =	por !p2, p0  }
0x20: {  	[sflag:s8] =	ssyncset.s32 @!p0 $0xFFFFF086;
	s6 =	sadd.s32 @!p0 s3, s7;
	s7 =	simm.s32 @!p0 $0x108  }
0x21: {  	s3 =	sadd.s32 s3, s9;
	s6 =	sadd.s32 @!p0 $0x88, s6;
	s7 =	simm.s32 @p2 $0x1082  }
0x22: {  	[simem:s7], [sflag:s8] =	dma.local @!p0 [hbm:s6], $0xF7A  }
0x23: {  	s9 =	sor.u32 $0xD0000000, s2;
	s6 =	simm.s32 $0x108;
	_ =	swait.ge @!p0 [sflag:s8], $0x0  }
0x24: {  	s3 =	sadd.s32 $0x88, s3;
	s6 =	simm.s32 @!p1 $0x1082;
	[sflag:s4] =	ssyncset.s32 $0xFFFFF086  }
0x25: {  	[simem:s6], [sflag:s4] =	dma.local [hbm:s3], $0xF7A  }
0x26: {  	[smem:$0x3F99] =	sst s1;
	(tag) =	ssettag s2;
	_ =	strace s9  }
0x27: {  	s1 =	sld [smem:$0x3FA9]  }
0x28: {  	s2 =	sld [smem:$0x3FAA]  }
0x29: {  	s4 =	sld [smem:$0x3FAC]  }
0x2a: {  	p0 =	seq.s32 s5, $0x0;
	s5 =	sld [smem:$0x3FAD]  }
0x2b: {  	s6 =	sld [smem:$0x3FAE]  }
0x2c: {  	s7 =	sld [smem:$0x3FAF]  }
0x2d: {  	s3 =	simm.s32 $0x108;
	s8 =	sld [smem:$0x3FB0]  }
0x2e: {  	s3 =	simm.s32 @!p0 $0x1082;
	s9 =	sld [smem:$0x3FB1]  }
0x2f: {  	lr =	sadd.s32 s0, s3;
	s0 =	sld [smem:$0x3FA8]  }
0x30: {  	s3 =	sld [smem:$0x3FAB]  }
0x31: {  	[smem:$0x3FB4] =	sst s10  }
0x32: {  	s10 =	sld [smem:$0x3FB2];
	_ =	sdelay $0x3  }
0x33: {  	p0 =	seq.s32 s10, $0x1;
	s10 =	sld [smem:$0x3FB4];
	_ =	sdelay $0x3  }
0x34: {  	[smem:$0x3FB4] =	sst s10  }
0x35: {  	s10 =	sld [smem:$0x3FB3];
	_ =	sdelay $0x3  }
0x36: {  	p1 =	seq.s32 s10, $0x1;
	s10 =	sld [smem:$0x3FB4];
	_ =	sdelay $0x3  }
0x37: {  	[smem:$0x3FB4] =	sst s10  }
0x38: {  	s10 =	sld [smem:$0x3FB5]  }
0x39: {  	_ = 	snop;
	(pc) =	sbr.ind lr, $3  }
0x3a: {  	_ = 	snop  }
0x3b: {  	_ = 	snop  }
0x3c: {  	p2 =	seq.s32 s10, $0x1;
	s10 =	sld [smem:$0x3FB4]  }
0x3d: {  	_ =	shalt  }
0x3e: {  	_ =	shalt  }
0x3f: {  	_ =	shalt  }
0x40: {  	_ =	shalt  }
0x41: {  	_ =	shalt  }
0x42: {  	_ =	shalt  }
0x43: {  	_ =	shalt  }
0x44: {  	_ =	shalt  }
0x45: {  	_ =	shalt  }
0x46: {  	_ =	shalt  }
0x47: {  	_ =	shalt  }
0x48: {  	_ =	shalt  }
0x49: {  	_ =	shalt  }
0x4a: {  	_ =	shalt  }
0x4b: {  	_ =	shalt  }
0x4c: {  	_ =	shalt  }
0x4d: {  	_ =	shalt  }
0x4e: {  	_ =	shalt  }
0x4f: {  	_ =	shalt  }
0x50: {  	_ =	shalt  }
0x51: {  	_ =	shalt  }
0x52: {  	_ =	shalt  }
0x53: {  	_ =	shalt  }
0x54: {  	_ =	shalt  }
0x55: {  	_ =	shalt  }
0x56: {  	_ =	shalt  }
0x57: {  	_ =	shalt  }
0x58: {  	_ =	shalt  }
0x59: {  	_ =	shalt  }
0x5a: {  	_ =	shalt  }
0x5b: {  	_ =	shalt  }
0x5c: {  	_ =	shalt  }
0x5d: {  	_ =	shalt  }
0x5e: {  	_ =	shalt  }
0x5f: {  	_ =	shalt  }
0x60: {  	_ =	shalt  }
0x61: {  	_ =	shalt  }
0x62: {  	_ =	shalt  }
0x63: {  	_ =	shalt  }
0x64: {  	_ =	shalt  }
0x65: {  	_ =	shalt  }
0x66: {  	_ =	shalt  }
0x67: {  	_ =	shalt  }
0x68: {  	_ =	shalt  }
0x69: {  	_ =	shalt  }
0x6a: {  	_ =	shalt  }
0x6b: {  	_ =	shalt  }
0x6c: {  	_ =	shalt  }
0x6d: {  	_ =	shalt  }
0x6e: {  	_ =	shalt  }
0x6f: {  	_ =	shalt  }
0x70: {  	_ =	shalt  }
0x71: {  	_ =	shalt  }
0x72: {  	_ =	shalt  }
0x73: {  	_ =	shalt  }
0x74: {  	_ =	shalt  }
0x75: {  	_ =	shalt  }
0x76: {  	_ =	shalt  }
0x77: {  	_ =	shalt  }
0x78: {  	_ =	shalt  }
0x79: {  	_ =	shalt  }
0x7a: {  	_ =	shalt  }
0x7b: {  	_ =	shalt  }
0x7c: {  	_ =	shalt  }
0x7d: {  	_ =	shalt  }
0x7e: {  	_ =	shalt  }
0x7f: {  	_ =	shalt  }
0x80: {  	_ =	shalt  }
0x81: {  	_ =	shalt  }
0x82: {  	_ =	shalt  }
0x83: {  	_ =	shalt  }
0x84: {  	_ =	shalt  }
0x85: {  	_ =	shalt  }
0x86: {  	_ =	shalt  }
0x87: {  	_ =	shalt  }
.Lfunc_end0:
.L_simem_size_0:
called_computation.3_lowered:
.L_overlay_start_0:
0x88: {  	s2 =	sld [smem:$0x3FD9]  }
0x89: {  	s3 =	sld [smem:$0x3FFE];
	_ =	sdelay $0x1  }
0x8a: {  	s1 =	srdreg.scid  }
0x8b: {  	s0 =	sand.u32 $0x1, s1  }
0x8c: {  	s14 =	sshll.u32 s0, $0xA;
	s2 =	sadd.s32 s3, s2  }
0x8d: {  	s2 =	sadd.s32 s2, s14  }
0x8e: {  	[smem:$0x3FC0] =	sst s2  }
0x8f: {  	_ = 	snop  }
0x90: {  	s2 =	sld [smem:$0x3FD0];
	_ =	sdelay $0x2  }
0x91: {  	s15 =	simm.s32 $0xA;
	s4 =	simm.s32 $0x10  }
0x92: {  	[smem:s4], [sflag:s15] =	dma.local [hbm:s2], $0x1  }
0x93: {  	_ =	swait.eq [sflag:s15], $0x1  }
0x94: {  	[sflag:s15] =	ssyncset.done $0x0  }
0x95: {  	s16 =	sld [smem:$0x10];
	[sflag:s15] =	ssyncadd.s32 $0xFFFFFFFF  }
0x96: {  	s17 =	sld [smem:$0x11];
	(tm) =	ssettm $0x1  }
0x97: {  	s18 =	sld [smem:$0x3FFB];
	_ =	sdelay $0x3  }
0x98: {  	_ =	strace s18  }
0x99: {  	s4 =	sld [smem:$0x3FFC];
	_ =	sdelay $0x3  }
0x9a: {  	_ =	strace s4  }
0x9b: {  	s4 =	sld [smem:$0x3FFD];
	_ =	sdelay $0x3  }
0x9c: {  	_ =	strace s4  }
0x9d: {  	_ =	strace $0x8FFFFFFF  }
0x9e: {  	s19 =	sld [smem:$0x3FDB];
	_ =	sdelay $0x1  }
0x9f: {  	s5 =	simm.s32 $_scs_section_size  }
0xa0: {  	s6 =	simm.s32 $_size__tile_overlayer_lowered;
	s7 =	simm.s32 $_tile_overlayer_lowered  }
0xa1: {  	s22 =	simm.s32 $0x1BFF;
	s21 =	sshll.u32 s7, $0x1;
	s4 =	sadd.s32 s5, s19  }
0xa2: {  	s8 =	simm.s32 $0x0;
	s20 =	sshll.u32 s6, $0x1;
	s6 =	sadd.s32 s21, s4  }
0xa3: {  	[timem:s8], [sflag:s22] =	dma.local [hbm:s6], s20  }
0xa4: {  	_ =	swait.ge [sflag:s22], s20  }
0xa5: {  	s5 =	ssub.s32 $0x0, s20;
	[sflag:s22] =	ssyncset.done $0x0  }
0xa6: {  	[sflag:s22] =	ssyncadd.s32 s5;
	_ =	sdelay $0x1  }
0xa7: {  	s23 =	simm.s32 $0x1B8B  }
0xa8: {  	_ =	swait.ge [sflag:s23], $0x1  }
0xa9: {  	[sflag:s23] =	ssyncset.done $0x0  }
0xaa: {  	s25 =	simm.s32 $0x1B8E;
	s24 =	sld [smem:$0x3FFE];
	[sflag:s23] =	ssyncadd.s32 $0xFFFFFFFF  }
0xab: {  	s26 =	simm.s32 $execute0_lowered;
	[smem:$0x3FD2] =	sst s25  }
0xac: {  	s6 =	sshll.u32 s26, $0x1;
	_ =	strace $0x8000004F;
	[dreg:$0x1] =	wrdreg $0xFFFFFFFF  }
0xad: {  	s28 =	simm.s32 $_size_execute0_lowered;
	s4 =	sadd.s32 s4, s6;
	[dreg:$0x0] =	wrdreg $0x0  }
0xae: {  	s6 =	sshll.u32 s28, $0x1;
	[dreg:$0x2] =	wrdreg s4  }
0xaf: {  	[dreg:$0x3] =	wrdreg s6  }
0xb0: {  	[dreg:$0x4] =	wrdreg $0xC0  }
0xb1: {  	_ =	task [dreg:s8], $0x5FFFF  }
0xb2: {  	[dreg:$0x1] =	wrdreg $0xFFFFFFFF  }
0xb3: {  	[dreg:$0x0] =	wrdreg $0x60  }
0xb4: {  	[dreg:$0x2] =	wrdreg s17  }
0xb5: {  	[dreg:$0x3] =	wrdreg s16  }
0xb6: {  	[dreg:$0x4] =	wrdreg s24  }
0xb7: {  	[dreg:$0x5] =	wrdreg $0x82000  }
0xb8: {  	[dreg:$0x6] =	wrdreg $0x9  }
0xb9: {  	_ =	task.clear_ibuf [dreg:s8], $0x7FFFF;
	_ =	strace $0x9000004F  }
0xba: {  	s29 =	simm.s32 $0x9;
	_ =	strace $0x80000051  }
0xbb: {  	_ =	swait.ge [sflag:s29], $0x1  }
0xbc: {  	[sflag:s29] =	ssyncadd.s32 $0xFFFFFFFF  }
0xbd: {  	_ =	strace $0x90000051  }
0xbe: {  	_ =	sfence  }
0xbf: {  	s30 =	sld [smem:$0x0];
	_ =	sdelay $0x2  }
0xc0: {  	s31 =	sshll.u32 s1, $0xD;
	s1 =	sshrl.u32 s1, $0x2  }
0xc1: {  	s3 =	sand.u32 $0x4000, s31;
	s1 =	sadd.s32 s1, s30  }
0xc2: {  	s0 =	sor.u32 s3, s0;
	s1 =	sshll.u32 s1, $0x11  }
0xc3: {  	s0 =	sor.u32 s1, s0  }
0xc4: {  	s0 =	sadd.s32 $0x8F2B, s0  }
0xc5: {  	[sflag:s0] =	ssyncadd.remote.s32 $0x1  }
0xc6: {  	_ =	sfence.sel $0xFFFF  }
0xc7: {  	[dreg:$0x0] =	wrdreg $0xFFFFFFFF;
	(pc) =	sbr.abs _section_cstart, $3  }
0xc8: {  	[dreg:$0x1] =	wrdreg $0xFFFFFFFF  }
0xc9: {  	_ =	task.clear_ibuf [dreg:s8], $0x2FFFF;
	_ =	strace $0x9FFFFFFF  }
0xca: {  	(tm) =	ssettm $0x7FFFFFFF  }
0xcb: {  	_ =	shalt  }
tec
execute0_lowered:
.L_overlay_start_1:
0x0: {  	(tag) =	ssettag $0x1  }
0x1: {  	s1 =	rddreg [dreg:$0x0]  }
0x2: {  	s2 =	rddreg [dreg:$0x1]  }
0x3: {  	s8 =	rddreg [dreg:$0x2]  }
0x4: {  	s4 =	rddreg [dreg:$0x3]  }
0x5: {  	s3 =	srdreg.scid;
	s0 =	stileid.u32  }
0x6: {  	s5 =	simm.s32 $0x0;
	s19 =	simm.s32 $0x5;
	s21 =	simm.s32 $0x80  }
0x7: {  	s23 =	simm.s32 $0x180;
	s24 =	simm.s32 $0x200;
	s7 =	smul.u32 $0x14000, s0  }
0x8: {  	s25 =	simm.s32 $0x4;
	s9 =	sand.u32 $0x1, s3;
	s13 =	smul.u32 $0x50000, s0  }
0x9: {  	s28 =	simm.s32 $0x0;
	[smem:$0x7FF] =	sst s5;
	s6 =	smul.u32 $0x140000, s9  }
0xa: {  	s10 =	sshll.u32 s9, $0x4;
	_ =	strace $0x80000050;
	s9 =	ssub.s32 $0x2, s9  }
0xb: {  	s10 =	sor.u32 s0, s10;
	s29 =	sshrl.u32 s9, $0x1;
	s31 =	sshrl.u32 s13, $0x2  }
0xc: {  	s11 =	sadd.s32 s7, s6;
	s6 =	smul.u32 $0x2800, s10;
	s18 =	ssub.s32 s9, s29  }
0xd: {  	s7 =	sadd.s32 $0x2E00, s8;
	s26 =	sshrl.u32 s11, $0x3;
	s18 =	smax.u32 s18, $0x1  }
.Ltmp0:
0xe: {  	s12 =	sshrl.u32 s6, $0x3;
	s17 =	sadd.s32 s26, s8;
	(pc) =	sbr.rel .LBB2_1-.Ltmp0, $4  }
0xf: {  	s26 =	simm.s32 $0x1;
	s8 =	sadd.s32 s1, s12;
	s9 =	sadd.s32 s2, s12  }
0x10: {  	s30 =	sor.u32 $0x10, s12;
	s12 =	sadd.s32 s31, s4;
	s17 =	sadd.s32 $0x2AE00, s17  }
0x11: {  	s10 =	sadd.s32 s1, s30;
	s11 =	sadd.s32 s2, s30;
	s13 =	sadd.s32 $0x4000, s12  }
0x12: {  	v0 =	vimm.f32 $0.0e+00;
	s14 =	sadd.s32 $0x8000, s12;
	s15 =	sadd.s32 $0xC000, s12;
	s16 =	sadd.s32 $0x10000, s12  }
.LBB2_6:
0x13: {  	s0 =	stileid.u32;
	s28 =	sadd.s32 $0x1, s28  }
0x14: {  	[bflag:$0x0] =	sbarrier.arrive $0xFFFF;
	s0 =	sshll.u32 s0, $0x6;
	p0 =	sne.s32 s28, s18  }
.Ltmp1:
0x15: {  	s3 =	sshrl.u32 s12, $0x3;
	s0 =	sor.u32 $0x1C05, s0;
	(pc) =	sbr.rel @!p0 .LBB2_7-.Ltmp1, $4  }
0x16: {  	[hbm:s17], [sflag:s0] =	dma.local [spmem:s3], $0x2800  }
0x17: {  	_ =	swait.ge [sflag:s19], $0x2800  }
0x18: {  	[sflag:s19] =	ssyncset.done $0x0  }
0x19: {  	[sflag:s19] =	ssyncadd.s32 $0xFFFFD800  }
.LBB2_1:
0x1a: {  	[tilespmem:s5], [sflag:$0x5] =	stream.linear.gather [hbm4b:s8+s5], $0x80, $0x38;
	[tilespmem:$0x1C200] =	vst v63  }
0x1b: {  	_ =	swait.ge [sflag:s19], $0x80  }
0x1c: {  	[sflag:s19] =	ssyncset.done $0x0  }
0x1d: {  	s0 =	simm.s32 $0x100;
	[sflag:s19] =	ssyncadd.s32 $0xFFFFFF80  }
0x1e: {  	[tilespmem:s0], [sflag:$0x5] =	stream.linear.gather [hbm4b:s9+s5], $0x80, $0x38;
	[tilespmem:$0x1C200] =	vst v63  }
0x1f: {  	_ =	swait.ge [sflag:s19], $0x80  }
0x20: {  	[sflag:s19] =	ssyncset.done $0x0  }
0x21: {  	s31 =	simm.s32 $0x4200;
	[sflag:s19] =	ssyncadd.s32 $0xFFFFFF80  }
0x22: {  	[tilespmem:s31], [sflag:$0x1] =	stream.indirect.gather [hbm4b:s7+s21], $0x80, s5, s21, $0xb8;
	[tilespmem:$0x1C200] =	vst v63  }
0x23: {  	_ = 	snop  }
0x24: {  	[tilespmem:s21], [sflag:$0x4] =	stream.linear.gather [hbm4b:s10+s5], $0x80, $0x38;
	[tilespmem:$0x1C200] =	vst v63  }
0x25: {  	s29 =	simm.s32 $0x0;
	s30 =	simm.s32 $0x200  }
0x26: {  	[tilespmem:s23], [sflag:$0x4] =	stream.linear.gather [hbm4b:s11+s5], $0x80, $0x38;
	[tilespmem:$0x1C200] =	vst v63  }
.LBB2_2:
0x27: {  	p0 =	sne.s32 s30, $0xFE00;
	[tilespmem:s29+$0x270] =	vst v0  }
0x28: {  	[tilespmem:s29+$0x200] =	vst v0  }
0x29: {  	[tilespmem:s29+$0x210] =	vst v0  }
.Ltmp2:
0x2a: {  	[tilespmem:s29+$0x220] =	vst v0;
	(pc) =	sbr.rel @p0 .LBB2_2-.Ltmp2, $4  }
0x2b: {  	[tilespmem:s29+$0x230] =	vst v0  }
0x2c: {  	[tilespmem:s29+$0x240] =	vst v0  }
0x2d: {  	[tilespmem:s29+$0x250] =	vst v0  }
0x2e: {  	[tilespmem:s29+$0x260] =	vst v0;
	s29 =	sshra.s32 s30, $0x2;
	s30 =	sadd.s32 $0x200, s30  }
0x2f: {  	[tilespmem:s29+$0x270] =	vst v0  }
0x30: {  	[tilespmem:s29+$0x200] =	vst v0  }
0x31: {  	[tilespmem:s29+$0x210] =	vst v0  }
0x32: {  	[tilespmem:s29+$0x220] =	vst v0  }
0x33: {  	[tilespmem:s29+$0x230] =	vst v0  }
0x34: {  	[tilespmem:s29+$0x240] =	vst v0  }
0x35: {  	[tilespmem:s29+$0x250] =	vst v0  }
0x36: {  	[tilespmem:s29+$0x260] =	vst v0  }
0x37: {  	[spmem:s12] =	stream.linear.scatter [tilespmem:s24], [sflag:$0x5], $0x4000, $0x38;
	[tilespmem:$0x1C200] =	vst v63  }
0x38: {  	_ =	swait.ge [sflag:s19], $0x4000  }
0x39: {  	[sflag:s19] =	ssyncset.done $0x0  }
0x3a: {  	[sflag:s19] =	ssyncadd.s32 $0xFFFFC000  }
0x3b: {  	[spmem:s13] =	stream.linear.scatter [tilespmem:s24], [sflag:$0x5], $0x4000, $0x38;
	[tilespmem:$0x1C200] =	vst v63  }
0x3c: {  	_ =	swait.ge [sflag:s19], $0x4000  }
0x3d: {  	[sflag:s19] =	ssyncset.done $0x0  }
0x3e: {  	[sflag:s19] =	ssyncadd.s32 $0xFFFFC000  }
0x3f: {  	[spmem:s14] =	stream.linear.scatter [tilespmem:s24], [sflag:$0x5], $0x4000, $0x38;
	[tilespmem:$0x1C200] =	vst v63  }
0x40: {  	_ =	swait.ge [sflag:s19], $0x4000  }
0x41: {  	[sflag:s19] =	ssyncset.done $0x0  }
0x42: {  	[sflag:s19] =	ssyncadd.s32 $0xFFFFC000  }
0x43: {  	[spmem:s15] =	stream.linear.scatter [tilespmem:s24], [sflag:$0x5], $0x4000, $0x38;
	[tilespmem:$0x1C200] =	vst v63  }
0x44: {  	_ =	swait.ge [sflag:s19], $0x4000  }
0x45: {  	[sflag:s19] =	ssyncset.done $0x0  }
0x46: {  	[sflag:s19] =	ssyncadd.s32 $0xFFFFC000  }
0x47: {  	[spmem:s16] =	stream.linear.scatter [tilespmem:s24], [sflag:$0x5], $0x4000, $0x38;
	[tilespmem:$0x1C200] =	vst v63  }
0x48: {  	_ =	swait.ge [sflag:s19], $0x4000  }
0x49: {  	[sflag:s19] =	ssyncset.done $0x0  }
0x4a: {  	[sflag:s19] =	ssyncadd.s32 $0xFFFFC000  }
0x4b: {  	s29 =	simm.s32 $0x180;
	[bflag:$0x0] =	sbarrier.arrive $0xFFFF  }
.LBB2_4:
0x4c: {  	_ =	swait.ge [sflag:s25], $0x80  }
0x4d: {  	[sflag:s25] =	ssyncset.done $0x0  }
0x4e: {  	[sflag:s25] =	ssyncadd.s32 $0xFFFFFF80  }
0x4f: {  	_ =	swait.ge [sflag:s25], $0x80  }
0x50: {  	[sflag:s25] =	ssyncset.done $0x0  }
0x51: {  	[sflag:s25] =	ssyncadd.s32 $0xFFFFFF80  }
0x52: {  	_ =	swait.ge [sflag:s26], $0x4000  }
0x53: {  	[sflag:s26] =	ssyncset.done $0x0  }
0x54: {  	p0 =	seq.s32 s29, $0x2880;
	[sflag:s26] =	ssyncadd.s32 $0xFFFFC000  }
0x55: {  	[tilespmem:s24], [sflag:$0x2] =	stream.indirect.gather [hbm4b:s7+s21], $0x80, s21, s21, $0xb8;
	[tilespmem:$0x1C200] =	vst v63  }
0x56: {  	s30 =	simm.s32 @p0 $0x80;
	s31 =	simm.s32 @p0 $0x100;
	s0 =	simm.s32 @p0 $0x4200  }
0x57: {  	[spmem:s4] =	stream.indirect.scatter.add.f32 @p0 [tilespmem:s0], [sflag:$0x5], $0x80, s31, s30, $0xb8;
	[tilespmem:$0x1C200] =	vst v63  }
0x58: {  	s0 =	simm.s32 @p0 $0x5  }
0x59: {  	_ =	swait.ge @p0 [sflag:s0], $0x4000  }
0x5a: {  	s30 =	sadd.s32 @!p0 $0xFFFFFF80, s29;
	[sflag:s0] =	ssyncset.done @p0 $0x0  }
0x5b: {  	[sflag:s0] =	ssyncadd.s32 @p0 $0xFFFFC000;
	s0 =	sand.u32 @!p0 $0x7C00, s30  }
0x5c: {  	s31 =	simm.s32 @p0 $0x2;
	s30 =	sand.u32 @!p0 $0x300, s30;
	s0 =	sadd.s32 @!p0 s6, s0  }
0x5d: {  	_ =	swait.ge @p0 [sflag:s31], $0x4000;
	s0 =	sor.u32 @!p0 s30, s0  }
0x5e: {  	s3 =	simm.s32 @!p0 $0x100;
	[sflag:s31] =	ssyncset.done @p0 $0x0;
	s0 =	sshrl.u32 @!p0 s0, $0x3  }
0x5f: {  	[sflag:s31] =	ssyncadd.s32 @p0 $0xFFFFC000;
	s31 =	simm.s32 @!p0 $0x0;
	s30 =	sadd.s32 @!p0 s1, s0  }
0x60: {  	[tilespmem:s31], [sflag:$0x3] =	stream.linear.gather @!p0 [hbm4b:s30+s31], $0x80, $0x38;
	[tilespmem:$0x1C200] =	vst v63  }
0x61: {  	s20 =	simm.s32 @!p0 $0x4200;
	s22 =	simm.s32 @!p0 $0x5;
	s30 =	simm.s32 @!p0 $0x80  }
0x62: {  	[spmem:s4] =	stream.indirect.scatter.add.f32 @!p0 [tilespmem:s20], [sflag:$0x5], $0x80, s3, s30, $0xb8;
	[tilespmem:$0x1C200] =	vst v63  }
0x63: {  	_ =	swait.ge @!p0 [sflag:s22], $0x4000  }
0x64: {  	[sflag:s22] =	ssyncset.done @!p0 $0x0  }
0x65: {  	s0 =	sadd.s32 @!p0 s2, s0;
	[sflag:s22] =	ssyncadd.s32 @!p0 $0xFFFFC000  }
0x66: {  	[tilespmem:s3], [sflag:$0x3] =	stream.linear.gather @!p0 [hbm4b:s0+s31], $0x80, $0x38;
	[tilespmem:$0x1C200] =	vst v63  }
0x67: {  	s0 =	simm.s32 @!p0 $0x3  }
0x68: {  	_ =	swait.ge @!p0 [sflag:s0], $0x80  }
0x69: {  	[sflag:s0] =	ssyncset.done @!p0 $0x0  }
0x6a: {  	[sflag:s0] =	ssyncadd.s32 @!p0 $0xFFFFFF80  }
0x6b: {  	_ =	swait.ge @!p0 [sflag:s0], $0x80  }
0x6c: {  	[sflag:s0] =	ssyncset.done @!p0 $0x0  }
0x6d: {  	[sflag:s0] =	ssyncadd.s32 @!p0 $0xFFFFFF80;
	s0 =	simm.s32 @!p0 $0x2  }
0x6e: {  	_ =	swait.ge @!p0 [sflag:s0], $0x4000  }
0x6f: {  	[sflag:s0] =	ssyncset.done @!p0 $0x0  }
0x70: {  	[sflag:s0] =	ssyncadd.s32 @!p0 $0xFFFFC000;
	s0 =	sand.u32 @!p0 $0x7C00, s29  }
0x71: {  	[tilespmem:s20], [sflag:$0x1] =	stream.indirect.gather @!p0 [hbm4b:s7+s30], $0x80, s31, s30, $0xb8;
	[tilespmem:$0x1C200] =	vst v63  }
0x72: {  	s3 =	sand.u32 @!p0 $0x380, s29;
	s0 =	sadd.s32 @!p0 s6, s0  }
0x73: {  	s0 =	sor.u32 @!p0 s3, s0  }
0x74: {  	s0 =	sshrl.u32 @!p0 s0, $0x3  }
0x75: {  	s0 =	sadd.s32 @!p0 s1, s0  }
0x76: {  	[tilespmem:s30], [sflag:$0x4] =	stream.linear.gather @!p0 [hbm4b:s0+s31], $0x80, $0x38;
	[tilespmem:$0x1C200] =	vst v63  }
.Ltmp3:
0x77: {  	_ = 	snop;
	(pc) =	sbr.rel @p0 .LBB2_6-.Ltmp3, $4  }
0x78: {  	[spmem:s4] =	stream.indirect.scatter.add.f32 [tilespmem:s24], [sflag:$0x5], $0x80, s23, s21, $0xb8;
	[tilespmem:$0x1C200] =	vst v63  }
0x79: {  	_ =	swait.ge [sflag:s19], $0x4000  }
0x7a: {  	[sflag:s19] =	ssyncset.done $0x0  }
0x7b: {  	[sflag:s19] =	ssyncadd.s32 $0xFFFFC000  }
0x7c: {  	s0 =	sand.u32 $0x7C00, s29  }
.Ltmp4:
0x7d: {  	s3 =	sand.u32 $0x380, s29;
	s0 =	sadd.s32 s6, s0;
	(pc) =	sbr.rel .LBB2_4-.Ltmp4, $4  }
0x7e: {  	s0 =	sor.u32 s3, s0  }
0x7f: {  	s0 =	sshrl.u32 s0, $0x3  }
0x80: {  	s29 =	sadd.s32 $0x100, s29;
	s0 =	sadd.s32 s2, s0  }
0x81: {  	[tilespmem:s23], [sflag:$0x4] =	stream.linear.gather [hbm4b:s0+s5], $0x80, $0x38;
	[tilespmem:$0x1C200] =	vst v63  }
.LBB2_7:
0x82: {  	_ =	sfence.sel $0x180000  }
0x83: {  	[bflag:$0x0] =	sbarrier.arrive $0xFFFF  }
0x84: {  	_ =	strace $0x90000050  }
0x85: {  	s0 =	stileid.u32;
	[bflag:$0x2] =	sbarrier.arrive $0xFFFF  }
0x86: {  	p0 =	sne.s32 s0, $0x0;
	s0 =	rddreg [dreg:$0x4]  }
0x87: {  	s0 =	sadd.s32 @!p0 $0x100000, s0  }
0x88: {  	[sflag:s0] =	ssyncadd.tile.s32 @!p0 $0x1;
	_ =	shalt  }
.Lfunc_end2:
_tile_overlayer_lowered:
.L_overlay_start_2:
0x89: {  	(tag) =	ssettag $0x2  }
0x8a: {  	s0 =	rddreg [dreg:$0x0];
	s2 =	stileid.u32  }
0x8b: {  	s1 =	rddreg [dreg:$0x1];
	p0 =	sne.s32 s2, $0x0  }
0x8c: {  	s3 =	rddreg [dreg:$0x2];
	[bflag:$0x3] =	sbarrier.arrive $0xFFFF;
	s2 =	simm.s32 @!p0 $0x1C05  }
0x8d: {  	[timem:s3], [sflag:s2] =	dma.local @!p0 [hbm:s0], s1  }
0x8e: {  	s0 =	simm.s32 @!p0 $0x5  }
0x8f: {  	_ =	swait.ge @!p0 [sflag:s0], s1  }
0x90: {  	s1 =	ssub.s32 @!p0 $0x0, s1;
	[sflag:s0] =	ssyncset.done @!p0 $0x0  }
0x91: {  	[sflag:s0] =	ssyncadd.s32 @!p0 s1  }
0x92: {  	[bflag:$0x3] =	sbarrier.arrive $0xFFFF  }
0x93: {  	_ =	shalt  }

</sc_bundles>
